<compile_context>
chip_gen: v7x
topology: tpu7x:2x2x1
jax: 0.10.2.dev20260603
libtpu: 0.0.44.dev20260713+nightly
codegen_flags: <defaults>
</compile_context>

<pallas_src>
import functools

import jax
import jax.numpy as jnp
from jax import lax
from jax.experimental import pallas as pl
from jax.experimental.pallas import tpu as pltpu
from jax.experimental.pallas import tpu_sc as plsc

NUM_CODES = 8192
DIM = 256
KT = 1024
NKT = NUM_CODES // KT
NJ = NKT // 2
CH = 8
NCH = KT // CH
BETA = 0.25


def _lexmin(v1, r1, v2, r2):
    take = (v2 < v1) | ((v2 == v1) & (r2 < r1))
    return jnp.where(take, v2, v1), jnp.where(take, r2, r1)


def _scan(s_ref, tile, tok):
    rv = s_ref[0:CH, :]
    ri = jnp.full((CH, tok), tile * NCH, jnp.int32)
    for i in range(1, NCH):
        s = s_ref[i * CH:(i + 1) * CH, :]
        better = s < rv
        rv = jnp.minimum(rv, s)
        ri = jnp.where(better, tile * NCH + i, ri)
    return rv, ri


def _merge(val_ref, cid_ref, rv, ri):
    better = rv < val_ref[...]
    cid_ref[...] = jnp.where(better, ri, cid_ref[...])
    val_ref[...] = jnp.minimum(val_ref[...], rv)


def _dist_argmin_body(z_ref, e_ref, idx_ref, loss_ref,
                      em2_ref, e2_ref, sa_ref, sb_ref, val_ref, cid_ref,
                      n_batches, n_elem):
    b = pl.program_id(0)
    j = pl.program_id(1)
    tok = z_ref.shape[2]
    jj = jnp.minimum(j, NJ - 1)
    t0 = 2 * jj
    t1 = 2 * jj + 1

    @pl.when((b == 0) & (j < NJ))
    def _():
        e = e_ref[...]
        em2_ref[pl.ds(t0 * KT, 2 * KT), :] = -2.0 * e
        e2_ref[pl.ds(t0 * KT, 2 * KT), :] = jnp.sum(e * e, axis=1,
                                                    keepdims=True)

    zb = z_ref[0]
    ea0 = em2_ref[pl.ds(t0 * KT, KT), :]
    dot0 = lax.dot_general(ea0, zb, (((1,), (0,)), ((), ())),
                           preferred_element_type=jnp.float32)
    sa_ref[...] = dot0 + e2_ref[pl.ds(t0 * KT, KT), :]
    ea1 = em2_ref[pl.ds(t1 * KT, KT), :]
    dot1 = lax.dot_general(ea1, zb, (((1,), (0,)), ((), ())),
                           preferred_element_type=jnp.float32)
    rvb, rib = _scan(sb_ref, 2 * j - 1, tok)
    sb_ref[...] = dot1 + e2_ref[pl.ds(t1 * KT, KT), :]
    rva, ria = _scan(sa_ref, 2 * j, tok)

    @pl.when(j == 0)
    def _():
        val_ref[...] = rva
        cid_ref[...] = ria

    @pl.when(j > 0)
    def _():
        _merge(val_ref, cid_ref, rvb, rib)
        _merge(val_ref, cid_ref, rva, ria)

    @pl.when(j == NJ)
    def _():
        fv = val_ref[...]
        rows = cid_ref[...] * CH + lax.broadcasted_iota(
            jnp.int32, (CH, tok), 0)
        v, r = _lexmin(fv[0:4], rows[0:4], fv[4:8], rows[4:8])
        v, r = _lexmin(v[0:2], r[0:2], v[2:4], r[2:4])
        v, r = _lexmin(v[0:1], r[0:1], v[1:2], r[1:2])
        idx_ref[0] = r
        z2 = jnp.sum(zb * zb, axis=0, keepdims=True)
        partial = jnp.sum(v + z2, keepdims=True)
        prev = jnp.where(b == 0, 0.0, loss_ref[...])
        total = prev + partial
        loss_ref[...] = jnp.where(b == n_batches - 1,
                                  total * (BETA / n_elem), total)


def _dist_argmin(z3, embedding):
    n_b, _, tok = z3.shape
    n_elem = n_b * DIM * tok
    body = functools.partial(_dist_argmin_body, n_batches=n_b, n_elem=n_elem)
    return pl.pallas_call(
        body,
        grid=(n_b, NJ + 1),
        in_specs=[
            pl.BlockSpec((1, DIM, tok), lambda b, j: (b, 0, 0)),
            pl.BlockSpec((2 * KT, DIM),
                         lambda b, j: (jnp.where(b == 0,
                                                 jnp.minimum(j, NJ - 1),
                                                 NJ - 1), 0)),
        ],
        out_specs=[
            pl.BlockSpec((1, 1, tok), lambda b, j: (b, 0, 0)),
            pl.BlockSpec((1, 1), lambda b, j: (0, 0)),
        ],
        out_shape=[
            jax.ShapeDtypeStruct((n_b, 1, tok), jnp.int32),
            jax.ShapeDtypeStruct((1, 1), jnp.float32),
        ],
        scratch_shapes=[
            pltpu.VMEM((NUM_CODES, DIM), jnp.float32),
            pltpu.VMEM((NUM_CODES, 1), jnp.float32),
            pltpu.VMEM((KT, tok), jnp.float32),
            pltpu.VMEM((KT, tok), jnp.float32),
            pltpu.VMEM((CH, tok), jnp.float32),
            pltpu.VMEM((CH, tok), jnp.int32),
        ],
    )(z3, embedding)


def _sc_gather(indices, table):
    n = indices.shape[0]
    info = plsc.get_sparse_core_info()
    nw = info.num_cores * info.num_subcores
    per_w = n // nw
    mesh = plsc.VectorSubcoreMesh(core_axis_name="c", subcore_axis_name="s")

    @functools.partial(
        pl.kernel,
        mesh=mesh,
        out_type=jax.ShapeDtypeStruct((n, DIM), jnp.float32),
        scratch_types=[
            pltpu.VMEM((per_w,), jnp.int32),
            pltpu.VMEM((per_w, DIM), jnp.float32),
            pltpu.SemaphoreType.DMA,
        ],
    )
    def gather_kernel(idx_hbm, table_hbm, out_hbm, idx_v, rows_v, sem):
        wid = lax.axis_index("s") * info.num_cores + lax.axis_index("c")
        base = wid * per_w
        pltpu.sync_copy(idx_hbm.at[pl.ds(base, per_w)], idx_v)
        pltpu.async_copy(table_hbm.at[idx_v], rows_v, sem).wait()
        pltpu.sync_copy(rows_v, out_hbm.at[pl.ds(base, per_w)])

    return gather_kernel(indices, table)


def kernel(z, embedding, ema_cluster_size, ema_embedding):
    del ema_cluster_size, ema_embedding
    b, d, h, w = z.shape
    tok = h * w
    z3 = z.reshape(b, d, tok)
    idx3, loss = _dist_argmin(z3, embedding)
    indices = idx3.reshape(b * tok)
    q_flat = _sc_gather(indices, embedding)
    quantized = jnp.transpose(q_flat.reshape(b, h, w, d), (0, 3, 1, 2))
    return (quantized, loss[0, 0], indices)

# --- scband reference (transcript-rebuilt; emitter-appended) ---
"""Pipeline reference for scband-vector-quantizer-ema-15899968930265 (READ-ONLY COPY).

The authoritative reference and input builder live on the scoring server;
editing this copy changes nothing except your own understanding.
"""

import jax, jax.numpy as jnp
import numpy as np

NUM_EMBEDDINGS = 8192
EMBEDDING_DIM = 256
BETA = 0.25
DECAY = 0.99
EPSILON = 1e-05


def setup_inputs(seed: int = 0) -> dict:
    key = jax.random.key(seed)
    k1, k2 = jax.random.split(key)
    z = jax.random.normal(k1, (8, 256, 32, 32), dtype=jnp.float32)
    embedding = jax.random.normal(k2, (NUM_EMBEDDINGS, EMBEDDING_DIM), dtype=jnp.float32)
    ema_cluster_size = jnp.zeros((NUM_EMBEDDINGS,), dtype=jnp.float32)
    ema_embedding = embedding
    return {"z": z, "embedding": embedding, "ema_cluster_size": ema_cluster_size, "ema_embedding": ema_embedding}


def reference(z, embedding, ema_cluster_size, ema_embedding):
    B, D, H, W = z.shape
    z_flat = jnp.transpose(z, (0, 2, 3, 1)).reshape(-1, D)
    dist = (jnp.sum(z_flat ** 2, axis=1, keepdims=True)
            - 2.0 * (z_flat @ embedding.T)
            + jnp.sum(embedding ** 2, axis=1))
    encoding_indices = jnp.argmin(dist, axis=1)
    encodings = jax.nn.one_hot(encoding_indices, NUM_EMBEDDINGS, dtype=z_flat.dtype)
    quantized = encodings @ embedding
    quantized = jnp.transpose(quantized.reshape(B, H, W, D), (0, 3, 1, 2))
    # EMA buffer update (side effect in the torch module; outputs unaffected)
    new_cluster_size = DECAY * ema_cluster_size + (1.0 - DECAY) * jnp.sum(encodings, axis=0)
    dw = encodings.T @ z_flat
    new_ema_embedding = DECAY * ema_embedding + (1.0 - DECAY) * dw
    n = jnp.sum(new_cluster_size)
    _ = (new_cluster_size + EPSILON) / (n + NUM_EMBEDDINGS * EPSILON) * n
    _ = new_ema_embedding
    # straight-through estimator
    quantized_st = z + jax.lax.stop_gradient(quantized - z)
    commitment_loss = BETA * jnp.mean((z - jax.lax.stop_gradient(quantized_st)) ** 2)
    return (quantized_st, commitment_loss, encoding_indices)

if __name__ == "__main__":
    import jax
    _d = setup_inputs()
    print(jax.jit(kernel)(*tuple(_d.values())))

</pallas_src>

<mosaic_0001>
#map = affine_map<(d0, d1) -> (0)>
#map1 = affine_map<(d0, d1) -> (0, 0)>
module attributes {stable_mosaic.version = 14 : i64} {
  func.func @gather_kernel(%arg0: i32, %arg1: i32, %arg2: memref<8192xi32, #tpu.memory_space<hbm>>, %arg3: memref<8192x256xf32, #tpu.memory_space<hbm>>, %arg4: memref<8192x256xf32, #tpu.memory_space<hbm>>, %arg5: memref<256xi32, #tpu.memory_space<vmem>>, %arg6: memref<256x256xf32, #tpu.memory_space<vmem>>, %arg7: memref<!tpu.dma_semaphore, #tpu.memory_space<semaphore_mem>>) attributes {dimension_semantics = [#tpu.dimension_semantics<core_parallel>, #tpu.dimension_semantics<subcore_parallel>], iteration_bounds = array<i64: 2, 16>, scalar_prefetch = 0 : i64, scratch_operands = 3 : i64, tpu.core_type = #tpu.core_type<sc_vector_subcore>, window_params = [{transform_indices = #map}, {transform_indices = #map1}, {transform_indices = #map1}]} {
    %mul3A = arith.constant 2 : i32
    %mul3A_0 = arith.muli %arg1, %mul3A : i32
    %add3A = arith.addi %mul3A_0, %arg0 : i32
    %mul3A_1 = arith.constant 256 : i32
    %mul3A_2 = arith.muli %add3A, %mul3A_1 : i32
    "tpu.region"() ({
      %run_scoped3A = tpu.sem_alloc : memref<!tpu.dma_semaphore, #tpu.memory_space<semaphore_mem>>
      %dma_start3A_7 = tpu.memref_slice %arg2[%mul3A_2] : memref<8192xi32, #tpu.memory_space<hbm>> -> memref<256xi32, #tpu.memory_space<hbm>>
      %dma_start3A_8 = tpu.memref_slice %arg2[%mul3A_2] : memref<8192xi32, #tpu.memory_space<hbm>> -> memref<256xi32, #tpu.memory_space<hbm>>
      tpu.enqueue_dma source(%dma_start3A_8 : memref<256xi32, #tpu.memory_space<hbm>>) target(%arg5 : memref<256xi32, #tpu.memory_space<vmem>>) target_semaphore(%run_scoped3A : memref<!tpu.dma_semaphore, #tpu.memory_space<semaphore_mem>>)
      %dma_wait3A_9 = tpu.memref_slice %arg2[%mul3A_2] : memref<8192xi32, #tpu.memory_space<hbm>> -> memref<256xi32, #tpu.memory_space<hbm>>
      %dma_wait3A_10 = tpu.memref_slice %arg2[%mul3A_2] : memref<8192xi32, #tpu.memory_space<hbm>> -> memref<256xi32, #tpu.memory_space<hbm>>
      tpu.wait_dma2 semaphore(%run_scoped3A : memref<!tpu.dma_semaphore, #tpu.memory_space<semaphore_mem>>) src(%dma_wait3A_10 : memref<256xi32, #tpu.memory_space<hbm>>) dst(%arg5 : memref<256xi32, #tpu.memory_space<vmem>>)
      tpu.yield
    }) : () -> ()
    %dma_start3A = arith.constant 0 : i32
    %dma_start3A_3 = arith.constant 0 : i32
    %dma_start3A_4 = tpu.memref_slice %arg3[%dma_start3A, %dma_start3A_3] : memref<8192x256xf32, #tpu.memory_space<hbm>> -> memref<8192x256xf32, #tpu.memory_space<hbm>>
    tpu.enqueue_indirect_dma source(%dma_start3A_4 : memref<8192x256xf32, #tpu.memory_space<hbm>>) target(%arg6 : memref<256x256xf32, #tpu.memory_space<vmem>>) offsets(%arg5 : memref<256xi32, #tpu.memory_space<vmem>>) semaphore(%arg7 : memref<!tpu.dma_semaphore, #tpu.memory_space<semaphore_mem>>)
    %dma_wait3A = arith.constant 0 : i32
    %dma_wait3A_5 = arith.constant 0 : i32
    %dma_wait3A_6 = tpu.memref_slice %arg3[%dma_wait3A, %dma_wait3A_5] : memref<8192x256xf32, #tpu.memory_space<hbm>> -> memref<8192x256xf32, #tpu.memory_space<hbm>>
    tpu.wait_indirect_dma semaphore(%arg7 : memref<!tpu.dma_semaphore, #tpu.memory_space<semaphore_mem>>) src(%dma_wait3A_6 : memref<8192x256xf32, #tpu.memory_space<hbm>>) dst(%arg6 : memref<256x256xf32, #tpu.memory_space<vmem>>)
    "tpu.region"() ({
      %run_scoped3A = tpu.sem_alloc : memref<!tpu.dma_semaphore, #tpu.memory_space<semaphore_mem>>
      %dma_start3A_7 = arith.constant 0 : i32
      %dma_start3A_8 = tpu.memref_slice %arg4[%mul3A_2, %dma_start3A_7] : memref<8192x256xf32, #tpu.memory_space<hbm>> -> memref<256x256xf32, #tpu.memory_space<hbm>>
      %dma_start3A_9 = arith.constant 0 : i32
      %dma_start3A_10 = tpu.memref_slice %arg4[%mul3A_2, %dma_start3A_9] : memref<8192x256xf32, #tpu.memory_space<hbm>> -> memref<256x256xf32, #tpu.memory_space<hbm>>
      tpu.enqueue_dma source(%arg6 : memref<256x256xf32, #tpu.memory_space<vmem>>) target(%dma_start3A_10 : memref<256x256xf32, #tpu.memory_space<hbm>>) target_semaphore(%run_scoped3A : memref<!tpu.dma_semaphore, #tpu.memory_space<semaphore_mem>>)
      %dma_wait3A_11 = arith.constant 0 : i32
      %dma_wait3A_12 = tpu.memref_slice %arg4[%mul3A_2, %dma_wait3A_11] : memref<8192x256xf32, #tpu.memory_space<hbm>> -> memref<256x256xf32, #tpu.memory_space<hbm>>
      %dma_wait3A_13 = arith.constant 0 : i32
      %dma_wait3A_14 = tpu.memref_slice %arg4[%mul3A_2, %dma_wait3A_13] : memref<8192x256xf32, #tpu.memory_space<hbm>> -> memref<256x256xf32, #tpu.memory_space<hbm>>
      tpu.wait_dma2 semaphore(%run_scoped3A : memref<!tpu.dma_semaphore, #tpu.memory_space<semaphore_mem>>) src(%arg6 : memref<256x256xf32, #tpu.memory_space<vmem>>) dst(%dma_wait3A_14 : memref<256x256xf32, #tpu.memory_space<hbm>>)
      tpu.yield
    }) : () -> ()
    return
  }
}

module attributes {stable_mosaic.version = 14 : i64} {
  func.func @_dist_argmin_body(%arg0: i32, %arg1: i32, %arg2: memref<1x256x1024xf32, #tpu.memory_space<vmem>>, %arg3: memref<2048x256xf32, #tpu.memory_space<vmem>>, %arg4: memref<1x1x1024xi32, #tpu.memory_space<vmem>>, %arg5: memref<1x1xf32, #tpu.memory_space<vmem>>, %arg6: memref<8192x256xf32, #tpu.memory_space<vmem>>, %arg7: memref<8192x1xf32, #tpu.memory_space<vmem>>, %arg8: memref<1024x1024xf32, #tpu.memory_space<vmem>>, %arg9: memref<1024x1024xf32, #tpu.memory_space<vmem>>, %arg10: memref<8x1024xf32, #tpu.memory_space<vmem>>, %arg11: memref<8x1024xi32, #tpu.memory_space<vmem>>) attributes {dimension_semantics = [#tpu.dimension_semantics<arbitrary>, #tpu.dimension_semantics<arbitrary>], iteration_bounds = array<i64: 8, 5>, scalar_prefetch = 0 : i64, scratch_operands = 6 : i64, tpu.core_type = #tpu.core_type<tc>, window_params = [{transform_indices = @transform_0, window_bounds = array<i64: 1, 256, 1024>}, {transform_indices = @transform_1, window_bounds = array<i64: 2048, 256>}, {transform_indices = @transform_2, window_bounds = array<i64: 1, 1, 1024>}, {pipeline_mode = #tpu.pipeline_mode<synchronous>, transform_indices = @transform_3, window_bounds = array<i64: 1, 1>}]} {
    %min3A = arith.constant 3 : i32
    %min3A_0 = arith.minsi %arg1, %min3A : i32
    %mul3A = arith.constant 2 : i32
    %mul3A_1 = arith.muli %mul3A, %min3A_0 : i32
    %mul3A_2 = arith.constant 2 : i32
    %mul3A_3 = arith.muli %mul3A_2, %min3A_0 : i32
    %add3A = arith.constant 1 : i32
    %add3A_4 = arith.addi %mul3A_3, %add3A : i32
    %eq3A = arith.constant 0 : i32
    %eq3A_5 = arith.cmpi eq, %arg0, %eq3A : i32
    %lt3A = arith.constant 4 : i32
    %lt3A_6 = arith.cmpi slt, %arg1, %lt3A : i32
    %and3A = arith.andi %eq3A_5, %lt3A_6 : i1
    %convert_element_type3A = arith.extui %and3A : i1 to i32
    %cond3A = arith.constant 0 : i32
    %cond3A_7 = arith.cmpi ne, %convert_element_type3A, %cond3A : i32
    scf.if %cond3A_7 {
      %get3A_2867 = arith.constant 0 : index
      %get3A_2868 = arith.constant 0 : index
      %get3A_2869 = vector.load %arg3[%get3A_2867, %get3A_2868] : memref<2048x256xf32, #tpu.memory_space<vmem>>, vector<2048x256xf32>
      %mul3A_2870 = arith.constant -2.000000e+00 : f32
      %mul3A_2871 = vector.broadcast %mul3A_2870 : f32 to vector<2048x256xf32>
      %mul3A_2872 = arith.mulf %mul3A_2871, %get3A_2869 : vector<2048x256xf32>
      %mul3A_2873 = arith.constant 1024 : i32
      %mul3A_2874 = arith.muli %mul3A_1, %mul3A_2873 : i32
      %swap3A_2875 = arith.index_cast %mul3A_2874 : i32 to index
      %swap3A_2876 = arith.constant 0 : index
      %swap3A_2877 = vector.load %arg6[%swap3A_2875, %swap3A_2876] : memref<8192x256xf32, #tpu.memory_space<vmem>>, vector<2048x256xf32>
      tpu.vector_store %arg6[%swap3A_2875, %swap3A_2876], %mul3A_2872 {strides = array<i32>} : memref<8192x256xf32, #tpu.memory_space<vmem>>, vector<2048x256xf32>,
      %mul3A_2878 = arith.mulf %get3A_2869, %get3A_2869 : vector<2048x256xf32>
      %reduce_sum3A = arith.constant dense<0.000000e+00> : vector<2048xf32>
      %reduce_sum3A_2879 = vector.multi_reduction <add>, %mul3A_2878, %reduce_sum3A [1] : vector<2048x256xf32> to vector<2048xf32>
      %broadcast_in_dim3A_2880 = vector.shape_cast %reduce_sum3A_2879 : vector<2048xf32> to vector<2048x1xf32>
      %mul3A_2881 = arith.constant 1024 : i32
      %mul3A_2882 = arith.muli %mul3A_1, %mul3A_2881 : i32
      %swap3A_2883 = arith.index_cast %mul3A_2882 : i32 to index
      %swap3A_2884 = arith.constant 0 : index
      %swap3A_2885 = vector.load %arg7[%swap3A_2883, %swap3A_2884] : memref<8192x1xf32, #tpu.memory_space<vmem>>, vector<2048x1xf32>
      tpu.vector_store %arg7[%swap3A_2883, %swap3A_2884], %broadcast_in_dim3A_2880 {strides = array<i32>} : memref<8192x1xf32, #tpu.memory_space<vmem>>, vector<2048x1xf32>,
    } else {
    }
    %get3A = arith.constant 0 : index
    %get3A_8 = arith.constant 0 : index
    %get3A_9 = arith.constant 0 : index
    %get3A_10 = vector.load %arg2[%get3A, %get3A_8, %get3A_9] : memref<1x256x1024xf32, #tpu.memory_space<vmem>>, vector<1x256x1024xf32>
    %get3A_11 = vector.shape_cast %get3A_10 : vector<1x256x1024xf32> to vector<256x1024xf32>
    %mul3A_12 = arith.constant 1024 : i32
    %mul3A_13 = arith.muli %mul3A_1, %mul3A_12 : i32
    %get3A_14 = arith.index_cast %mul3A_13 : i32 to index
    %get3A_15 = arith.constant 0 : index
    %get3A_16 = vector.load %arg6[%get3A_14, %get3A_15] : memref<8192x256xf32, #tpu.memory_space<vmem>>, vector<1024x256xf32>
    %dot_general3A = arith.constant dense<0.000000e+00> : vector<1024x1024xf32>
    %dot_general3A_17 = tpu.matmul %get3A_16, %get3A_11, %dot_general3A {dimension_numbers = #tpu.dot_dimension_numbers<[1], [0], [0], [1], [0, 0, 1, 1], [], []>, transpose_lhs_hint = false} : vector<1024x256xf32>, vector<256x1024xf32>, vector<1024x1024xf32> -> vector<1024x1024xf32>
    %mul3A_18 = arith.constant 1024 : i32
    %mul3A_19 = arith.muli %mul3A_1, %mul3A_18 : i32
    %get3A_20 = arith.index_cast %mul3A_19 : i32 to index
    %get3A_21 = arith.constant 0 : index
    %get3A_22 = vector.load %arg7[%get3A_20, %get3A_21] : memref<8192x1xf32, #tpu.memory_space<vmem>>, vector<1024x1xf32>
    %add3A_23 = vector.broadcast %get3A_22 : vector<1024x1xf32> to vector<1024x1024xf32>
    %add3A_24 = arith.addf %dot_general3A_17, %add3A_23 : vector<1024x1024xf32>
    %swap3A = arith.constant 0 : index
    %swap3A_25 = arith.constant 0 : index
    %swap3A_26 = vector.load %arg8[%swap3A, %swap3A_25] : memref<1024x1024xf32, #tpu.memory_space<vmem>>, vector<1024x1024xf32>
    tpu.vector_store %arg8[%swap3A, %swap3A_25], %add3A_24 {strides = array<i32>} : memref<1024x1024xf32, #tpu.memory_space<vmem>>, vector<1024x1024xf32>,
    %mul3A_27 = arith.constant 1024 : i32
    %mul3A_28 = arith.muli %add3A_4, %mul3A_27 : i32
    %get3A_29 = arith.index_cast %mul3A_28 : i32 to index
    %get3A_30 = arith.constant 0 : index
    %get3A_31 = vector.load %arg6[%get3A_29, %get3A_30] : memref<8192x256xf32, #tpu.memory_space<vmem>>, vector<1024x256xf32>
    %dot_general3A_32 = arith.constant dense<0.000000e+00> : vector<1024x1024xf32>
    %dot_general3A_33 = tpu.matmul %get3A_31, %get3A_11, %dot_general3A_32 {dimension_numbers = #tpu.dot_dimension_numbers<[1], [0], [0], [1], [0, 0, 1, 1], [], []>, transpose_lhs_hint = false} : vector<1024x256xf32>, vector<256x1024xf32>, vector<1024x1024xf32> -> vector<1024x1024xf32>
    %mul3A_34 = arith.constant 2 : i32
    %mul3A_35 = arith.muli %mul3A_34, %arg1 : i32
    %sub3A = arith.constant 1 : i32
    %sub3A_36 = arith.subi %mul3A_35, %sub3A : i32
    %get3A_37 = arith.constant 0 : index
    %get3A_38 = arith.constant 0 : index
    %get3A_39 = vector.load %arg9[%get3A_37, %get3A_38] : memref<1024x1024xf32, #tpu.memory_space<vmem>>, vector<8x1024xf32>
    %mul3A_40 = arith.constant 128 : i32
    %mul3A_41 = arith.muli %sub3A_36, %mul3A_40 : i32
    %broadcast_in_dim3A = vector.broadcast %mul3A_41 : i32 to vector<8x1024xi32>
    %get3A_42 = arith.constant 8 : index
    %get3A_43 = arith.constant 0 : index
    %get3A_44 = vector.load %arg9[%get3A_42, %get3A_43] : memref<1024x1024xf32, #tpu.memory_space<vmem>>, vector<8x1024xf32>
    %lt3A_45 = arith.cmpf olt, %get3A_44, %get3A_39 : vector<8x1024xf32>
    %min3A_46 = arith.minimumf %get3A_39, %get3A_44 : vector<8x1024xf32>
    %mul3A_47 = arith.constant 128 : i32
    %mul3A_48 = arith.muli %sub3A_36, %mul3A_47 : i32
    %add3A_49 = arith.constant 1 : i32
    %add3A_50 = arith.addi %mul3A_48, %add3A_49 : i32
    %broadcast_in_dim3A_51 = vector.broadcast %add3A_50 : i32 to vector<8x1024xi32>
    %select_n3A = arith.select %lt3A_45, %broadcast_in_dim3A_51, %broadcast_in_dim3A : vector<8x1024xi1>, vector<8x1024xi32>
    %get3A_52 = arith.constant 16 : index
    %get3A_53 = arith.constant 0 : index
    %get3A_54 = vector.load %arg9[%get3A_52, %get3A_53] : memref<1024x1024xf32, #tpu.memory_space<vmem>>, vector<8x1024xf32>
    %lt3A_55 = arith.cmpf olt, %get3A_54, %min3A_46 : vector<8x1024xf32>
    %min3A_56 = arith.minimumf %min3A_46, %get3A_54 : vector<8x1024xf32>
    %mul3A_57 = arith.constant 128 : i32
    %mul3A_58 = arith.muli %sub3A_36, %mul3A_57 : i32
    %add3A_59 = arith.constant 2 : i32
    %add3A_60 = arith.addi %mul3A_58, %add3A_59 : i32
    %broadcast_in_dim3A_61 = vector.broadcast %add3A_60 : i32 to vector<8x1024xi32>
    %select_n3A_62 = arith.select %lt3A_55, %broadcast_in_dim3A_61, %select_n3A : vector<8x1024xi1>, vector<8x1024xi32>
    %get3A_63 = arith.constant 24 : index
    %get3A_64 = arith.constant 0 : index
    %get3A_65 = vector.load %arg9[%get3A_63, %get3A_64] : memref<1024x1024xf32, #tpu.memory_space<vmem>>, vector<8x1024xf32>
    %lt3A_66 = arith.cmpf olt, %get3A_65, %min3A_56 : vector<8x1024xf32>
    %min3A_67 = arith.minimumf %min3A_56, %get3A_65 : vector<8x1024xf32>
    %mul3A_68 = arith.constant 128 : i32
    %mul3A_69 = arith.muli %sub3A_36, %mul3A_68 : i32
    %add3A_70 = arith.constant 3 : i32
    %add3A_71 = arith.addi %mul3A_69, %add3A_70 : i32
    %broadcast_in_dim3A_72 = vector.broadcast %add3A_71 : i32 to vector<8x1024xi32>
    %select_n3A_73 = arith.select %lt3A_66, %broadcast_in_dim3A_72, %select_n3A_62 : vector<8x1024xi1>, vector<8x1024xi32>
    %get3A_74 = arith.constant 32 : index
    %get3A_75 = arith.constant 0 : index
    %get3A_76 = vector.load %arg9[%get3A_74, %get3A_75] : memref<1024x1024xf32, #tpu.memory_space<vmem>>, vector<8x1024xf32>
    %lt3A_77 = arith.cmpf olt, %get3A_76, %min3A_67 : vector<8x1024xf32>
    %min3A_78 = arith.minimumf %min3A_67, %get3A_76 : vector<8x1024xf32>
    %mul3A_79 = arith.constant 128 : i32
    %mul3A_80 = arith.muli %sub3A_36, %mul3A_79 : i32
    %add3A_81 = arith.constant 4 : i32
    %add3A_82 = arith.addi %mul3A_80, %add3A_81 : i32
    %broadcast_in_dim3A_83 = vector.broadcast %add3A_82 : i32 to vector<8x1024xi32>
    %select_n3A_84 = arith.select %lt3A_77, %broadcast_in_dim3A_83, %select_n3A_73 : vector<8x1024xi1>, vector<8x1024xi32>
    %get3A_85 = arith.constant 40 : index
    %get3A_86 = arith.constant 0 : index
    %get3A_87 = vector.load %arg9[%get3A_85, %get3A_86] : memref<1024x1024xf32, #tpu.memory_space<vmem>>, vector<8x1024xf32>
    %lt3A_88 = arith.cmpf olt, %get3A_87, %min3A_78 : vector<8x1024xf32>
    %min3A_89 = arith.minimumf %min3A_78, %get3A_87 : vector<8x1024xf32>
    %mul3A_90 = arith.constant 128 : i32
    %mul3A_91 = arith.muli %sub3A_36, %mul3A_90 : i32
    %add3A_92 = arith.constant 5 : i32
    %add3A_93 = arith.addi %mul3A_91, %add3A_92 : i32
    %broadcast_in_dim3A_94 = vector.broadcast %add3A_93 : i32 to vector<8x1024xi32>
    %select_n3A_95 = arith.select %lt3A_88, %broadcast_in_dim3A_94, %select_n3A_84 : vector<8x1024xi1>, vector<8x1024xi32>
    %get3A_96 = arith.constant 48 : index
    %get3A_97 = arith.constant 0 : index
    %get3A_98 = vector.load %arg9[%get3A_96, %get3A_97] : memref<1024x1024xf32, #tpu.memory_space<vmem>>, vector<8x1024xf32>
    %lt3A_99 = arith.cmpf olt, %get3A_98, %min3A_89 : vector<8x1024xf32>
    %min3A_100 = arith.minimumf %min3A_89, %get3A_98 : vector<8x1024xf32>
    %mul3A_101 = arith.constant 128 : i32
    %mul3A_102 = arith.muli %sub3A_36, %mul3A_101 : i32
    %add3A_103 = arith.constant 6 : i32
    %add3A_104 = arith.addi %mul3A_102, %add3A_103 : i32
    %broadcast_in_dim3A_105 = vector.broadcast %add3A_104 : i32 to vector<8x1024xi32>
    %select_n3A_106 = arith.select %lt3A_99, %broadcast_in_dim3A_105, %select_n3A_95 : vector<8x1024xi1>, vector<8x1024xi32>
    %get3A_107 = arith.constant 56 : index
    %get3A_108 = arith.constant 0 : index
    %get3A_109 = vector.load %arg9[%get3A_107, %get3A_108] : memref<1024x1024xf32, #tpu.memory_space<vmem>>, vector<8x1024xf32>
    %lt3A_110 = arith.cmpf olt, %get3A_109, %min3A_100 : vector<8x1024xf32>
    %min3A_111 = arith.minimumf %min3A_100, %get3A_109 : vector<8x1024xf32>
    %mul3A_112 = arith.constant 128 : i32
    %mul3A_113 = arith.muli %sub3A_36, %mul3A_112 : i32
    %add3A_114 = arith.constant 7 : i32
    %add3A_115 = arith.addi %mul3A_113, %add3A_114 : i32
    %broadcast_in_dim3A_116 = vector.broadcast %add3A_115 : i32 to vector<8x1024xi32>
    %select_n3A_117 = arith.select %lt3A_110, %broadcast_in_dim3A_116, %select_n3A_106 : vector<8x1024xi1>, vector<8x1024xi32>
    %get3A_118 = arith.constant 64 : index
    %get3A_119 = arith.constant 0 : index
    %get3A_120 = vector.load %arg9[%get3A_118, %get3A_119] : memref<1024x1024xf32, #tpu.memory_space<vmem>>, vector<8x1024xf32>
    %lt3A_121 = arith.cmpf olt, %get3A_120, %min3A_111 : vector<8x1024xf32>
    %min3A_122 = arith.minimumf %min3A_111, %get3A_120 : vector<8x1024xf32>
    %mul3A_123 = arith.constant 128 : i32
    %mul3A_124 = arith.muli %sub3A_36, %mul3A_123 : i32
    %add3A_125 = arith.constant 8 : i32
    %add3A_126 = arith.addi %mul3A_124, %add3A_125 : i32
    %broadcast_in_dim3A_127 = vector.broadcast %add3A_126 : i32 to vector<8x1024xi32>
    %select_n3A_128 = arith.select %lt3A_121, %broadcast_in_dim3A_127, %select_n3A_117 : vector<8x1024xi1>, vector<8x1024xi32>
    %get3A_129 = arith.constant 72 : index
    %get3A_130 = arith.constant 0 : index
    %get3A_131 = vector.load %arg9[%get3A_129, %get3A_130] : memref<1024x1024xf32, #tpu.memory_space<vmem>>, vector<8x1024xf32>
    %lt3A_132 = arith.cmpf olt, %get3A_131, %min3A_122 : vector<8x1024xf32>
    %min3A_133 = arith.minimumf %min3A_122, %get3A_131 : vector<8x1024xf32>
    %mul3A_134 = arith.constant 128 : i32
    %mul3A_135 = arith.muli %sub3A_36, %mul3A_134 : i32
    %add3A_136 = arith.constant 9 : i32
    %add3A_137 = arith.addi %mul3A_135, %add3A_136 : i32
    %broadcast_in_dim3A_138 = vector.broadcast %add3A_137 : i32 to vector<8x1024xi32>
    %select_n3A_139 = arith.select %lt3A_132, %broadcast_in_dim3A_138, %select_n3A_128 : vector<8x1024xi1>, vector<8x1024xi32>
    %get3A_140 = arith.constant 80 : index
    %get3A_141 = arith.constant 0 : index
    %get3A_142 = vector.load %arg9[%get3A_140, %get3A_141] : memref<1024x1024xf32, #tpu.memory_space<vmem>>, vector<8x1024xf32>
    %lt3A_143 = arith.cmpf olt, %get3A_142, %min3A_133 : vector<8x1024xf32>
    %min3A_144 = arith.minimumf %min3A_133, %get3A_142 : vector<8x1024xf32>
    %mul3A_145 = arith.constant 128 : i32
    %mul3A_146 = arith.muli %sub3A_36, %mul3A_145 : i32
    %add3A_147 = arith.constant 10 : i32
    %add3A_148 = arith.addi %mul3A_146, %add3A_147 : i32
    %broadcast_in_dim3A_149 = vector.broadcast %add3A_148 : i32 to vector<8x1024xi32>
    %select_n3A_150 = arith.select %lt3A_143, %broadcast_in_dim3A_149, %select_n3A_139 : vector<8x1024xi1>, vector<8x1024xi32>
    %get3A_151 = arith.constant 88 : index
    %get3A_152 = arith.constant 0 : index
    %get3A_153 = vector.load %arg9[%get3A_151, %get3A_152] : memref<1024x1024xf32, #tpu.memory_space<vmem>>, vector<8x1024xf32>
    %lt3A_154 = arith.cmpf olt, %get3A_153, %min3A_144 : vector<8x1024xf32>
    %min3A_155 = arith.minimumf %min3A_144, %get3A_153 : vector<8x1024xf32>
    %mul3A_156 = arith.constant 128 : i32
    %mul3A_157 = arith.muli %sub3A_36, %mul3A_156 : i32
    %add3A_158 = arith.constant 11 : i32
    %add3A_159 = arith.addi %mul3A_157, %add3A_158 : i32
    %broadcast_in_dim3A_160 = vector.broadcast %add3A_159 : i32 to vector<8x1024xi32>
    %select_n3A_161 = arith.select %lt3A_154, %broadcast_in_dim3A_160, %select_n3A_150 : vector<8x1024xi1>, vector<8x1024xi32>
    %get3A_162 = arith.constant 96 : index
    %get3A_163 = arith.constant 0 : index
    %get3A_164 = vector.load %arg9[%get3A_162, %get3A_163] : memref<1024x1024xf32, #tpu.memory_space<vmem>>, vector<8x1024xf32>
    %lt3A_165 = arith.cmpf olt, %get3A_164, %min3A_155 : vector<8x1024xf32>
    %min3A_166 = arith.minimumf %min3A_155, %get3A_164 : vector<8x1024xf32>
    %mul3A_167 = arith.constant 128 : i32
    %mul3A_168 = arith.muli %sub3A_36, %mul3A_167 : i32
    %add3A_169 = arith.constant 12 : i32
    %add3A_170 = arith.addi %mul3A_168, %add3A_169 : i32
    %broadcast_in_dim3A_171 = vector.broadcast %add3A_170 : i32 to vector<8x1024xi32>
    %select_n3A_172 = arith.select %lt3A_165, %broadcast_in_dim3A_171, %select_n3A_161 : vector<8x1024xi1>, vector<8x1024xi32>
    %get3A_173 = arith.constant 104 : index
    %get3A_174 = arith.constant 0 : index
    %get3A_175 = vector.load %arg9[%get3A_173, %get3A_174] : memref<1024x1024xf32, #tpu.memory_space<vmem>>, vector<8x1024xf32>
    %lt3A_176 = arith.cmpf olt, %get3A_175, %min3A_166 : vector<8x1024xf32>
    %min3A_177 = arith.minimumf %min3A_166, %get3A_175 : vector<8x1024xf32>
    %mul3A_178 = arith.constant 128 : i32
    %mul3A_179 = arith.muli %sub3A_36, %mul3A_178 : i32
    %add3A_180 = arith.constant 13 : i32
    %add3A_181 = arith.addi %mul3A_179, %add3A_180 : i32
    %broadcast_in_dim3A_182 = vector.broadcast %add3A_181 : i32 to vector<8x1024xi32>
    %select_n3A_183 = arith.select %lt3A_176, %broadcast_in_dim3A_182, %select_n3A_172 : vector<8x1024xi1>, vector<8x1024xi32>
    %get3A_184 = arith.constant 112 : index
    %get3A_185 = arith.constant 0 : index
    %get3A_186 = vector.load %arg9[%get3A_184, %get3A_185] : memref<1024x1024xf32, #tpu.memory_space<vmem>>, vector<8x1024xf32>
    %lt3A_187 = arith.cmpf olt, %get3A_186, %min3A_177 : vector<8x1024xf32>
    %min3A_188 = arith.minimumf %min3A_177, %get3A_186 : vector<8x1024xf32>
    %mul3A_189 = arith.constant 128 : i32
    %mul3A_190 = arith.muli %sub3A_36, %mul3A_189 : i32
    %add3A_191 = arith.constant 14 : i32
    %add3A_192 = arith.addi %mul3A_190, %add3A_191 : i32
    %broadcast_in_dim3A_193 = vector.broadcast %add3A_192 : i32 to vector<8x1024xi32>
    %select_n3A_194 = arith.select %lt3A_187, %broadcast_in_dim3A_193, %select_n3A_183 : vector<8x1024xi1>, vector<8x1024xi32>
    %get3A_195 = arith.constant 120 : index
    %get3A_196 = arith.constant 0 : index
    %get3A_197 = vector.load %arg9[%get3A_195, %get3A_196] : memref<1024x1024xf32, #tpu.memory_space<vmem>>, vector<8x1024xf32>
    %lt3A_198 = arith.cmpf olt, %get3A_197, %min3A_188 : vector<8x1024xf32>
    %min3A_199 = arith.minimumf %min3A_188, %get3A_197 : vector<8x1024xf32>
    %mul3A_200 = arith.constant 128 : i32
    %mul3A_201 = arith.muli %sub3A_36, %mul3A_200 : i32
    %add3A_202 = arith.constant 15 : i32
    %add3A_203 = arith.addi %mul3A_201, %add3A_202 : i32
    %broadcast_in_dim3A_204 = vector.broadcast %add3A_203 : i32 to vector<8x1024xi32>
    %select_n3A_205 = arith.select %lt3A_198, %broadcast_in_dim3A_204, %select_n3A_194 : vector<8x1024xi1>, vector<8x1024xi32>
    %get3A_206 = arith.constant 128 : index
    %get3A_207 = arith.constant 0 : index
    %get3A_208 = vector.load %arg9[%get3A_206, %get3A_207] : memref<1024x1024xf32, #tpu.memory_space<vmem>>, vector<8x1024xf32>
    %lt3A_209 = arith.cmpf olt, %get3A_208, %min3A_199 : vector<8x1024xf32>
    %min3A_210 = arith.minimumf %min3A_199, %get3A_208 : vector<8x1024xf32>
    %mul3A_211 = arith.constant 128 : i32
    %mul3A_212 = arith.muli %sub3A_36, %mul3A_211 : i32
    %add3A_213 = arith.constant 16 : i32
    %add3A_214 = arith.addi %mul3A_212, %add3A_213 : i32
    %broadcast_in_dim3A_215 = vector.broadcast %add3A_214 : i32 to vector<8x1024xi32>
    %select_n3A_216 = arith.select %lt3A_209, %broadcast_in_dim3A_215, %select_n3A_205 : vector<8x1024xi1>, vector<8x1024xi32>
    %get3A_217 = arith.constant 136 : index
    %get3A_218 = arith.constant 0 : index
    %get3A_219 = vector.load %arg9[%get3A_217, %get3A_218] : memref<1024x1024xf32, #tpu.memory_space<vmem>>, vector<8x1024xf32>
    %lt3A_220 = arith.cmpf olt, %get3A_219, %min3A_210 : vector<8x1024xf32>
    %min3A_221 = arith.minimumf %min3A_210, %get3A_219 : vector<8x1024xf32>
    %mul3A_222 = arith.constant 128 : i32
    %mul3A_223 = arith.muli %sub3A_36, %mul3A_222 : i32
    %add3A_224 = arith.constant 17 : i32
    %add3A_225 = arith.addi %mul3A_223, %add3A_224 : i32
    %broadcast_in_dim3A_226 = vector.broadcast %add3A_225 : i32 to vector<8x1024xi32>
    %select_n3A_227 = arith.select %lt3A_220, %broadcast_in_dim3A_226, %select_n3A_216 : vector<8x1024xi1>, vector<8x1024xi32>
    %get3A_228 = arith.constant 144 : index
    %get3A_229 = arith.constant 0 : index
    %get3A_230 = vector.load %arg9[%get3A_228, %get3A_229] : memref<1024x1024xf32, #tpu.memory_space<vmem>>, vector<8x1024xf32>
    %lt3A_231 = arith.cmpf olt, %get3A_230, %min3A_221 : vector<8x1024xf32>
    %min3A_232 = arith.minimumf %min3A_221, %get3A_230 : vector<8x1024xf32>
    %mul3A_233 = arith.constant 128 : i32
    %mul3A_234 = arith.muli %sub3A_36, %mul3A_233 : i32
    %add3A_235 = arith.constant 18 : i32
    %add3A_236 = arith.addi %mul3A_234, %add3A_235 : i32
    %broadcast_in_dim3A_237 = vector.broadcast %add3A_236 : i32 to vector<8x1024xi32>
    %select_n3A_238 = arith.select %lt3A_231, %broadcast_in_dim3A_237, %select_n3A_227 : vector<8x1024xi1>, vector<8x1024xi32>
    %get3A_239 = arith.constant 152 : index
    %get3A_240 = arith.constant 0 : index
    %get3A_241 = vector.load %arg9[%get3A_239, %get3A_240] : memref<1024x1024xf32, #tpu.memory_space<vmem>>, vector<8x1024xf32>
    %lt3A_242 = arith.cmpf olt, %get3A_241, %min3A_232 : vector<8x1024xf32>
    %min3A_243 = arith.minimumf %min3A_232, %get3A_241 : vector<8x1024xf32>
    %mul3A_244 = arith.constant 128 : i32
    %mul3A_245 = arith.muli %sub3A_36, %mul3A_244 : i32
    %add3A_246 = arith.constant 19 : i32
    %add3A_247 = arith.addi %mul3A_245, %add3A_246 : i32
    %broadcast_in_dim3A_248 = vector.broadcast %add3A_247 : i32 to vector<8x1024xi32>
    %select_n3A_249 = arith.select %lt3A_242, %broadcast_in_dim3A_248, %select_n3A_238 : vector<8x1024xi1>, vector<8x1024xi32>
    %get3A_250 = arith.constant 160 : index
    %get3A_251 = arith.constant 0 : index
    %get3A_252 = vector.load %arg9[%get3A_250, %get3A_251] : memref<1024x1024xf32, #tpu.memory_space<vmem>>, vector<8x1024xf32>
    %lt3A_253 = arith.cmpf olt, %get3A_252, %min3A_243 : vector<8x1024xf32>
    %min3A_254 = arith.minimumf %min3A_243, %get3A_252 : vector<8x1024xf32>
    %mul3A_255 = arith.constant 128 : i32
    %mul3A_256 = arith.muli %sub3A_36, %mul3A_255 : i32
    %add3A_257 = arith.constant 20 : i32
    %add3A_258 = arith.addi %mul3A_256, %add3A_257 : i32
    %broadcast_in_dim3A_259 = vector.broadcast %add3A_258 : i32 to vector<8x1024xi32>
    %select_n3A_260 = arith.select %lt3A_253, %broadcast_in_dim3A_259, %select_n3A_249 : vector<8x1024xi1>, vector<8x1024xi32>
    %get3A_261 = arith.constant 168 : index
    %get3A_262 = arith.constant 0 : index
    %get3A_263 = vector.load %arg9[%get3A_261, %get3A_262] : memref<1024x1024xf32, #tpu.memory_space<vmem>>, vector<8x1024xf32>
    %lt3A_264 = arith.cmpf olt, %get3A_263, %min3A_254 : vector<8x1024xf32>
    %min3A_265 = arith.minimumf %min3A_254, %get3A_263 : vector<8x1024xf32>
    %mul3A_266 = arith.constant 128 : i32
    %mul3A_267 = arith.muli %sub3A_36, %mul3A_266 : i32
    %add3A_268 = arith.constant 21 : i32
    %add3A_269 = arith.addi %mul3A_267, %add3A_268 : i32
    %broadcast_in_dim3A_270 = vector.broadcast %add3A_269 : i32 to vector<8x1024xi32>
    %select_n3A_271 = arith.select %lt3A_264, %broadcast_in_dim3A_270, %select_n3A_260 : vector<8x1024xi1>, vector<8x1024xi32>
    %get3A_272 = arith.constant 176 : index
    %get3A_273 = arith.constant 0 : index
    %get3A_274 = vector.load %arg9[%get3A_272, %get3A_273] : memref<1024x1024xf32, #tpu.memory_space<vmem>>, vector<8x1024xf32>
    %lt3A_275 = arith.cmpf olt, %get3A_274, %min3A_265 : vector<8x1024xf32>
    %min3A_276 = arith.minimumf %min3A_265, %get3A_274 : vector<8x1024xf32>
    %mul3A_277 = arith.constant 128 : i32
    %mul3A_278 = arith.muli %sub3A_36, %mul3A_277 : i32
    %add3A_279 = arith.constant 22 : i32
    %add3A_280 = arith.addi %mul3A_278, %add3A_279 : i32
    %broadcast_in_dim3A_281 = vector.broadcast %add3A_280 : i32 to vector<8x1024xi32>
    %select_n3A_282 = arith.select %lt3A_275, %broadcast_in_dim3A_281, %select_n3A_271 : vector<8x1024xi1>, vector<8x1024xi32>
    %get3A_283 = arith.constant 184 : index
    %get3A_284 = arith.constant 0 : index
    %get3A_285 = vector.load %arg9[%get3A_283, %get3A_284] : memref<1024x1024xf32, #tpu.memory_space<vmem>>, vector<8x1024xf32>
    %lt3A_286 = arith.cmpf olt, %get3A_285, %min3A_276 : vector<8x1024xf32>
    %min3A_287 = arith.minimumf %min3A_276, %get3A_285 : vector<8x1024xf32>
    %mul3A_288 = arith.constant 128 : i32
    %mul3A_289 = arith.muli %sub3A_36, %mul3A_288 : i32
    %add3A_290 = arith.constant 23 : i32
    %add3A_291 = arith.addi %mul3A_289, %add3A_290 : i32
    %broadcast_in_dim3A_292 = vector.broadcast %add3A_291 : i32 to vector<8x1024xi32>
    %select_n3A_293 = arith.select %lt3A_286, %broadcast_in_dim3A_292, %select_n3A_282 : vector<8x1024xi1>, vector<8x1024xi32>
    %get3A_294 = arith.constant 192 : index
    %get3A_295 = arith.constant 0 : index
    %get3A_296 = vector.load %arg9[%get3A_294, %get3A_295] : memref<1024x1024xf32, #tpu.memory_space<vmem>>, vector<8x1024xf32>
    %lt3A_297 = arith.cmpf olt, %get3A_296, %min3A_287 : vector<8x1024xf32>
    %min3A_298 = arith.minimumf %min3A_287, %get3A_296 : vector<8x1024xf32>
    %mul3A_299 = arith.constant 128 : i32
    %mul3A_300 = arith.muli %sub3A_36, %mul3A_299 : i32
    %add3A_301 = arith.constant 24 : i32
    %add3A_302 = arith.addi %mul3A_300, %add3A_301 : i32
    %broadcast_in_dim3A_303 = vector.broadcast %add3A_302 : i32 to vector<8x1024xi32>
    %select_n3A_304 = arith.select %lt3A_297, %broadcast_in_dim3A_303, %select_n3A_293 : vector<8x1024xi1>, vector<8x1024xi32>
    %get3A_305 = arith.constant 200 : index
    %get3A_306 = arith.constant 0 : index
    %get3A_307 = vector.load %arg9[%get3A_305, %get3A_306] : memref<1024x1024xf32, #tpu.memory_space<vmem>>, vector<8x1024xf32>
    %lt3A_308 = arith.cmpf olt, %get3A_307, %min3A_298 : vector<8x1024xf32>
    %min3A_309 = arith.minimumf %min3A_298, %get3A_307 : vector<8x1024xf32>
    %mul3A_310 = arith.constant 128 : i32
    %mul3A_311 = arith.muli %sub3A_36, %mul3A_310 : i32
    %add3A_312 = arith.constant 25 : i32
    %add3A_313 = arith.addi %mul3A_311, %add3A_312 : i32
    %broadcast_in_dim3A_314 = vector.broadcast %add3A_313 : i32 to vector<8x1024xi32>
    %select_n3A_315 = arith.select %lt3A_308, %broadcast_in_dim3A_314, %select_n3A_304 : vector<8x1024xi1>, vector<8x1024xi32>
    %get3A_316 = arith.constant 208 : index
    %get3A_317 = arith.constant 0 : index
    %get3A_318 = vector.load %arg9[%get3A_316, %get3A_317] : memref<1024x1024xf32, #tpu.memory_space<vmem>>, vector<8x1024xf32>
    %lt3A_319 = arith.cmpf olt, %get3A_318, %min3A_309 : vector<8x1024xf32>
    %min3A_320 = arith.minimumf %min3A_309, %get3A_318 : vector<8x1024xf32>
    %mul3A_321 = arith.constant 128 : i32
    %mul3A_322 = arith.muli %sub3A_36, %mul3A_321 : i32
    %add3A_323 = arith.constant 26 : i32
    %add3A_324 = arith.addi %mul3A_322, %add3A_323 : i32
    %broadcast_in_dim3A_325 = vector.broadcast %add3A_324 : i32 to vector<8x1024xi32>
    %select_n3A_326 = arith.select %lt3A_319, %broadcast_in_dim3A_325, %select_n3A_315 : vector<8x1024xi1>, vector<8x1024xi32>
    %get3A_327 = arith.constant 216 : index
    %get3A_328 = arith.constant 0 : index
    %get3A_329 = vector.load %arg9[%get3A_327, %get3A_328] : memref<1024x1024xf32, #tpu.memory_space<vmem>>, vector<8x1024xf32>
    %lt3A_330 = arith.cmpf olt, %get3A_329, %min3A_320 : vector<8x1024xf32>
    %min3A_331 = arith.minimumf %min3A_320, %get3A_329 : vector<8x1024xf32>
    %mul3A_332 = arith.constant 128 : i32
    %mul3A_333 = arith.muli %sub3A_36, %mul3A_332 : i32
    %add3A_334 = arith.constant 27 : i32
    %add3A_335 = arith.addi %mul3A_333, %add3A_334 : i32
    %broadcast_in_dim3A_336 = vector.broadcast %add3A_335 : i32 to vector<8x1024xi32>
    %select_n3A_337 = arith.select %lt3A_330, %broadcast_in_dim3A_336, %select_n3A_326 : vector<8x1024xi1>, vector<8x1024xi32>
    %get3A_338 = arith.constant 224 : index
    %get3A_339 = arith.constant 0 : index
    %get3A_340 = vector.load %arg9[%get3A_338, %get3A_339] : memref<1024x1024xf32, #tpu.memory_space<vmem>>, vector<8x1024xf32>
    %lt3A_341 = arith.cmpf olt, %get3A_340, %min3A_331 : vector<8x1024xf32>
    %min3A_342 = arith.minimumf %min3A_331, %get3A_340 : vector<8x1024xf32>
    %mul3A_343 = arith.constant 128 : i32
    %mul3A_344 = arith.muli %sub3A_36, %mul3A_343 : i32
    %add3A_345 = arith.constant 28 : i32
    %add3A_346 = arith.addi %mul3A_344, %add3A_345 : i32
    %broadcast_in_dim3A_347 = vector.broadcast %add3A_346 : i32 to vector<8x1024xi32>
    %select_n3A_348 = arith.select %lt3A_341, %broadcast_in_dim3A_347, %select_n3A_337 : vector<8x1024xi1>, vector<8x1024xi32>
    %get3A_349 = arith.constant 232 : index
    %get3A_350 = arith.constant 0 : index
    %get3A_351 = vector.load %arg9[%get3A_349, %get3A_350] : memref<1024x1024xf32, #tpu.memory_space<vmem>>, vector<8x1024xf32>
    %lt3A_352 = arith.cmpf olt, %get3A_351, %min3A_342 : vector<8x1024xf32>
    %min3A_353 = arith.minimumf %min3A_342, %get3A_351 : vector<8x1024xf32>
    %mul3A_354 = arith.constant 128 : i32
    %mul3A_355 = arith.muli %sub3A_36, %mul3A_354 : i32
    %add3A_356 = arith.constant 29 : i32
    %add3A_357 = arith.addi %mul3A_355, %add3A_356 : i32
    %broadcast_in_dim3A_358 = vector.broadcast %add3A_357 : i32 to vector<8x1024xi32>
    %select_n3A_359 = arith.select %lt3A_352, %broadcast_in_dim3A_358, %select_n3A_348 : vector<8x1024xi1>, vector<8x1024xi32>
    %get3A_360 = arith.constant 240 : index
    %get3A_361 = arith.constant 0 : index
    %get3A_362 = vector.load %arg9[%get3A_360, %get3A_361] : memref<1024x1024xf32, #tpu.memory_space<vmem>>, vector<8x1024xf32>
    %lt3A_363 = arith.cmpf olt, %get3A_362, %min3A_353 : vector<8x1024xf32>
    %min3A_364 = arith.minimumf %min3A_353, %get3A_362 : vector<8x1024xf32>
    %mul3A_365 = arith.constant 128 : i32
    %mul3A_366 = arith.muli %sub3A_36, %mul3A_365 : i32
    %add3A_367 = arith.constant 30 : i32
    %add3A_368 = arith.addi %mul3A_366, %add3A_367 : i32
    %broadcast_in_dim3A_369 = vector.broadcast %add3A_368 : i32 to vector<8x1024xi32>
    %select_n3A_370 = arith.select %lt3A_363, %broadcast_in_dim3A_369, %select_n3A_359 : vector<8x1024xi1>, vector<8x1024xi32>
    %get3A_371 = arith.constant 248 : index
    %get3A_372 = arith.constant 0 : index
    %get3A_373 = vector.load %arg9[%get3A_371, %get3A_372] : memref<1024x1024xf32, #tpu.memory_space<vmem>>, vector<8x1024xf32>
    %lt3A_374 = arith.cmpf olt, %get3A_373, %min3A_364 : vector<8x1024xf32>
    %min3A_375 = arith.minimumf %min3A_364, %get3A_373 : vector<8x1024xf32>
    %mul3A_376 = arith.constant 128 : i32
    %mul3A_377 = arith.muli %sub3A_36, %mul3A_376 : i32
    %add3A_378 = arith.constant 31 : i32
    %add3A_379 = arith.addi %mul3A_377, %add3A_378 : i32
    %broadcast_in_dim3A_380 = vector.broadcast %add3A_379 : i32 to vector<8x1024xi32>
    %select_n3A_381 = arith.select %lt3A_374, %broadcast_in_dim3A_380, %select_n3A_370 : vector<8x1024xi1>, vector<8x1024xi32>
    %get3A_382 = arith.constant 256 : index
    %get3A_383 = arith.constant 0 : index
    %get3A_384 = vector.load %arg9[%get3A_382, %get3A_383] : memref<1024x1024xf32, #tpu.memory_space<vmem>>, vector<8x1024xf32>
    %lt3A_385 = arith.cmpf olt, %get3A_384, %min3A_375 : vector<8x1024xf32>
    %min3A_386 = arith.minimumf %min3A_375, %get3A_384 : vector<8x1024xf32>
    %mul3A_387 = arith.constant 128 : i32
    %mul3A_388 = arith.muli %sub3A_36, %mul3A_387 : i32
    %add3A_389 = arith.constant 32 : i32
    %add3A_390 = arith.addi %mul3A_388, %add3A_389 : i32
    %broadcast_in_dim3A_391 = vector.broadcast %add3A_390 : i32 to vector<8x1024xi32>
    %select_n3A_392 = arith.select %lt3A_385, %broadcast_in_dim3A_391, %select_n3A_381 : vector<8x1024xi1>, vector<8x1024xi32>
    %get3A_393 = arith.constant 264 : index
    %get3A_394 = arith.constant 0 : index
    %get3A_395 = vector.load %arg9[%get3A_393, %get3A_394] : memref<1024x1024xf32, #tpu.memory_space<vmem>>, vector<8x1024xf32>
    %lt3A_396 = arith.cmpf olt, %get3A_395, %min3A_386 : vector<8x1024xf32>
    %min3A_397 = arith.minimumf %min3A_386, %get3A_395 : vector<8x1024xf32>
    %mul3A_398 = arith.constant 128 : i32
    %mul3A_399 = arith.muli %sub3A_36, %mul3A_398 : i32
    %add3A_400 = arith.constant 33 : i32
    %add3A_401 = arith.addi %mul3A_399, %add3A_400 : i32
    %broadcast_in_dim3A_402 = vector.broadcast %add3A_401 : i32 to vector<8x1024xi32>
    %select_n3A_403 = arith.select %lt3A_396, %broadcast_in_dim3A_402, %select_n3A_392 : vector<8x1024xi1>, vector<8x1024xi32>
    %get3A_404 = arith.constant 272 : index
    %get3A_405 = arith.constant 0 : index
    %get3A_406 = vector.load %arg9[%get3A_404, %get3A_405] : memref<1024x1024xf32, #tpu.memory_space<vmem>>, vector<8x1024xf32>
    %lt3A_407 = arith.cmpf olt, %get3A_406, %min3A_397 : vector<8x1024xf32>
    %min3A_408 = arith.minimumf %min3A_397, %get3A_406 : vector<8x1024xf32>
    %mul3A_409 = arith.constant 128 : i32
    %mul3A_410 = arith.muli %sub3A_36, %mul3A_409 : i32
    %add3A_411 = arith.constant 34 : i32
    %add3A_412 = arith.addi %mul3A_410, %add3A_411 : i32
    %broadcast_in_dim3A_413 = vector.broadcast %add3A_412 : i32 to vector<8x1024xi32>
    %select_n3A_414 = arith.select %lt3A_407, %broadcast_in_dim3A_413, %select_n3A_403 : vector<8x1024xi1>, vector<8x1024xi32>
    %get3A_415 = arith.constant 280 : index
    %get3A_416 = arith.constant 0 : index
    %get3A_417 = vector.load %arg9[%get3A_415, %get3A_416] : memref<1024x1024xf32, #tpu.memory_space<vmem>>, vector<8x1024xf32>
    %lt3A_418 = arith.cmpf olt, %get3A_417, %min3A_408 : vector<8x1024xf32>
    %min3A_419 = arith.minimumf %min3A_408, %get3A_417 : vector<8x1024xf32>
    %mul3A_420 = arith.constant 128 : i32
    %mul3A_421 = arith.muli %sub3A_36, %mul3A_420 : i32
    %add3A_422 = arith.constant 35 : i32
    %add3A_423 = arith.addi %mul3A_421, %add3A_422 : i32
    %broadcast_in_dim3A_424 = vector.broadcast %add3A_423 : i32 to vector<8x1024xi32>
    %select_n3A_425 = arith.select %lt3A_418, %broadcast_in_dim3A_424, %select_n3A_414 : vector<8x1024xi1>, vector<8x1024xi32>
    %get3A_426 = arith.constant 288 : index
    %get3A_427 = arith.constant 0 : index
    %get3A_428 = vector.load %arg9[%get3A_426, %get3A_427] : memref<1024x1024xf32, #tpu.memory_space<vmem>>, vector<8x1024xf32>
    %lt3A_429 = arith.cmpf olt, %get3A_428, %min3A_419 : vector<8x1024xf32>
    %min3A_430 = arith.minimumf %min3A_419, %get3A_428 : vector<8x1024xf32>
    %mul3A_431 = arith.constant 128 : i32
    %mul3A_432 = arith.muli %sub3A_36, %mul3A_431 : i32
    %add3A_433 = arith.constant 36 : i32
    %add3A_434 = arith.addi %mul3A_432, %add3A_433 : i32
    %broadcast_in_dim3A_435 = vector.broadcast %add3A_434 : i32 to vector<8x1024xi32>
    %select_n3A_436 = arith.select %lt3A_429, %broadcast_in_dim3A_435, %select_n3A_425 : vector<8x1024xi1>, vector<8x1024xi32>
    %get3A_437 = arith.constant 296 : index
    %get3A_438 = arith.constant 0 : index
    %get3A_439 = vector.load %arg9[%get3A_437, %get3A_438] : memref<1024x1024xf32, #tpu.memory_space<vmem>>, vector<8x1024xf32>
    %lt3A_440 = arith.cmpf olt, %get3A_439, %min3A_430 : vector<8x1024xf32>
    %min3A_441 = arith.minimumf %min3A_430, %get3A_439 : vector<8x1024xf32>
    %mul3A_442 = arith.constant 128 : i32
    %mul3A_443 = arith.muli %sub3A_36, %mul3A_442 : i32
    %add3A_444 = arith.constant 37 : i32
    %add3A_445 = arith.addi %mul3A_443, %add3A_444 : i32
    %broadcast_in_dim3A_446 = vector.broadcast %add3A_445 : i32 to vector<8x1024xi32>
    %select_n3A_447 = arith.select %lt3A_440, %broadcast_in_dim3A_446, %select_n3A_436 : vector<8x1024xi1>, vector<8x1024xi32>
    %get3A_448 = arith.constant 304 : index
    %get3A_449 = arith.constant 0 : index
    %get3A_450 = vector.load %arg9[%get3A_448, %get3A_449] : memref<1024x1024xf32, #tpu.memory_space<vmem>>, vector<8x1024xf32>
    %lt3A_451 = arith.cmpf olt, %get3A_450, %min3A_441 : vector<8x1024xf32>
    %min3A_452 = arith.minimumf %min3A_441, %get3A_450 : vector<8x1024xf32>
    %mul3A_453 = arith.constant 128 : i32
    %mul3A_454 = arith.muli %sub3A_36, %mul3A_453 : i32
    %add3A_455 = arith.constant 38 : i32
    %add3A_456 = arith.addi %mul3A_454, %add3A_455 : i32
    %broadcast_in_dim3A_457 = vector.broadcast %add3A_456 : i32 to vector<8x1024xi32>
    %select_n3A_458 = arith.select %lt3A_451, %broadcast_in_dim3A_457, %select_n3A_447 : vector<8x1024xi1>, vector<8x1024xi32>
    %get3A_459 = arith.constant 312 : index
    %get3A_460 = arith.constant 0 : index
    %get3A_461 = vector.load %arg9[%get3A_459, %get3A_460] : memref<1024x1024xf32, #tpu.memory_space<vmem>>, vector<8x1024xf32>
    %lt3A_462 = arith.cmpf olt, %get3A_461, %min3A_452 : vector<8x1024xf32>
    %min3A_463 = arith.minimumf %min3A_452, %get3A_461 : vector<8x1024xf32>
    %mul3A_464 = arith.constant 128 : i32
    %mul3A_465 = arith.muli %sub3A_36, %mul3A_464 : i32
    %add3A_466 = arith.constant 39 : i32
    %add3A_467 = arith.addi %mul3A_465, %add3A_466 : i32
    %broadcast_in_dim3A_468 = vector.broadcast %add3A_467 : i32 to vector<8x1024xi32>
    %select_n3A_469 = arith.select %lt3A_462, %broadcast_in_dim3A_468, %select_n3A_458 : vector<8x1024xi1>, vector<8x1024xi32>
    %get3A_470 = arith.constant 320 : index
    %get3A_471 = arith.constant 0 : index
    %get3A_472 = vector.load %arg9[%get3A_470, %get3A_471] : memref<1024x1024xf32, #tpu.memory_space<vmem>>, vector<8x1024xf32>
    %lt3A_473 = arith.cmpf olt, %get3A_472, %min3A_463 : vector<8x1024xf32>
    %min3A_474 = arith.minimumf %min3A_463, %get3A_472 : vector<8x1024xf32>
    %mul3A_475 = arith.constant 128 : i32
    %mul3A_476 = arith.muli %sub3A_36, %mul3A_475 : i32
    %add3A_477 = arith.constant 40 : i32
    %add3A_478 = arith.addi %mul3A_476, %add3A_477 : i32
    %broadcast_in_dim3A_479 = vector.broadcast %add3A_478 : i32 to vector<8x1024xi32>
    %select_n3A_480 = arith.select %lt3A_473, %broadcast_in_dim3A_479, %select_n3A_469 : vector<8x1024xi1>, vector<8x1024xi32>
    %get3A_481 = arith.constant 328 : index
    %get3A_482 = arith.constant 0 : index
    %get3A_483 = vector.load %arg9[%get3A_481, %get3A_482] : memref<1024x1024xf32, #tpu.memory_space<vmem>>, vector<8x1024xf32>
    %lt3A_484 = arith.cmpf olt, %get3A_483, %min3A_474 : vector<8x1024xf32>
    %min3A_485 = arith.minimumf %min3A_474, %get3A_483 : vector<8x1024xf32>
    %mul3A_486 = arith.constant 128 : i32
    %mul3A_487 = arith.muli %sub3A_36, %mul3A_486 : i32
    %add3A_488 = arith.constant 41 : i32
    %add3A_489 = arith.addi %mul3A_487, %add3A_488 : i32
    %broadcast_in_dim3A_490 = vector.broadcast %add3A_489 : i32 to vector<8x1024xi32>
    %select_n3A_491 = arith.select %lt3A_484, %broadcast_in_dim3A_490, %select_n3A_480 : vector<8x1024xi1>, vector<8x1024xi32>
    %get3A_492 = arith.constant 336 : index
    %get3A_493 = arith.constant 0 : index
    %get3A_494 = vector.load %arg9[%get3A_492, %get3A_493] : memref<1024x1024xf32, #tpu.memory_space<vmem>>, vector<8x1024xf32>
    %lt3A_495 = arith.cmpf olt, %get3A_494, %min3A_485 : vector<8x1024xf32>
    %min3A_496 = arith.minimumf %min3A_485, %get3A_494 : vector<8x1024xf32>
    %mul3A_497 = arith.constant 128 : i32
    %mul3A_498 = arith.muli %sub3A_36, %mul3A_497 : i32
    %add3A_499 = arith.constant 42 : i32
    %add3A_500 = arith.addi %mul3A_498, %add3A_499 : i32
    %broadcast_in_dim3A_501 = vector.broadcast %add3A_500 : i32 to vector<8x1024xi32>
    %select_n3A_502 = arith.select %lt3A_495, %broadcast_in_dim3A_501, %select_n3A_491 : vector<8x1024xi1>, vector<8x1024xi32>
    %get3A_503 = arith.constant 344 : index
    %get3A_504 = arith.constant 0 : index
    %get3A_505 = vector.load %arg9[%get3A_503, %get3A_504] : memref<1024x1024xf32, #tpu.memory_space<vmem>>, vector<8x1024xf32>
    %lt3A_506 = arith.cmpf olt, %get3A_505, %min3A_496 : vector<8x1024xf32>
    %min3A_507 = arith.minimumf %min3A_496, %get3A_505 : vector<8x1024xf32>
    %mul3A_508 = arith.constant 128 : i32
    %mul3A_509 = arith.muli %sub3A_36, %mul3A_508 : i32
    %add3A_510 = arith.constant 43 : i32
    %add3A_511 = arith.addi %mul3A_509, %add3A_510 : i32
    %broadcast_in_dim3A_512 = vector.broadcast %add3A_511 : i32 to vector<8x1024xi32>
    %select_n3A_513 = arith.select %lt3A_506, %broadcast_in_dim3A_512, %select_n3A_502 : vector<8x1024xi1>, vector<8x1024xi32>
    %get3A_514 = arith.constant 352 : index
    %get3A_515 = arith.constant 0 : index
    %get3A_516 = vector.load %arg9[%get3A_514, %get3A_515] : memref<1024x1024xf32, #tpu.memory_space<vmem>>, vector<8x1024xf32>
    %lt3A_517 = arith.cmpf olt, %get3A_516, %min3A_507 : vector<8x1024xf32>
    %min3A_518 = arith.minimumf %min3A_507, %get3A_516 : vector<8x1024xf32>
    %mul3A_519 = arith.constant 128 : i32
    %mul3A_520 = arith.muli %sub3A_36, %mul3A_519 : i32
    %add3A_521 = arith.constant 44 : i32
    %add3A_522 = arith.addi %mul3A_520, %add3A_521 : i32
    %broadcast_in_dim3A_523 = vector.broadcast %add3A_522 : i32 to vector<8x1024xi32>
    %select_n3A_524 = arith.select %lt3A_517, %broadcast_in_dim3A_523, %select_n3A_513 : vector<8x1024xi1>, vector<8x1024xi32>
    %get3A_525 = arith.constant 360 : index
    %get3A_526 = arith.constant 0 : index
    %get3A_527 = vector.load %arg9[%get3A_525, %get3A_526] : memref<1024x1024xf32, #tpu.memory_space<vmem>>, vector<8x1024xf32>
    %lt3A_528 = arith.cmpf olt, %get3A_527, %min3A_518 : vector<8x1024xf32>
    %min3A_529 = arith.minimumf %min3A_518, %get3A_527 : vector<8x1024xf32>
    %mul3A_530 = arith.constant 128 : i32
    %mul3A_531 = arith.muli %sub3A_36, %mul3A_530 : i32
    %add3A_532 = arith.constant 45 : i32
    %add3A_533 = arith.addi %mul3A_531, %add3A_532 : i32
    %broadcast_in_dim3A_534 = vector.broadcast %add3A_533 : i32 to vector<8x1024xi32>
    %select_n3A_535 = arith.select %lt3A_528, %broadcast_in_dim3A_534, %select_n3A_524 : vector<8x1024xi1>, vector<8x1024xi32>
    %get3A_536 = arith.constant 368 : index
    %get3A_537 = arith.constant 0 : index
    %get3A_538 = vector.load %arg9[%get3A_536, %get3A_537] : memref<1024x1024xf32, #tpu.memory_space<vmem>>, vector<8x1024xf32>
    %lt3A_539 = arith.cmpf olt, %get3A_538, %min3A_529 : vector<8x1024xf32>
    %min3A_540 = arith.minimumf %min3A_529, %get3A_538 : vector<8x1024xf32>
    %mul3A_541 = arith.constant 128 : i32
    %mul3A_542 = arith.muli %sub3A_36, %mul3A_541 : i32
    %add3A_543 = arith.constant 46 : i32
    %add3A_544 = arith.addi %mul3A_542, %add3A_543 : i32
    %broadcast_in_dim3A_545 = vector.broadcast %add3A_544 : i32 to vector<8x1024xi32>
    %select_n3A_546 = arith.select %lt3A_539, %broadcast_in_dim3A_545, %select_n3A_535 : vector<8x1024xi1>, vector<8x1024xi32>
    %get3A_547 = arith.constant 376 : index
    %get3A_548 = arith.constant 0 : index
    %get3A_549 = vector.load %arg9[%get3A_547, %get3A_548] : memref<1024x1024xf32, #tpu.memory_space<vmem>>, vector<8x1024xf32>
    %lt3A_550 = arith.cmpf olt, %get3A_549, %min3A_540 : vector<8x1024xf32>
    %min3A_551 = arith.minimumf %min3A_540, %get3A_549 : vector<8x1024xf32>
    %mul3A_552 = arith.constant 128 : i32
    %mul3A_553 = arith.muli %sub3A_36, %mul3A_552 : i32
    %add3A_554 = arith.constant 47 : i32
    %add3A_555 = arith.addi %mul3A_553, %add3A_554 : i32
    %broadcast_in_dim3A_556 = vector.broadcast %add3A_555 : i32 to vector<8x1024xi32>
    %select_n3A_557 = arith.select %lt3A_550, %broadcast_in_dim3A_556, %select_n3A_546 : vector<8x1024xi1>, vector<8x1024xi32>
    %get3A_558 = arith.constant 384 : index
    %get3A_559 = arith.constant 0 : index
    %get3A_560 = vector.load %arg9[%get3A_558, %get3A_559] : memref<1024x1024xf32, #tpu.memory_space<vmem>>, vector<8x1024xf32>
    %lt3A_561 = arith.cmpf olt, %get3A_560, %min3A_551 : vector<8x1024xf32>
    %min3A_562 = arith.minimumf %min3A_551, %get3A_560 : vector<8x1024xf32>
    %mul3A_563 = arith.constant 128 : i32
    %mul3A_564 = arith.muli %sub3A_36, %mul3A_563 : i32
    %add3A_565 = arith.constant 48 : i32
    %add3A_566 = arith.addi %mul3A_564, %add3A_565 : i32
    %broadcast_in_dim3A_567 = vector.broadcast %add3A_566 : i32 to vector<8x1024xi32>
    %select_n3A_568 = arith.select %lt3A_561, %broadcast_in_dim3A_567, %select_n3A_557 : vector<8x1024xi1>, vector<8x1024xi32>
    %get3A_569 = arith.constant 392 : index
    %get3A_570 = arith.constant 0 : index
    %get3A_571 = vector.load %arg9[%get3A_569, %get3A_570] : memref<1024x1024xf32, #tpu.memory_space<vmem>>, vector<8x1024xf32>
    %lt3A_572 = arith.cmpf olt, %get3A_571, %min3A_562 : vector<8x1024xf32>
    %min3A_573 = arith.minimumf %min3A_562, %get3A_571 : vector<8x1024xf32>
    %mul3A_574 = arith.constant 128 : i32
    %mul3A_575 = arith.muli %sub3A_36, %mul3A_574 : i32
    %add3A_576 = arith.constant 49 : i32
    %add3A_577 = arith.addi %mul3A_575, %add3A_576 : i32
    %broadcast_in_dim3A_578 = vector.broadcast %add3A_577 : i32 to vector<8x1024xi32>
    %select_n3A_579 = arith.select %lt3A_572, %broadcast_in_dim3A_578, %select_n3A_568 : vector<8x1024xi1>, vector<8x1024xi32>
    %get3A_580 = arith.constant 400 : index
    %get3A_581 = arith.constant 0 : index
    %get3A_582 = vector.load %arg9[%get3A_580, %get3A_581] : memref<1024x1024xf32, #tpu.memory_space<vmem>>, vector<8x1024xf32>
    %lt3A_583 = arith.cmpf olt, %get3A_582, %min3A_573 : vector<8x1024xf32>
    %min3A_584 = arith.minimumf %min3A_573, %get3A_582 : vector<8x1024xf32>
    %mul3A_585 = arith.constant 128 : i32
    %mul3A_586 = arith.muli %sub3A_36, %mul3A_585 : i32
    %add3A_587 = arith.constant 50 : i32
    %add3A_588 = arith.addi %mul3A_586, %add3A_587 : i32
    %broadcast_in_dim3A_589 = vector.broadcast %add3A_588 : i32 to vector<8x1024xi32>
    %select_n3A_590 = arith.select %lt3A_583, %broadcast_in_dim3A_589, %select_n3A_579 : vector<8x1024xi1>, vector<8x1024xi32>
    %get3A_591 = arith.constant 408 : index
    %get3A_592 = arith.constant 0 : index
    %get3A_593 = vector.load %arg9[%get3A_591, %get3A_592] : memref<1024x1024xf32, #tpu.memory_space<vmem>>, vector<8x1024xf32>
    %lt3A_594 = arith.cmpf olt, %get3A_593, %min3A_584 : vector<8x1024xf32>
    %min3A_595 = arith.minimumf %min3A_584, %get3A_593 : vector<8x1024xf32>
    %mul3A_596 = arith.constant 128 : i32
    %mul3A_597 = arith.muli %sub3A_36, %mul3A_596 : i32
    %add3A_598 = arith.constant 51 : i32
    %add3A_599 = arith.addi %mul3A_597, %add3A_598 : i32
    %broadcast_in_dim3A_600 = vector.broadcast %add3A_599 : i32 to vector<8x1024xi32>
    %select_n3A_601 = arith.select %lt3A_594, %broadcast_in_dim3A_600, %select_n3A_590 : vector<8x1024xi1>, vector<8x1024xi32>
    %get3A_602 = arith.constant 416 : index
    %get3A_603 = arith.constant 0 : index
    %get3A_604 = vector.load %arg9[%get3A_602, %get3A_603] : memref<1024x1024xf32, #tpu.memory_space<vmem>>, vector<8x1024xf32>
    %lt3A_605 = arith.cmpf olt, %get3A_604, %min3A_595 : vector<8x1024xf32>
    %min3A_606 = arith.minimumf %min3A_595, %get3A_604 : vector<8x1024xf32>
    %mul3A_607 = arith.constant 128 : i32
    %mul3A_608 = arith.muli %sub3A_36, %mul3A_607 : i32
    %add3A_609 = arith.constant 52 : i32
    %add3A_610 = arith.addi %mul3A_608, %add3A_609 : i32
    %broadcast_in_dim3A_611 = vector.broadcast %add3A_610 : i32 to vector<8x1024xi32>
    %select_n3A_612 = arith.select %lt3A_605, %broadcast_in_dim3A_611, %select_n3A_601 : vector<8x1024xi1>, vector<8x1024xi32>
    %get3A_613 = arith.constant 424 : index
    %get3A_614 = arith.constant 0 : index
    %get3A_615 = vector.load %arg9[%get3A_613, %get3A_614] : memref<1024x1024xf32, #tpu.memory_space<vmem>>, vector<8x1024xf32>
    %lt3A_616 = arith.cmpf olt, %get3A_615, %min3A_606 : vector<8x1024xf32>
    %min3A_617 = arith.minimumf %min3A_606, %get3A_615 : vector<8x1024xf32>
    %mul3A_618 = arith.constant 128 : i32
    %mul3A_619 = arith.muli %sub3A_36, %mul3A_618 : i32
    %add3A_620 = arith.constant 53 : i32
    %add3A_621 = arith.addi %mul3A_619, %add3A_620 : i32
    %broadcast_in_dim3A_622 = vector.broadcast %add3A_621 : i32 to vector<8x1024xi32>
    %select_n3A_623 = arith.select %lt3A_616, %broadcast_in_dim3A_622, %select_n3A_612 : vector<8x1024xi1>, vector<8x1024xi32>
    %get3A_624 = arith.constant 432 : index
    %get3A_625 = arith.constant 0 : index
    %get3A_626 = vector.load %arg9[%get3A_624, %get3A_625] : memref<1024x1024xf32, #tpu.memory_space<vmem>>, vector<8x1024xf32>
    %lt3A_627 = arith.cmpf olt, %get3A_626, %min3A_617 : vector<8x1024xf32>
    %min3A_628 = arith.minimumf %min3A_617, %get3A_626 : vector<8x1024xf32>
    %mul3A_629 = arith.constant 128 : i32
    %mul3A_630 = arith.muli %sub3A_36, %mul3A_629 : i32
    %add3A_631 = arith.constant 54 : i32
    %add3A_632 = arith.addi %mul3A_630, %add3A_631 : i32
    %broadcast_in_dim3A_633 = vector.broadcast %add3A_632 : i32 to vector<8x1024xi32>
    %select_n3A_634 = arith.select %lt3A_627, %broadcast_in_dim3A_633, %select_n3A_623 : vector<8x1024xi1>, vector<8x1024xi32>
    %get3A_635 = arith.constant 440 : index
    %get3A_636 = arith.constant 0 : index
    %get3A_637 = vector.load %arg9[%get3A_635, %get3A_636] : memref<1024x1024xf32, #tpu.memory_space<vmem>>, vector<8x1024xf32>
    %lt3A_638 = arith.cmpf olt, %get3A_637, %min3A_628 : vector<8x1024xf32>
    %min3A_639 = arith.minimumf %min3A_628, %get3A_637 : vector<8x1024xf32>
    %mul3A_640 = arith.constant 128 : i32
    %mul3A_641 = arith.muli %sub3A_36, %mul3A_640 : i32
    %add3A_642 = arith.constant 55 : i32
    %add3A_643 = arith.addi %mul3A_641, %add3A_642 : i32
    %broadcast_in_dim3A_644 = vector.broadcast %add3A_643 : i32 to vector<8x1024xi32>
    %select_n3A_645 = arith.select %lt3A_638, %broadcast_in_dim3A_644, %select_n3A_634 : vector<8x1024xi1>, vector<8x1024xi32>
    %get3A_646 = arith.constant 448 : index
    %get3A_647 = arith.constant 0 : index
    %get3A_648 = vector.load %arg9[%get3A_646, %get3A_647] : memref<1024x1024xf32, #tpu.memory_space<vmem>>, vector<8x1024xf32>
    %lt3A_649 = arith.cmpf olt, %get3A_648, %min3A_639 : vector<8x1024xf32>
    %min3A_650 = arith.minimumf %min3A_639, %get3A_648 : vector<8x1024xf32>
    %mul3A_651 = arith.constant 128 : i32
    %mul3A_652 = arith.muli %sub3A_36, %mul3A_651 : i32
    %add3A_653 = arith.constant 56 : i32
    %add3A_654 = arith.addi %mul3A_652, %add3A_653 : i32
    %broadcast_in_dim3A_655 = vector.broadcast %add3A_654 : i32 to vector<8x1024xi32>
    %select_n3A_656 = arith.select %lt3A_649, %broadcast_in_dim3A_655, %select_n3A_645 : vector<8x1024xi1>, vector<8x1024xi32>
    %get3A_657 = arith.constant 456 : index
    %get3A_658 = arith.constant 0 : index
    %get3A_659 = vector.load %arg9[%get3A_657, %get3A_658] : memref<1024x1024xf32, #tpu.memory_space<vmem>>, vector<8x1024xf32>
    %lt3A_660 = arith.cmpf olt, %get3A_659, %min3A_650 : vector<8x1024xf32>
    %min3A_661 = arith.minimumf %min3A_650, %get3A_659 : vector<8x1024xf32>
    %mul3A_662 = arith.constant 128 : i32
    %mul3A_663 = arith.muli %sub3A_36, %mul3A_662 : i32
    %add3A_664 = arith.constant 57 : i32
    %add3A_665 = arith.addi %mul3A_663, %add3A_664 : i32
    %broadcast_in_dim3A_666 = vector.broadcast %add3A_665 : i32 to vector<8x1024xi32>
    %select_n3A_667 = arith.select %lt3A_660, %broadcast_in_dim3A_666, %select_n3A_656 : vector<8x1024xi1>, vector<8x1024xi32>
    %get3A_668 = arith.constant 464 : index
    %get3A_669 = arith.constant 0 : index
    %get3A_670 = vector.load %arg9[%get3A_668, %get3A_669] : memref<1024x1024xf32, #tpu.memory_space<vmem>>, vector<8x1024xf32>
    %lt3A_671 = arith.cmpf olt, %get3A_670, %min3A_661 : vector<8x1024xf32>
    %min3A_672 = arith.minimumf %min3A_661, %get3A_670 : vector<8x1024xf32>
    %mul3A_673 = arith.constant 128 : i32
    %mul3A_674 = arith.muli %sub3A_36, %mul3A_673 : i32
    %add3A_675 = arith.constant 58 : i32
    %add3A_676 = arith.addi %mul3A_674, %add3A_675 : i32
    %broadcast_in_dim3A_677 = vector.broadcast %add3A_676 : i32 to vector<8x1024xi32>
    %select_n3A_678 = arith.select %lt3A_671, %broadcast_in_dim3A_677, %select_n3A_667 : vector<8x1024xi1>, vector<8x1024xi32>
    %get3A_679 = arith.constant 472 : index
    %get3A_680 = arith.constant 0 : index
    %get3A_681 = vector.load %arg9[%get3A_679, %get3A_680] : memref<1024x1024xf32, #tpu.memory_space<vmem>>, vector<8x1024xf32>
    %lt3A_682 = arith.cmpf olt, %get3A_681, %min3A_672 : vector<8x1024xf32>
    %min3A_683 = arith.minimumf %min3A_672, %get3A_681 : vector<8x1024xf32>
    %mul3A_684 = arith.constant 128 : i32
    %mul3A_685 = arith.muli %sub3A_36, %mul3A_684 : i32
    %add3A_686 = arith.constant 59 : i32
    %add3A_687 = arith.addi %mul3A_685, %add3A_686 : i32
    %broadcast_in_dim3A_688 = vector.broadcast %add3A_687 : i32 to vector<8x1024xi32>
    %select_n3A_689 = arith.select %lt3A_682, %broadcast_in_dim3A_688, %select_n3A_678 : vector<8x1024xi1>, vector<8x1024xi32>
    %get3A_690 = arith.constant 480 : index
    %get3A_691 = arith.constant 0 : index
    %get3A_692 = vector.load %arg9[%get3A_690, %get3A_691] : memref<1024x1024xf32, #tpu.memory_space<vmem>>, vector<8x1024xf32>
    %lt3A_693 = arith.cmpf olt, %get3A_692, %min3A_683 : vector<8x1024xf32>
    %min3A_694 = arith.minimumf %min3A_683, %get3A_692 : vector<8x1024xf32>
    %mul3A_695 = arith.constant 128 : i32
    %mul3A_696 = arith.muli %sub3A_36, %mul3A_695 : i32
    %add3A_697 = arith.constant 60 : i32
    %add3A_698 = arith.addi %mul3A_696, %add3A_697 : i32
    %broadcast_in_dim3A_699 = vector.broadcast %add3A_698 : i32 to vector<8x1024xi32>
    %select_n3A_700 = arith.select %lt3A_693, %broadcast_in_dim3A_699, %select_n3A_689 : vector<8x1024xi1>, vector<8x1024xi32>
    %get3A_701 = arith.constant 488 : index
    %get3A_702 = arith.constant 0 : index
    %get3A_703 = vector.load %arg9[%get3A_701, %get3A_702] : memref<1024x1024xf32, #tpu.memory_space<vmem>>, vector<8x1024xf32>
    %lt3A_704 = arith.cmpf olt, %get3A_703, %min3A_694 : vector<8x1024xf32>
    %min3A_705 = arith.minimumf %min3A_694, %get3A_703 : vector<8x1024xf32>
    %mul3A_706 = arith.constant 128 : i32
    %mul3A_707 = arith.muli %sub3A_36, %mul3A_706 : i32
    %add3A_708 = arith.constant 61 : i32
    %add3A_709 = arith.addi %mul3A_707, %add3A_708 : i32
    %broadcast_in_dim3A_710 = vector.broadcast %add3A_709 : i32 to vector<8x1024xi32>
    %select_n3A_711 = arith.select %lt3A_704, %broadcast_in_dim3A_710, %select_n3A_700 : vector<8x1024xi1>, vector<8x1024xi32>
    %get3A_712 = arith.constant 496 : index
    %get3A_713 = arith.constant 0 : index
    %get3A_714 = vector.load %arg9[%get3A_712, %get3A_713] : memref<1024x1024xf32, #tpu.memory_space<vmem>>, vector<8x1024xf32>
    %lt3A_715 = arith.cmpf olt, %get3A_714, %min3A_705 : vector<8x1024xf32>
    %min3A_716 = arith.minimumf %min3A_705, %get3A_714 : vector<8x1024xf32>
    %mul3A_717 = arith.constant 128 : i32
    %mul3A_718 = arith.muli %sub3A_36, %mul3A_717 : i32
    %add3A_719 = arith.constant 62 : i32
    %add3A_720 = arith.addi %mul3A_718, %add3A_719 : i32
    %broadcast_in_dim3A_721 = vector.broadcast %add3A_720 : i32 to vector<8x1024xi32>
    %select_n3A_722 = arith.select %lt3A_715, %broadcast_in_dim3A_721, %select_n3A_711 : vector<8x1024xi1>, vector<8x1024xi32>
    %get3A_723 = arith.constant 504 : index
    %get3A_724 = arith.constant 0 : index
    %get3A_725 = vector.load %arg9[%get3A_723, %get3A_724] : memref<1024x1024xf32, #tpu.memory_space<vmem>>, vector<8x1024xf32>
    %lt3A_726 = arith.cmpf olt, %get3A_725, %min3A_716 : vector<8x1024xf32>
    %min3A_727 = arith.minimumf %min3A_716, %get3A_725 : vector<8x1024xf32>
    %mul3A_728 = arith.constant 128 : i32
    %mul3A_729 = arith.muli %sub3A_36, %mul3A_728 : i32
    %add3A_730 = arith.constant 63 : i32
    %add3A_731 = arith.addi %mul3A_729, %add3A_730 : i32
    %broadcast_in_dim3A_732 = vector.broadcast %add3A_731 : i32 to vector<8x1024xi32>
    %select_n3A_733 = arith.select %lt3A_726, %broadcast_in_dim3A_732, %select_n3A_722 : vector<8x1024xi1>, vector<8x1024xi32>
    %get3A_734 = arith.constant 512 : index
    %get3A_735 = arith.constant 0 : index
    %get3A_736 = vector.load %arg9[%get3A_734, %get3A_735] : memref<1024x1024xf32, #tpu.memory_space<vmem>>, vector<8x1024xf32>
    %lt3A_737 = arith.cmpf olt, %get3A_736, %min3A_727 : vector<8x1024xf32>
    %min3A_738 = arith.minimumf %min3A_727, %get3A_736 : vector<8x1024xf32>
    %mul3A_739 = arith.constant 128 : i32
    %mul3A_740 = arith.muli %sub3A_36, %mul3A_739 : i32
    %add3A_741 = arith.constant 64 : i32
    %add3A_742 = arith.addi %mul3A_740, %add3A_741 : i32
    %broadcast_in_dim3A_743 = vector.broadcast %add3A_742 : i32 to vector<8x1024xi32>
    %select_n3A_744 = arith.select %lt3A_737, %broadcast_in_dim3A_743, %select_n3A_733 : vector<8x1024xi1>, vector<8x1024xi32>
    %get3A_745 = arith.constant 520 : index
    %get3A_746 = arith.constant 0 : index
    %get3A_747 = vector.load %arg9[%get3A_745, %get3A_746] : memref<1024x1024xf32, #tpu.memory_space<vmem>>, vector<8x1024xf32>
    %lt3A_748 = arith.cmpf olt, %get3A_747, %min3A_738 : vector<8x1024xf32>
    %min3A_749 = arith.minimumf %min3A_738, %get3A_747 : vector<8x1024xf32>
    %mul3A_750 = arith.constant 128 : i32
    %mul3A_751 = arith.muli %sub3A_36, %mul3A_750 : i32
    %add3A_752 = arith.constant 65 : i32
    %add3A_753 = arith.addi %mul3A_751, %add3A_752 : i32
    %broadcast_in_dim3A_754 = vector.broadcast %add3A_753 : i32 to vector<8x1024xi32>
    %select_n3A_755 = arith.select %lt3A_748, %broadcast_in_dim3A_754, %select_n3A_744 : vector<8x1024xi1>, vector<8x1024xi32>
    %get3A_756 = arith.constant 528 : index
    %get3A_757 = arith.constant 0 : index
    %get3A_758 = vector.load %arg9[%get3A_756, %get3A_757] : memref<1024x1024xf32, #tpu.memory_space<vmem>>, vector<8x1024xf32>
    %lt3A_759 = arith.cmpf olt, %get3A_758, %min3A_749 : vector<8x1024xf32>
    %min3A_760 = arith.minimumf %min3A_749, %get3A_758 : vector<8x1024xf32>
    %mul3A_761 = arith.constant 128 : i32
    %mul3A_762 = arith.muli %sub3A_36, %mul3A_761 : i32
    %add3A_763 = arith.constant 66 : i32
    %add3A_764 = arith.addi %mul3A_762, %add3A_763 : i32
    %broadcast_in_dim3A_765 = vector.broadcast %add3A_764 : i32 to vector<8x1024xi32>
    %select_n3A_766 = arith.select %lt3A_759, %broadcast_in_dim3A_765, %select_n3A_755 : vector<8x1024xi1>, vector<8x1024xi32>
    %get3A_767 = arith.constant 536 : index
    %get3A_768 = arith.constant 0 : index
    %get3A_769 = vector.load %arg9[%get3A_767, %get3A_768] : memref<1024x1024xf32, #tpu.memory_space<vmem>>, vector<8x1024xf32>
    %lt3A_770 = arith.cmpf olt, %get3A_769, %min3A_760 : vector<8x1024xf32>
    %min3A_771 = arith.minimumf %min3A_760, %get3A_769 : vector<8x1024xf32>
    %mul3A_772 = arith.constant 128 : i32
    %mul3A_773 = arith.muli %sub3A_36, %mul3A_772 : i32
    %add3A_774 = arith.constant 67 : i32
    %add3A_775 = arith.addi %mul3A_773, %add3A_774 : i32
    %broadcast_in_dim3A_776 = vector.broadcast %add3A_775 : i32 to vector<8x1024xi32>
    %select_n3A_777 = arith.select %lt3A_770, %broadcast_in_dim3A_776, %select_n3A_766 : vector<8x1024xi1>, vector<8x1024xi32>
    %get3A_778 = arith.constant 544 : index
    %get3A_779 = arith.constant 0 : index
    %get3A_780 = vector.load %arg9[%get3A_778, %get3A_779] : memref<1024x1024xf32, #tpu.memory_space<vmem>>, vector<8x1024xf32>
    %lt3A_781 = arith.cmpf olt, %get3A_780, %min3A_771 : vector<8x1024xf32>
    %min3A_782 = arith.minimumf %min3A_771, %get3A_780 : vector<8x1024xf32>
    %mul3A_783 = arith.constant 128 : i32
    %mul3A_784 = arith.muli %sub3A_36, %mul3A_783 : i32
    %add3A_785 = arith.constant 68 : i32
    %add3A_786 = arith.addi %mul3A_784, %add3A_785 : i32
    %broadcast_in_dim3A_787 = vector.broadcast %add3A_786 : i32 to vector<8x1024xi32>
    %select_n3A_788 = arith.select %lt3A_781, %broadcast_in_dim3A_787, %select_n3A_777 : vector<8x1024xi1>, vector<8x1024xi32>
    %get3A_789 = arith.constant 552 : index
    %get3A_790 = arith.constant 0 : index
    %get3A_791 = vector.load %arg9[%get3A_789, %get3A_790] : memref<1024x1024xf32, #tpu.memory_space<vmem>>, vector<8x1024xf32>
    %lt3A_792 = arith.cmpf olt, %get3A_791, %min3A_782 : vector<8x1024xf32>
    %min3A_793 = arith.minimumf %min3A_782, %get3A_791 : vector<8x1024xf32>
    %mul3A_794 = arith.constant 128 : i32
    %mul3A_795 = arith.muli %sub3A_36, %mul3A_794 : i32
    %add3A_796 = arith.constant 69 : i32
    %add3A_797 = arith.addi %mul3A_795, %add3A_796 : i32
    %broadcast_in_dim3A_798 = vector.broadcast %add3A_797 : i32 to vector<8x1024xi32>
    %select_n3A_799 = arith.select %lt3A_792, %broadcast_in_dim3A_798, %select_n3A_788 : vector<8x1024xi1>, vector<8x1024xi32>
    %get3A_800 = arith.constant 560 : index
    %get3A_801 = arith.constant 0 : index
    %get3A_802 = vector.load %arg9[%get3A_800, %get3A_801] : memref<1024x1024xf32, #tpu.memory_space<vmem>>, vector<8x1024xf32>
    %lt3A_803 = arith.cmpf olt, %get3A_802, %min3A_793 : vector<8x1024xf32>
    %min3A_804 = arith.minimumf %min3A_793, %get3A_802 : vector<8x1024xf32>
    %mul3A_805 = arith.constant 128 : i32
    %mul3A_806 = arith.muli %sub3A_36, %mul3A_805 : i32
    %add3A_807 = arith.constant 70 : i32
    %add3A_808 = arith.addi %mul3A_806, %add3A_807 : i32
    %broadcast_in_dim3A_809 = vector.broadcast %add3A_808 : i32 to vector<8x1024xi32>
    %select_n3A_810 = arith.select %lt3A_803, %broadcast_in_dim3A_809, %select_n3A_799 : vector<8x1024xi1>, vector<8x1024xi32>
    %get3A_811 = arith.constant 568 : index
    %get3A_812 = arith.constant 0 : index
    %get3A_813 = vector.load %arg9[%get3A_811, %get3A_812] : memref<1024x1024xf32, #tpu.memory_space<vmem>>, vector<8x1024xf32>
    %lt3A_814 = arith.cmpf olt, %get3A_813, %min3A_804 : vector<8x1024xf32>
    %min3A_815 = arith.minimumf %min3A_804, %get3A_813 : vector<8x1024xf32>
    %mul3A_816 = arith.constant 128 : i32
    %mul3A_817 = arith.muli %sub3A_36, %mul3A_816 : i32
    %add3A_818 = arith.constant 71 : i32
    %add3A_819 = arith.addi %mul3A_817, %add3A_818 : i32
    %broadcast_in_dim3A_820 = vector.broadcast %add3A_819 : i32 to vector<8x1024xi32>
    %select_n3A_821 = arith.select %lt3A_814, %broadcast_in_dim3A_820, %select_n3A_810 : vector<8x1024xi1>, vector<8x1024xi32>
    %get3A_822 = arith.constant 576 : index
    %get3A_823 = arith.constant 0 : index
    %get3A_824 = vector.load %arg9[%get3A_822, %get3A_823] : memref<1024x1024xf32, #tpu.memory_space<vmem>>, vector<8x1024xf32>
    %lt3A_825 = arith.cmpf olt, %get3A_824, %min3A_815 : vector<8x1024xf32>
    %min3A_826 = arith.minimumf %min3A_815, %get3A_824 : vector<8x1024xf32>
    %mul3A_827 = arith.constant 128 : i32
    %mul3A_828 = arith.muli %sub3A_36, %mul3A_827 : i32
    %add3A_829 = arith.constant 72 : i32
    %add3A_830 = arith.addi %mul3A_828, %add3A_829 : i32
    %broadcast_in_dim3A_831 = vector.broadcast %add3A_830 : i32 to vector<8x1024xi32>
    %select_n3A_832 = arith.select %lt3A_825, %broadcast_in_dim3A_831, %select_n3A_821 : vector<8x1024xi1>, vector<8x1024xi32>
    %get3A_833 = arith.constant 584 : index
    %get3A_834 = arith.constant 0 : index
    %get3A_835 = vector.load %arg9[%get3A_833, %get3A_834] : memref<1024x1024xf32, #tpu.memory_space<vmem>>, vector<8x1024xf32>
    %lt3A_836 = arith.cmpf olt, %get3A_835, %min3A_826 : vector<8x1024xf32>
    %min3A_837 = arith.minimumf %min3A_826, %get3A_835 : vector<8x1024xf32>
    %mul3A_838 = arith.constant 128 : i32
    %mul3A_839 = arith.muli %sub3A_36, %mul3A_838 : i32
    %add3A_840 = arith.constant 73 : i32
    %add3A_841 = arith.addi %mul3A_839, %add3A_840 : i32
    %broadcast_in_dim3A_842 = vector.broadcast %add3A_841 : i32 to vector<8x1024xi32>
    %select_n3A_843 = arith.select %lt3A_836, %broadcast_in_dim3A_842, %select_n3A_832 : vector<8x1024xi1>, vector<8x1024xi32>
    %get3A_844 = arith.constant 592 : index
    %get3A_845 = arith.constant 0 : index
    %get3A_846 = vector.load %arg9[%get3A_844, %get3A_845] : memref<1024x1024xf32, #tpu.memory_space<vmem>>, vector<8x1024xf32>
    %lt3A_847 = arith.cmpf olt, %get3A_846, %min3A_837 : vector<8x1024xf32>
    %min3A_848 = arith.minimumf %min3A_837, %get3A_846 : vector<8x1024xf32>
    %mul3A_849 = arith.constant 128 : i32
    %mul3A_850 = arith.muli %sub3A_36, %mul3A_849 : i32
    %add3A_851 = arith.constant 74 : i32
    %add3A_852 = arith.addi %mul3A_850, %add3A_851 : i32
    %broadcast_in_dim3A_853 = vector.broadcast %add3A_852 : i32 to vector<8x1024xi32>
    %select_n3A_854 = arith.select %lt3A_847, %broadcast_in_dim3A_853, %select_n3A_843 : vector<8x1024xi1>, vector<8x1024xi32>
    %get3A_855 = arith.constant 600 : index
    %get3A_856 = arith.constant 0 : index
    %get3A_857 = vector.load %arg9[%get3A_855, %get3A_856] : memref<1024x1024xf32, #tpu.memory_space<vmem>>, vector<8x1024xf32>
    %lt3A_858 = arith.cmpf olt, %get3A_857, %min3A_848 : vector<8x1024xf32>
    %min3A_859 = arith.minimumf %min3A_848, %get3A_857 : vector<8x1024xf32>
    %mul3A_860 = arith.constant 128 : i32
    %mul3A_861 = arith.muli %sub3A_36, %mul3A_860 : i32
    %add3A_862 = arith.constant 75 : i32
    %add3A_863 = arith.addi %mul3A_861, %add3A_862 : i32
    %broadcast_in_dim3A_864 = vector.broadcast %add3A_863 : i32 to vector<8x1024xi32>
    %select_n3A_865 = arith.select %lt3A_858, %broadcast_in_dim3A_864, %select_n3A_854 : vector<8x1024xi1>, vector<8x1024xi32>
    %get3A_866 = arith.constant 608 : index
    %get3A_867 = arith.constant 0 : index
    %get3A_868 = vector.load %arg9[%get3A_866, %get3A_867] : memref<1024x1024xf32, #tpu.memory_space<vmem>>, vector<8x1024xf32>
    %lt3A_869 = arith.cmpf olt, %get3A_868, %min3A_859 : vector<8x1024xf32>
    %min3A_870 = arith.minimumf %min3A_859, %get3A_868 : vector<8x1024xf32>
    %mul3A_871 = arith.constant 128 : i32
    %mul3A_872 = arith.muli %sub3A_36, %mul3A_871 : i32
    %add3A_873 = arith.constant 76 : i32
    %add3A_874 = arith.addi %mul3A_872, %add3A_873 : i32
    %broadcast_in_dim3A_875 = vector.broadcast %add3A_874 : i32 to vector<8x1024xi32>
    %select_n3A_876 = arith.select %lt3A_869, %broadcast_in_dim3A_875, %select_n3A_865 : vector<8x1024xi1>, vector<8x1024xi32>
    %get3A_877 = arith.constant 616 : index
    %get3A_878 = arith.constant 0 : index
    %get3A_879 = vector.load %arg9[%get3A_877, %get3A_878] : memref<1024x1024xf32, #tpu.memory_space<vmem>>, vector<8x1024xf32>
    %lt3A_880 = arith.cmpf olt, %get3A_879, %min3A_870 : vector<8x1024xf32>
    %min3A_881 = arith.minimumf %min3A_870, %get3A_879 : vector<8x1024xf32>
    %mul3A_882 = arith.constant 128 : i32
    %mul3A_883 = arith.muli %sub3A_36, %mul3A_882 : i32
    %add3A_884 = arith.constant 77 : i32
    %add3A_885 = arith.addi %mul3A_883, %add3A_884 : i32
    %broadcast_in_dim3A_886 = vector.broadcast %add3A_885 : i32 to vector<8x1024xi32>
    %select_n3A_887 = arith.select %lt3A_880, %broadcast_in_dim3A_886, %select_n3A_876 : vector<8x1024xi1>, vector<8x1024xi32>
    %get3A_888 = arith.constant 624 : index
    %get3A_889 = arith.constant 0 : index
    %get3A_890 = vector.load %arg9[%get3A_888, %get3A_889] : memref<1024x1024xf32, #tpu.memory_space<vmem>>, vector<8x1024xf32>
    %lt3A_891 = arith.cmpf olt, %get3A_890, %min3A_881 : vector<8x1024xf32>
    %min3A_892 = arith.minimumf %min3A_881, %get3A_890 : vector<8x1024xf32>
    %mul3A_893 = arith.constant 128 : i32
    %mul3A_894 = arith.muli %sub3A_36, %mul3A_893 : i32
    %add3A_895 = arith.constant 78 : i32
    %add3A_896 = arith.addi %mul3A_894, %add3A_895 : i32
    %broadcast_in_dim3A_897 = vector.broadcast %add3A_896 : i32 to vector<8x1024xi32>
    %select_n3A_898 = arith.select %lt3A_891, %broadcast_in_dim3A_897, %select_n3A_887 : vector<8x1024xi1>, vector<8x1024xi32>
    %get3A_899 = arith.constant 632 : index
    %get3A_900 = arith.constant 0 : index
    %get3A_901 = vector.load %arg9[%get3A_899, %get3A_900] : memref<1024x1024xf32, #tpu.memory_space<vmem>>, vector<8x1024xf32>
    %lt3A_902 = arith.cmpf olt, %get3A_901, %min3A_892 : vector<8x1024xf32>
    %min3A_903 = arith.minimumf %min3A_892, %get3A_901 : vector<8x1024xf32>
    %mul3A_904 = arith.constant 128 : i32
    %mul3A_905 = arith.muli %sub3A_36, %mul3A_904 : i32
    %add3A_906 = arith.constant 79 : i32
    %add3A_907 = arith.addi %mul3A_905, %add3A_906 : i32
    %broadcast_in_dim3A_908 = vector.broadcast %add3A_907 : i32 to vector<8x1024xi32>
    %select_n3A_909 = arith.select %lt3A_902, %broadcast_in_dim3A_908, %select_n3A_898 : vector<8x1024xi1>, vector<8x1024xi32>
    %get3A_910 = arith.constant 640 : index
    %get3A_911 = arith.constant 0 : index
    %get3A_912 = vector.load %arg9[%get3A_910, %get3A_911] : memref<1024x1024xf32, #tpu.memory_space<vmem>>, vector<8x1024xf32>
    %lt3A_913 = arith.cmpf olt, %get3A_912, %min3A_903 : vector<8x1024xf32>
    %min3A_914 = arith.minimumf %min3A_903, %get3A_912 : vector<8x1024xf32>
    %mul3A_915 = arith.constant 128 : i32
    %mul3A_916 = arith.muli %sub3A_36, %mul3A_915 : i32
    %add3A_917 = arith.constant 80 : i32
    %add3A_918 = arith.addi %mul3A_916, %add3A_917 : i32
    %broadcast_in_dim3A_919 = vector.broadcast %add3A_918 : i32 to vector<8x1024xi32>
    %select_n3A_920 = arith.select %lt3A_913, %broadcast_in_dim3A_919, %select_n3A_909 : vector<8x1024xi1>, vector<8x1024xi32>
    %get3A_921 = arith.constant 648 : index
    %get3A_922 = arith.constant 0 : index
    %get3A_923 = vector.load %arg9[%get3A_921, %get3A_922] : memref<1024x1024xf32, #tpu.memory_space<vmem>>, vector<8x1024xf32>
    %lt3A_924 = arith.cmpf olt, %get3A_923, %min3A_914 : vector<8x1024xf32>
    %min3A_925 = arith.minimumf %min3A_914, %get3A_923 : vector<8x1024xf32>
    %mul3A_926 = arith.constant 128 : i32
    %mul3A_927 = arith.muli %sub3A_36, %mul3A_926 : i32
    %add3A_928 = arith.constant 81 : i32
    %add3A_929 = arith.addi %mul3A_927, %add3A_928 : i32
    %broadcast_in_dim3A_930 = vector.broadcast %add3A_929 : i32 to vector<8x1024xi32>
    %select_n3A_931 = arith.select %lt3A_924, %broadcast_in_dim3A_930, %select_n3A_920 : vector<8x1024xi1>, vector<8x1024xi32>
    %get3A_932 = arith.constant 656 : index
    %get3A_933 = arith.constant 0 : index
    %get3A_934 = vector.load %arg9[%get3A_932, %get3A_933] : memref<1024x1024xf32, #tpu.memory_space<vmem>>, vector<8x1024xf32>
    %lt3A_935 = arith.cmpf olt, %get3A_934, %min3A_925 : vector<8x1024xf32>
    %min3A_936 = arith.minimumf %min3A_925, %get3A_934 : vector<8x1024xf32>
    %mul3A_937 = arith.constant 128 : i32
    %mul3A_938 = arith.muli %sub3A_36, %mul3A_937 : i32
    %add3A_939 = arith.constant 82 : i32
    %add3A_940 = arith.addi %mul3A_938, %add3A_939 : i32
    %broadcast_in_dim3A_941 = vector.broadcast %add3A_940 : i32 to vector<8x1024xi32>
    %select_n3A_942 = arith.select %lt3A_935, %broadcast_in_dim3A_941, %select_n3A_931 : vector<8x1024xi1>, vector<8x1024xi32>
    %get3A_943 = arith.constant 664 : index
    %get3A_944 = arith.constant 0 : index
    %get3A_945 = vector.load %arg9[%get3A_943, %get3A_944] : memref<1024x1024xf32, #tpu.memory_space<vmem>>, vector<8x1024xf32>
    %lt3A_946 = arith.cmpf olt, %get3A_945, %min3A_936 : vector<8x1024xf32>
    %min3A_947 = arith.minimumf %min3A_936, %get3A_945 : vector<8x1024xf32>
    %mul3A_948 = arith.constant 128 : i32
    %mul3A_949 = arith.muli %sub3A_36, %mul3A_948 : i32
    %add3A_950 = arith.constant 83 : i32
    %add3A_951 = arith.addi %mul3A_949, %add3A_950 : i32
    %broadcast_in_dim3A_952 = vector.broadcast %add3A_951 : i32 to vector<8x1024xi32>
    %select_n3A_953 = arith.select %lt3A_946, %broadcast_in_dim3A_952, %select_n3A_942 : vector<8x1024xi1>, vector<8x1024xi32>
    %get3A_954 = arith.constant 672 : index
    %get3A_955 = arith.constant 0 : index
    %get3A_956 = vector.load %arg9[%get3A_954, %get3A_955] : memref<1024x1024xf32, #tpu.memory_space<vmem>>, vector<8x1024xf32>
    %lt3A_957 = arith.cmpf olt, %get3A_956, %min3A_947 : vector<8x1024xf32>
    %min3A_958 = arith.minimumf %min3A_947, %get3A_956 : vector<8x1024xf32>
    %mul3A_959 = arith.constant 128 : i32
    %mul3A_960 = arith.muli %sub3A_36, %mul3A_959 : i32
    %add3A_961 = arith.constant 84 : i32
    %add3A_962 = arith.addi %mul3A_960, %add3A_961 : i32
    %broadcast_in_dim3A_963 = vector.broadcast %add3A_962 : i32 to vector<8x1024xi32>
    %select_n3A_964 = arith.select %lt3A_957, %broadcast_in_dim3A_963, %select_n3A_953 : vector<8x1024xi1>, vector<8x1024xi32>
    %get3A_965 = arith.constant 680 : index
    %get3A_966 = arith.constant 0 : index
    %get3A_967 = vector.load %arg9[%get3A_965, %get3A_966] : memref<1024x1024xf32, #tpu.memory_space<vmem>>, vector<8x1024xf32>
    %lt3A_968 = arith.cmpf olt, %get3A_967, %min3A_958 : vector<8x1024xf32>
    %min3A_969 = arith.minimumf %min3A_958, %get3A_967 : vector<8x1024xf32>
    %mul3A_970 = arith.constant 128 : i32
    %mul3A_971 = arith.muli %sub3A_36, %mul3A_970 : i32
    %add3A_972 = arith.constant 85 : i32
    %add3A_973 = arith.addi %mul3A_971, %add3A_972 : i32
    %broadcast_in_dim3A_974 = vector.broadcast %add3A_973 : i32 to vector<8x1024xi32>
    %select_n3A_975 = arith.select %lt3A_968, %broadcast_in_dim3A_974, %select_n3A_964 : vector<8x1024xi1>, vector<8x1024xi32>
    %get3A_976 = arith.constant 688 : index
    %get3A_977 = arith.constant 0 : index
    %get3A_978 = vector.load %arg9[%get3A_976, %get3A_977] : memref<1024x1024xf32, #tpu.memory_space<vmem>>, vector<8x1024xf32>
    %lt3A_979 = arith.cmpf olt, %get3A_978, %min3A_969 : vector<8x1024xf32>
    %min3A_980 = arith.minimumf %min3A_969, %get3A_978 : vector<8x1024xf32>
    %mul3A_981 = arith.constant 128 : i32
    %mul3A_982 = arith.muli %sub3A_36, %mul3A_981 : i32
    %add3A_983 = arith.constant 86 : i32
    %add3A_984 = arith.addi %mul3A_982, %add3A_983 : i32
    %broadcast_in_dim3A_985 = vector.broadcast %add3A_984 : i32 to vector<8x1024xi32>
    %select_n3A_986 = arith.select %lt3A_979, %broadcast_in_dim3A_985, %select_n3A_975 : vector<8x1024xi1>, vector<8x1024xi32>
    %get3A_987 = arith.constant 696 : index
    %get3A_988 = arith.constant 0 : index
    %get3A_989 = vector.load %arg9[%get3A_987, %get3A_988] : memref<1024x1024xf32, #tpu.memory_space<vmem>>, vector<8x1024xf32>
    %lt3A_990 = arith.cmpf olt, %get3A_989, %min3A_980 : vector<8x1024xf32>
    %min3A_991 = arith.minimumf %min3A_980, %get3A_989 : vector<8x1024xf32>
    %mul3A_992 = arith.constant 128 : i32
    %mul3A_993 = arith.muli %sub3A_36, %mul3A_992 : i32
    %add3A_994 = arith.constant 87 : i32
    %add3A_995 = arith.addi %mul3A_993, %add3A_994 : i32
    %broadcast_in_dim3A_996 = vector.broadcast %add3A_995 : i32 to vector<8x1024xi32>
    %select_n3A_997 = arith.select %lt3A_990, %broadcast_in_dim3A_996, %select_n3A_986 : vector<8x1024xi1>, vector<8x1024xi32>
    %get3A_998 = arith.constant 704 : index
    %get3A_999 = arith.constant 0 : index
    %get3A_1000 = vector.load %arg9[%get3A_998, %get3A_999] : memref<1024x1024xf32, #tpu.memory_space<vmem>>, vector<8x1024xf32>
    %lt3A_1001 = arith.cmpf olt, %get3A_1000, %min3A_991 : vector<8x1024xf32>
    %min3A_1002 = arith.minimumf %min3A_991, %get3A_1000 : vector<8x1024xf32>
    %mul3A_1003 = arith.constant 128 : i32
    %mul3A_1004 = arith.muli %sub3A_36, %mul3A_1003 : i32
    %add3A_1005 = arith.constant 88 : i32
    %add3A_1006 = arith.addi %mul3A_1004, %add3A_1005 : i32
    %broadcast_in_dim3A_1007 = vector.broadcast %add3A_1006 : i32 to vector<8x1024xi32>
    %select_n3A_1008 = arith.select %lt3A_1001, %broadcast_in_dim3A_1007, %select_n3A_997 : vector<8x1024xi1>, vector<8x1024xi32>
    %get3A_1009 = arith.constant 712 : index
    %get3A_1010 = arith.constant 0 : index
    %get3A_1011 = vector.load %arg9[%get3A_1009, %get3A_1010] : memref<1024x1024xf32, #tpu.memory_space<vmem>>, vector<8x1024xf32>
    %lt3A_1012 = arith.cmpf olt, %get3A_1011, %min3A_1002 : vector<8x1024xf32>
    %min3A_1013 = arith.minimumf %min3A_1002, %get3A_1011 : vector<8x1024xf32>
    %mul3A_1014 = arith.constant 128 : i32
    %mul3A_1015 = arith.muli %sub3A_36, %mul3A_1014 : i32
    %add3A_1016 = arith.constant 89 : i32
    %add3A_1017 = arith.addi %mul3A_1015, %add3A_1016 : i32
    %broadcast_in_dim3A_1018 = vector.broadcast %add3A_1017 : i32 to vector<8x1024xi32>
    %select_n3A_1019 = arith.select %lt3A_1012, %broadcast_in_dim3A_1018, %select_n3A_1008 : vector<8x1024xi1>, vector<8x1024xi32>
    %get3A_1020 = arith.constant 720 : index
    %get3A_1021 = arith.constant 0 : index
    %get3A_1022 = vector.load %arg9[%get3A_1020, %get3A_1021] : memref<1024x1024xf32, #tpu.memory_space<vmem>>, vector<8x1024xf32>
    %lt3A_1023 = arith.cmpf olt, %get3A_1022, %min3A_1013 : vector<8x1024xf32>
    %min3A_1024 = arith.minimumf %min3A_1013, %get3A_1022 : vector<8x1024xf32>
    %mul3A_1025 = arith.constant 128 : i32
    %mul3A_1026 = arith.muli %sub3A_36, %mul3A_1025 : i32
    %add3A_1027 = arith.constant 90 : i32
    %add3A_1028 = arith.addi %mul3A_1026, %add3A_1027 : i32
    %broadcast_in_dim3A_1029 = vector.broadcast %add3A_1028 : i32 to vector<8x1024xi32>
    %select_n3A_1030 = arith.select %lt3A_1023, %broadcast_in_dim3A_1029, %select_n3A_1019 : vector<8x1024xi1>, vector<8x1024xi32>
    %get3A_1031 = arith.constant 728 : index
    %get3A_1032 = arith.constant 0 : index
    %get3A_1033 = vector.load %arg9[%get3A_1031, %get3A_1032] : memref<1024x1024xf32, #tpu.memory_space<vmem>>, vector<8x1024xf32>
    %lt3A_1034 = arith.cmpf olt, %get3A_1033, %min3A_1024 : vector<8x1024xf32>
    %min3A_1035 = arith.minimumf %min3A_1024, %get3A_1033 : vector<8x1024xf32>
    %mul3A_1036 = arith.constant 128 : i32
    %mul3A_1037 = arith.muli %sub3A_36, %mul3A_1036 : i32
    %add3A_1038 = arith.constant 91 : i32
    %add3A_1039 = arith.addi %mul3A_1037, %add3A_1038 : i32
    %broadcast_in_dim3A_1040 = vector.broadcast %add3A_1039 : i32 to vector<8x1024xi32>
    %select_n3A_1041 = arith.select %lt3A_1034, %broadcast_in_dim3A_1040, %select_n3A_1030 : vector<8x1024xi1>, vector<8x1024xi32>
    %get3A_1042 = arith.constant 736 : index
    %get3A_1043 = arith.constant 0 : index
    %get3A_1044 = vector.load %arg9[%get3A_1042, %get3A_1043] : memref<1024x1024xf32, #tpu.memory_space<vmem>>, vector<8x1024xf32>
    %lt3A_1045 = arith.cmpf olt, %get3A_1044, %min3A_1035 : vector<8x1024xf32>
    %min3A_1046 = arith.minimumf %min3A_1035, %get3A_1044 : vector<8x1024xf32>
    %mul3A_1047 = arith.constant 128 : i32
    %mul3A_1048 = arith.muli %sub3A_36, %mul3A_1047 : i32
    %add3A_1049 = arith.constant 92 : i32
    %add3A_1050 = arith.addi %mul3A_1048, %add3A_1049 : i32
    %broadcast_in_dim3A_1051 = vector.broadcast %add3A_1050 : i32 to vector<8x1024xi32>
    %select_n3A_1052 = arith.select %lt3A_1045, %broadcast_in_dim3A_1051, %select_n3A_1041 : vector<8x1024xi1>, vector<8x1024xi32>
    %get3A_1053 = arith.constant 744 : index
    %get3A_1054 = arith.constant 0 : index
    %get3A_1055 = vector.load %arg9[%get3A_1053, %get3A_1054] : memref<1024x1024xf32, #tpu.memory_space<vmem>>, vector<8x1024xf32>
    %lt3A_1056 = arith.cmpf olt, %get3A_1055, %min3A_1046 : vector<8x1024xf32>
    %min3A_1057 = arith.minimumf %min3A_1046, %get3A_1055 : vector<8x1024xf32>
    %mul3A_1058 = arith.constant 128 : i32
    %mul3A_1059 = arith.muli %sub3A_36, %mul3A_1058 : i32
    %add3A_1060 = arith.constant 93 : i32
    %add3A_1061 = arith.addi %mul3A_1059, %add3A_1060 : i32
    %broadcast_in_dim3A_1062 = vector.broadcast %add3A_1061 : i32 to vector<8x1024xi32>
    %select_n3A_1063 = arith.select %lt3A_1056, %broadcast_in_dim3A_1062, %select_n3A_1052 : vector<8x1024xi1>, vector<8x1024xi32>
    %get3A_1064 = arith.constant 752 : index
    %get3A_1065 = arith.constant 0 : index
    %get3A_1066 = vector.load %arg9[%get3A_1064, %get3A_1065] : memref<1024x1024xf32, #tpu.memory_space<vmem>>, vector<8x1024xf32>
    %lt3A_1067 = arith.cmpf olt, %get3A_1066, %min3A_1057 : vector<8x1024xf32>
    %min3A_1068 = arith.minimumf %min3A_1057, %get3A_1066 : vector<8x1024xf32>
    %mul3A_1069 = arith.constant 128 : i32
    %mul3A_1070 = arith.muli %sub3A_36, %mul3A_1069 : i32
    %add3A_1071 = arith.constant 94 : i32
    %add3A_1072 = arith.addi %mul3A_1070, %add3A_1071 : i32
    %broadcast_in_dim3A_1073 = vector.broadcast %add3A_1072 : i32 to vector<8x1024xi32>
    %select_n3A_1074 = arith.select %lt3A_1067, %broadcast_in_dim3A_1073, %select_n3A_1063 : vector<8x1024xi1>, vector<8x1024xi32>
    %get3A_1075 = arith.constant 760 : index
    %get3A_1076 = arith.constant 0 : index
    %get3A_1077 = vector.load %arg9[%get3A_1075, %get3A_1076] : memref<1024x1024xf32, #tpu.memory_space<vmem>>, vector<8x1024xf32>
    %lt3A_1078 = arith.cmpf olt, %get3A_1077, %min3A_1068 : vector<8x1024xf32>
    %min3A_1079 = arith.minimumf %min3A_1068, %get3A_1077 : vector<8x1024xf32>
    %mul3A_1080 = arith.constant 128 : i32
    %mul3A_1081 = arith.muli %sub3A_36, %mul3A_1080 : i32
    %add3A_1082 = arith.constant 95 : i32
    %add3A_1083 = arith.addi %mul3A_1081, %add3A_1082 : i32
    %broadcast_in_dim3A_1084 = vector.broadcast %add3A_1083 : i32 to vector<8x1024xi32>
    %select_n3A_1085 = arith.select %lt3A_1078, %broadcast_in_dim3A_1084, %select_n3A_1074 : vector<8x1024xi1>, vector<8x1024xi32>
    %get3A_1086 = arith.constant 768 : index
    %get3A_1087 = arith.constant 0 : index
    %get3A_1088 = vector.load %arg9[%get3A_1086, %get3A_1087] : memref<1024x1024xf32, #tpu.memory_space<vmem>>, vector<8x1024xf32>
    %lt3A_1089 = arith.cmpf olt, %get3A_1088, %min3A_1079 : vector<8x1024xf32>
    %min3A_1090 = arith.minimumf %min3A_1079, %get3A_1088 : vector<8x1024xf32>
    %mul3A_1091 = arith.constant 128 : i32
    %mul3A_1092 = arith.muli %sub3A_36, %mul3A_1091 : i32
    %add3A_1093 = arith.constant 96 : i32
    %add3A_1094 = arith.addi %mul3A_1092, %add3A_1093 : i32
    %broadcast_in_dim3A_1095 = vector.broadcast %add3A_1094 : i32 to vector<8x1024xi32>
    %select_n3A_1096 = arith.select %lt3A_1089, %broadcast_in_dim3A_1095, %select_n3A_1085 : vector<8x1024xi1>, vector<8x1024xi32>
    %get3A_1097 = arith.constant 776 : index
    %get3A_1098 = arith.constant 0 : index
    %get3A_1099 = vector.load %arg9[%get3A_1097, %get3A_1098] : memref<1024x1024xf32, #tpu.memory_space<vmem>>, vector<8x1024xf32>
    %lt3A_1100 = arith.cmpf olt, %get3A_1099, %min3A_1090 : vector<8x1024xf32>
    %min3A_1101 = arith.minimumf %min3A_1090, %get3A_1099 : vector<8x1024xf32>
    %mul3A_1102 = arith.constant 128 : i32
    %mul3A_1103 = arith.muli %sub3A_36, %mul3A_1102 : i32
    %add3A_1104 = arith.constant 97 : i32
    %add3A_1105 = arith.addi %mul3A_1103, %add3A_1104 : i32
    %broadcast_in_dim3A_1106 = vector.broadcast %add3A_1105 : i32 to vector<8x1024xi32>
    %select_n3A_1107 = arith.select %lt3A_1100, %broadcast_in_dim3A_1106, %select_n3A_1096 : vector<8x1024xi1>, vector<8x1024xi32>
    %get3A_1108 = arith.constant 784 : index
    %get3A_1109 = arith.constant 0 : index
    %get3A_1110 = vector.load %arg9[%get3A_1108, %get3A_1109] : memref<1024x1024xf32, #tpu.memory_space<vmem>>, vector<8x1024xf32>
    %lt3A_1111 = arith.cmpf olt, %get3A_1110, %min3A_1101 : vector<8x1024xf32>
    %min3A_1112 = arith.minimumf %min3A_1101, %get3A_1110 : vector<8x1024xf32>
    %mul3A_1113 = arith.constant 128 : i32
    %mul3A_1114 = arith.muli %sub3A_36, %mul3A_1113 : i32
    %add3A_1115 = arith.constant 98 : i32
    %add3A_1116 = arith.addi %mul3A_1114, %add3A_1115 : i32
    %broadcast_in_dim3A_1117 = vector.broadcast %add3A_1116 : i32 to vector<8x1024xi32>
    %select_n3A_1118 = arith.select %lt3A_1111, %broadcast_in_dim3A_1117, %select_n3A_1107 : vector<8x1024xi1>, vector<8x1024xi32>
    %get3A_1119 = arith.constant 792 : index
    %get3A_1120 = arith.constant 0 : index
    %get3A_1121 = vector.load %arg9[%get3A_1119, %get3A_1120] : memref<1024x1024xf32, #tpu.memory_space<vmem>>, vector<8x1024xf32>
    %lt3A_1122 = arith.cmpf olt, %get3A_1121, %min3A_1112 : vector<8x1024xf32>
    %min3A_1123 = arith.minimumf %min3A_1112, %get3A_1121 : vector<8x1024xf32>
    %mul3A_1124 = arith.constant 128 : i32
    %mul3A_1125 = arith.muli %sub3A_36, %mul3A_1124 : i32
    %add3A_1126 = arith.constant 99 : i32
    %add3A_1127 = arith.addi %mul3A_1125, %add3A_1126 : i32
    %broadcast_in_dim3A_1128 = vector.broadcast %add3A_1127 : i32 to vector<8x1024xi32>
    %select_n3A_1129 = arith.select %lt3A_1122, %broadcast_in_dim3A_1128, %select_n3A_1118 : vector<8x1024xi1>, vector<8x1024xi32>
    %get3A_1130 = arith.constant 800 : index
    %get3A_1131 = arith.constant 0 : index
    %get3A_1132 = vector.load %arg9[%get3A_1130, %get3A_1131] : memref<1024x1024xf32, #tpu.memory_space<vmem>>, vector<8x1024xf32>
    %lt3A_1133 = arith.cmpf olt, %get3A_1132, %min3A_1123 : vector<8x1024xf32>
    %min3A_1134 = arith.minimumf %min3A_1123, %get3A_1132 : vector<8x1024xf32>
    %mul3A_1135 = arith.constant 128 : i32
    %mul3A_1136 = arith.muli %sub3A_36, %mul3A_1135 : i32
    %add3A_1137 = arith.constant 100 : i32
    %add3A_1138 = arith.addi %mul3A_1136, %add3A_1137 : i32
    %broadcast_in_dim3A_1139 = vector.broadcast %add3A_1138 : i32 to vector<8x1024xi32>
    %select_n3A_1140 = arith.select %lt3A_1133, %broadcast_in_dim3A_1139, %select_n3A_1129 : vector<8x1024xi1>, vector<8x1024xi32>
    %get3A_1141 = arith.constant 808 : index
    %get3A_1142 = arith.constant 0 : index
    %get3A_1143 = vector.load %arg9[%get3A_1141, %get3A_1142] : memref<1024x1024xf32, #tpu.memory_space<vmem>>, vector<8x1024xf32>
    %lt3A_1144 = arith.cmpf olt, %get3A_1143, %min3A_1134 : vector<8x1024xf32>
    %min3A_1145 = arith.minimumf %min3A_1134, %get3A_1143 : vector<8x1024xf32>
    %mul3A_1146 = arith.constant 128 : i32
    %mul3A_1147 = arith.muli %sub3A_36, %mul3A_1146 : i32
    %add3A_1148 = arith.constant 101 : i32
    %add3A_1149 = arith.addi %mul3A_1147, %add3A_1148 : i32
    %broadcast_in_dim3A_1150 = vector.broadcast %add3A_1149 : i32 to vector<8x1024xi32>
    %select_n3A_1151 = arith.select %lt3A_1144, %broadcast_in_dim3A_1150, %select_n3A_1140 : vector<8x1024xi1>, vector<8x1024xi32>
    %get3A_1152 = arith.constant 816 : index
    %get3A_1153 = arith.constant 0 : index
    %get3A_1154 = vector.load %arg9[%get3A_1152, %get3A_1153] : memref<1024x1024xf32, #tpu.memory_space<vmem>>, vector<8x1024xf32>
    %lt3A_1155 = arith.cmpf olt, %get3A_1154, %min3A_1145 : vector<8x1024xf32>
    %min3A_1156 = arith.minimumf %min3A_1145, %get3A_1154 : vector<8x1024xf32>
    %mul3A_1157 = arith.constant 128 : i32
    %mul3A_1158 = arith.muli %sub3A_36, %mul3A_1157 : i32
    %add3A_1159 = arith.constant 102 : i32
    %add3A_1160 = arith.addi %mul3A_1158, %add3A_1159 : i32
    %broadcast_in_dim3A_1161 = vector.broadcast %add3A_1160 : i32 to vector<8x1024xi32>
    %select_n3A_1162 = arith.select %lt3A_1155, %broadcast_in_dim3A_1161, %select_n3A_1151 : vector<8x1024xi1>, vector<8x1024xi32>
    %get3A_1163 = arith.constant 824 : index
    %get3A_1164 = arith.constant 0 : index
    %get3A_1165 = vector.load %arg9[%get3A_1163, %get3A_1164] : memref<1024x1024xf32, #tpu.memory_space<vmem>>, vector<8x1024xf32>
    %lt3A_1166 = arith.cmpf olt, %get3A_1165, %min3A_1156 : vector<8x1024xf32>
    %min3A_1167 = arith.minimumf %min3A_1156, %get3A_1165 : vector<8x1024xf32>
    %mul3A_1168 = arith.constant 128 : i32
    %mul3A_1169 = arith.muli %sub3A_36, %mul3A_1168 : i32
    %add3A_1170 = arith.constant 103 : i32
    %add3A_1171 = arith.addi %mul3A_1169, %add3A_1170 : i32
    %broadcast_in_dim3A_1172 = vector.broadcast %add3A_1171 : i32 to vector<8x1024xi32>
    %select_n3A_1173 = arith.select %lt3A_1166, %broadcast_in_dim3A_1172, %select_n3A_1162 : vector<8x1024xi1>, vector<8x1024xi32>
    %get3A_1174 = arith.constant 832 : index
    %get3A_1175 = arith.constant 0 : index
    %get3A_1176 = vector.load %arg9[%get3A_1174, %get3A_1175] : memref<1024x1024xf32, #tpu.memory_space<vmem>>, vector<8x1024xf32>
    %lt3A_1177 = arith.cmpf olt, %get3A_1176, %min3A_1167 : vector<8x1024xf32>
    %min3A_1178 = arith.minimumf %min3A_1167, %get3A_1176 : vector<8x1024xf32>
    %mul3A_1179 = arith.constant 128 : i32
    %mul3A_1180 = arith.muli %sub3A_36, %mul3A_1179 : i32
    %add3A_1181 = arith.constant 104 : i32
    %add3A_1182 = arith.addi %mul3A_1180, %add3A_1181 : i32
    %broadcast_in_dim3A_1183 = vector.broadcast %add3A_1182 : i32 to vector<8x1024xi32>
    %select_n3A_1184 = arith.select %lt3A_1177, %broadcast_in_dim3A_1183, %select_n3A_1173 : vector<8x1024xi1>, vector<8x1024xi32>
    %get3A_1185 = arith.constant 840 : index
    %get3A_1186 = arith.constant 0 : index
    %get3A_1187 = vector.load %arg9[%get3A_1185, %get3A_1186] : memref<1024x1024xf32, #tpu.memory_space<vmem>>, vector<8x1024xf32>
    %lt3A_1188 = arith.cmpf olt, %get3A_1187, %min3A_1178 : vector<8x1024xf32>
    %min3A_1189 = arith.minimumf %min3A_1178, %get3A_1187 : vector<8x1024xf32>
    %mul3A_1190 = arith.constant 128 : i32
    %mul3A_1191 = arith.muli %sub3A_36, %mul3A_1190 : i32
    %add3A_1192 = arith.constant 105 : i32
    %add3A_1193 = arith.addi %mul3A_1191, %add3A_1192 : i32
    %broadcast_in_dim3A_1194 = vector.broadcast %add3A_1193 : i32 to vector<8x1024xi32>
    %select_n3A_1195 = arith.select %lt3A_1188, %broadcast_in_dim3A_1194, %select_n3A_1184 : vector<8x1024xi1>, vector<8x1024xi32>
    %get3A_1196 = arith.constant 848 : index
    %get3A_1197 = arith.constant 0 : index
    %get3A_1198 = vector.load %arg9[%get3A_1196, %get3A_1197] : memref<1024x1024xf32, #tpu.memory_space<vmem>>, vector<8x1024xf32>
    %lt3A_1199 = arith.cmpf olt, %get3A_1198, %min3A_1189 : vector<8x1024xf32>
    %min3A_1200 = arith.minimumf %min3A_1189, %get3A_1198 : vector<8x1024xf32>
    %mul3A_1201 = arith.constant 128 : i32
    %mul3A_1202 = arith.muli %sub3A_36, %mul3A_1201 : i32
    %add3A_1203 = arith.constant 106 : i32
    %add3A_1204 = arith.addi %mul3A_1202, %add3A_1203 : i32
    %broadcast_in_dim3A_1205 = vector.broadcast %add3A_1204 : i32 to vector<8x1024xi32>
    %select_n3A_1206 = arith.select %lt3A_1199, %broadcast_in_dim3A_1205, %select_n3A_1195 : vector<8x1024xi1>, vector<8x1024xi32>
    %get3A_1207 = arith.constant 856 : index
    %get3A_1208 = arith.constant 0 : index
    %get3A_1209 = vector.load %arg9[%get3A_1207, %get3A_1208] : memref<1024x1024xf32, #tpu.memory_space<vmem>>, vector<8x1024xf32>
    %lt3A_1210 = arith.cmpf olt, %get3A_1209, %min3A_1200 : vector<8x1024xf32>
    %min3A_1211 = arith.minimumf %min3A_1200, %get3A_1209 : vector<8x1024xf32>
    %mul3A_1212 = arith.constant 128 : i32
    %mul3A_1213 = arith.muli %sub3A_36, %mul3A_1212 : i32
    %add3A_1214 = arith.constant 107 : i32
    %add3A_1215 = arith.addi %mul3A_1213, %add3A_1214 : i32
    %broadcast_in_dim3A_1216 = vector.broadcast %add3A_1215 : i32 to vector<8x1024xi32>
    %select_n3A_1217 = arith.select %lt3A_1210, %broadcast_in_dim3A_1216, %select_n3A_1206 : vector<8x1024xi1>, vector<8x1024xi32>
    %get3A_1218 = arith.constant 864 : index
    %get3A_1219 = arith.constant 0 : index
    %get3A_1220 = vector.load %arg9[%get3A_1218, %get3A_1219] : memref<1024x1024xf32, #tpu.memory_space<vmem>>, vector<8x1024xf32>
    %lt3A_1221 = arith.cmpf olt, %get3A_1220, %min3A_1211 : vector<8x1024xf32>
    %min3A_1222 = arith.minimumf %min3A_1211, %get3A_1220 : vector<8x1024xf32>
    %mul3A_1223 = arith.constant 128 : i32
    %mul3A_1224 = arith.muli %sub3A_36, %mul3A_1223 : i32
    %add3A_1225 = arith.constant 108 : i32
    %add3A_1226 = arith.addi %mul3A_1224, %add3A_1225 : i32
    %broadcast_in_dim3A_1227 = vector.broadcast %add3A_1226 : i32 to vector<8x1024xi32>
    %select_n3A_1228 = arith.select %lt3A_1221, %broadcast_in_dim3A_1227, %select_n3A_1217 : vector<8x1024xi1>, vector<8x1024xi32>
    %get3A_1229 = arith.constant 872 : index
    %get3A_1230 = arith.constant 0 : index
    %get3A_1231 = vector.load %arg9[%get3A_1229, %get3A_1230] : memref<1024x1024xf32, #tpu.memory_space<vmem>>, vector<8x1024xf32>
    %lt3A_1232 = arith.cmpf olt, %get3A_1231, %min3A_1222 : vector<8x1024xf32>
    %min3A_1233 = arith.minimumf %min3A_1222, %get3A_1231 : vector<8x1024xf32>
    %mul3A_1234 = arith.constant 128 : i32
    %mul3A_1235 = arith.muli %sub3A_36, %mul3A_1234 : i32
    %add3A_1236 = arith.constant 109 : i32
    %add3A_1237 = arith.addi %mul3A_1235, %add3A_1236 : i32
    %broadcast_in_dim3A_1238 = vector.broadcast %add3A_1237 : i32 to vector<8x1024xi32>
    %select_n3A_1239 = arith.select %lt3A_1232, %broadcast_in_dim3A_1238, %select_n3A_1228 : vector<8x1024xi1>, vector<8x1024xi32>
    %get3A_1240 = arith.constant 880 : index
    %get3A_1241 = arith.constant 0 : index
    %get3A_1242 = vector.load %arg9[%get3A_1240, %get3A_1241] : memref<1024x1024xf32, #tpu.memory_space<vmem>>, vector<8x1024xf32>
    %lt3A_1243 = arith.cmpf olt, %get3A_1242, %min3A_1233 : vector<8x1024xf32>
    %min3A_1244 = arith.minimumf %min3A_1233, %get3A_1242 : vector<8x1024xf32>
    %mul3A_1245 = arith.constant 128 : i32
    %mul3A_1246 = arith.muli %sub3A_36, %mul3A_1245 : i32
    %add3A_1247 = arith.constant 110 : i32
    %add3A_1248 = arith.addi %mul3A_1246, %add3A_1247 : i32
    %broadcast_in_dim3A_1249 = vector.broadcast %add3A_1248 : i32 to vector<8x1024xi32>
    %select_n3A_1250 = arith.select %lt3A_1243, %broadcast_in_dim3A_1249, %select_n3A_1239 : vector<8x1024xi1>, vector<8x1024xi32>
    %get3A_1251 = arith.constant 888 : index
    %get3A_1252 = arith.constant 0 : index
    %get3A_1253 = vector.load %arg9[%get3A_1251, %get3A_1252] : memref<1024x1024xf32, #tpu.memory_space<vmem>>, vector<8x1024xf32>
    %lt3A_1254 = arith.cmpf olt, %get3A_1253, %min3A_1244 : vector<8x1024xf32>
    %min3A_1255 = arith.minimumf %min3A_1244, %get3A_1253 : vector<8x1024xf32>
    %mul3A_1256 = arith.constant 128 : i32
    %mul3A_1257 = arith.muli %sub3A_36, %mul3A_1256 : i32
    %add3A_1258 = arith.constant 111 : i32
    %add3A_1259 = arith.addi %mul3A_1257, %add3A_1258 : i32
    %broadcast_in_dim3A_1260 = vector.broadcast %add3A_1259 : i32 to vector<8x1024xi32>
    %select_n3A_1261 = arith.select %lt3A_1254, %broadcast_in_dim3A_1260, %select_n3A_1250 : vector<8x1024xi1>, vector<8x1024xi32>
    %get3A_1262 = arith.constant 896 : index
    %get3A_1263 = arith.constant 0 : index
    %get3A_1264 = vector.load %arg9[%get3A_1262, %get3A_1263] : memref<1024x1024xf32, #tpu.memory_space<vmem>>, vector<8x1024xf32>
    %lt3A_1265 = arith.cmpf olt, %get3A_1264, %min3A_1255 : vector<8x1024xf32>
    %min3A_1266 = arith.minimumf %min3A_1255, %get3A_1264 : vector<8x1024xf32>
    %mul3A_1267 = arith.constant 128 : i32
    %mul3A_1268 = arith.muli %sub3A_36, %mul3A_1267 : i32
    %add3A_1269 = arith.constant 112 : i32
    %add3A_1270 = arith.addi %mul3A_1268, %add3A_1269 : i32
    %broadcast_in_dim3A_1271 = vector.broadcast %add3A_1270 : i32 to vector<8x1024xi32>
    %select_n3A_1272 = arith.select %lt3A_1265, %broadcast_in_dim3A_1271, %select_n3A_1261 : vector<8x1024xi1>, vector<8x1024xi32>
    %get3A_1273 = arith.constant 904 : index
    %get3A_1274 = arith.constant 0 : index
    %get3A_1275 = vector.load %arg9[%get3A_1273, %get3A_1274] : memref<1024x1024xf32, #tpu.memory_space<vmem>>, vector<8x1024xf32>
    %lt3A_1276 = arith.cmpf olt, %get3A_1275, %min3A_1266 : vector<8x1024xf32>
    %min3A_1277 = arith.minimumf %min3A_1266, %get3A_1275 : vector<8x1024xf32>
    %mul3A_1278 = arith.constant 128 : i32
    %mul3A_1279 = arith.muli %sub3A_36, %mul3A_1278 : i32
    %add3A_1280 = arith.constant 113 : i32
    %add3A_1281 = arith.addi %mul3A_1279, %add3A_1280 : i32
    %broadcast_in_dim3A_1282 = vector.broadcast %add3A_1281 : i32 to vector<8x1024xi32>
    %select_n3A_1283 = arith.select %lt3A_1276, %broadcast_in_dim3A_1282, %select_n3A_1272 : vector<8x1024xi1>, vector<8x1024xi32>
    %get3A_1284 = arith.constant 912 : index
    %get3A_1285 = arith.constant 0 : index
    %get3A_1286 = vector.load %arg9[%get3A_1284, %get3A_1285] : memref<1024x1024xf32, #tpu.memory_space<vmem>>, vector<8x1024xf32>
    %lt3A_1287 = arith.cmpf olt, %get3A_1286, %min3A_1277 : vector<8x1024xf32>
    %min3A_1288 = arith.minimumf %min3A_1277, %get3A_1286 : vector<8x1024xf32>
    %mul3A_1289 = arith.constant 128 : i32
    %mul3A_1290 = arith.muli %sub3A_36, %mul3A_1289 : i32
    %add3A_1291 = arith.constant 114 : i32
    %add3A_1292 = arith.addi %mul3A_1290, %add3A_1291 : i32
    %broadcast_in_dim3A_1293 = vector.broadcast %add3A_1292 : i32 to vector<8x1024xi32>
    %select_n3A_1294 = arith.select %lt3A_1287, %broadcast_in_dim3A_1293, %select_n3A_1283 : vector<8x1024xi1>, vector<8x1024xi32>
    %get3A_1295 = arith.constant 920 : index
    %get3A_1296 = arith.constant 0 : index
    %get3A_1297 = vector.load %arg9[%get3A_1295, %get3A_1296] : memref<1024x1024xf32, #tpu.memory_space<vmem>>, vector<8x1024xf32>
    %lt3A_1298 = arith.cmpf olt, %get3A_1297, %min3A_1288 : vector<8x1024xf32>
    %min3A_1299 = arith.minimumf %min3A_1288, %get3A_1297 : vector<8x1024xf32>
    %mul3A_1300 = arith.constant 128 : i32
    %mul3A_1301 = arith.muli %sub3A_36, %mul3A_1300 : i32
    %add3A_1302 = arith.constant 115 : i32
    %add3A_1303 = arith.addi %mul3A_1301, %add3A_1302 : i32
    %broadcast_in_dim3A_1304 = vector.broadcast %add3A_1303 : i32 to vector<8x1024xi32>
    %select_n3A_1305 = arith.select %lt3A_1298, %broadcast_in_dim3A_1304, %select_n3A_1294 : vector<8x1024xi1>, vector<8x1024xi32>
    %get3A_1306 = arith.constant 928 : index
    %get3A_1307 = arith.constant 0 : index
    %get3A_1308 = vector.load %arg9[%get3A_1306, %get3A_1307] : memref<1024x1024xf32, #tpu.memory_space<vmem>>, vector<8x1024xf32>
    %lt3A_1309 = arith.cmpf olt, %get3A_1308, %min3A_1299 : vector<8x1024xf32>
    %min3A_1310 = arith.minimumf %min3A_1299, %get3A_1308 : vector<8x1024xf32>
    %mul3A_1311 = arith.constant 128 : i32
    %mul3A_1312 = arith.muli %sub3A_36, %mul3A_1311 : i32
    %add3A_1313 = arith.constant 116 : i32
    %add3A_1314 = arith.addi %mul3A_1312, %add3A_1313 : i32
    %broadcast_in_dim3A_1315 = vector.broadcast %add3A_1314 : i32 to vector<8x1024xi32>
    %select_n3A_1316 = arith.select %lt3A_1309, %broadcast_in_dim3A_1315, %select_n3A_1305 : vector<8x1024xi1>, vector<8x1024xi32>
    %get3A_1317 = arith.constant 936 : index
    %get3A_1318 = arith.constant 0 : index
    %get3A_1319 = vector.load %arg9[%get3A_1317, %get3A_1318] : memref<1024x1024xf32, #tpu.memory_space<vmem>>, vector<8x1024xf32>
    %lt3A_1320 = arith.cmpf olt, %get3A_1319, %min3A_1310 : vector<8x1024xf32>
    %min3A_1321 = arith.minimumf %min3A_1310, %get3A_1319 : vector<8x1024xf32>
    %mul3A_1322 = arith.constant 128 : i32
    %mul3A_1323 = arith.muli %sub3A_36, %mul3A_1322 : i32
    %add3A_1324 = arith.constant 117 : i32
    %add3A_1325 = arith.addi %mul3A_1323, %add3A_1324 : i32
    %broadcast_in_dim3A_1326 = vector.broadcast %add3A_1325 : i32 to vector<8x1024xi32>
    %select_n3A_1327 = arith.select %lt3A_1320, %broadcast_in_dim3A_1326, %select_n3A_1316 : vector<8x1024xi1>, vector<8x1024xi32>
    %get3A_1328 = arith.constant 944 : index
    %get3A_1329 = arith.constant 0 : index
    %get3A_1330 = vector.load %arg9[%get3A_1328, %get3A_1329] : memref<1024x1024xf32, #tpu.memory_space<vmem>>, vector<8x1024xf32>
    %lt3A_1331 = arith.cmpf olt, %get3A_1330, %min3A_1321 : vector<8x1024xf32>
    %min3A_1332 = arith.minimumf %min3A_1321, %get3A_1330 : vector<8x1024xf32>
    %mul3A_1333 = arith.constant 128 : i32
    %mul3A_1334 = arith.muli %sub3A_36, %mul3A_1333 : i32
    %add3A_1335 = arith.constant 118 : i32
    %add3A_1336 = arith.addi %mul3A_1334, %add3A_1335 : i32
    %broadcast_in_dim3A_1337 = vector.broadcast %add3A_1336 : i32 to vector<8x1024xi32>
    %select_n3A_1338 = arith.select %lt3A_1331, %broadcast_in_dim3A_1337, %select_n3A_1327 : vector<8x1024xi1>, vector<8x1024xi32>
    %get3A_1339 = arith.constant 952 : index
    %get3A_1340 = arith.constant 0 : index
    %get3A_1341 = vector.load %arg9[%get3A_1339, %get3A_1340] : memref<1024x1024xf32, #tpu.memory_space<vmem>>, vector<8x1024xf32>
    %lt3A_1342 = arith.cmpf olt, %get3A_1341, %min3A_1332 : vector<8x1024xf32>
    %min3A_1343 = arith.minimumf %min3A_1332, %get3A_1341 : vector<8x1024xf32>
    %mul3A_1344 = arith.constant 128 : i32
    %mul3A_1345 = arith.muli %sub3A_36, %mul3A_1344 : i32
    %add3A_1346 = arith.constant 119 : i32
    %add3A_1347 = arith.addi %mul3A_1345, %add3A_1346 : i32
    %broadcast_in_dim3A_1348 = vector.broadcast %add3A_1347 : i32 to vector<8x1024xi32>
    %select_n3A_1349 = arith.select %lt3A_1342, %broadcast_in_dim3A_1348, %select_n3A_1338 : vector<8x1024xi1>, vector<8x1024xi32>
    %get3A_1350 = arith.constant 960 : index
    %get3A_1351 = arith.constant 0 : index
    %get3A_1352 = vector.load %arg9[%get3A_1350, %get3A_1351] : memref<1024x1024xf32, #tpu.memory_space<vmem>>, vector<8x1024xf32>
    %lt3A_1353 = arith.cmpf olt, %get3A_1352, %min3A_1343 : vector<8x1024xf32>
    %min3A_1354 = arith.minimumf %min3A_1343, %get3A_1352 : vector<8x1024xf32>
    %mul3A_1355 = arith.constant 128 : i32
    %mul3A_1356 = arith.muli %sub3A_36, %mul3A_1355 : i32
    %add3A_1357 = arith.constant 120 : i32
    %add3A_1358 = arith.addi %mul3A_1356, %add3A_1357 : i32
    %broadcast_in_dim3A_1359 = vector.broadcast %add3A_1358 : i32 to vector<8x1024xi32>
    %select_n3A_1360 = arith.select %lt3A_1353, %broadcast_in_dim3A_1359, %select_n3A_1349 : vector<8x1024xi1>, vector<8x1024xi32>
    %get3A_1361 = arith.constant 968 : index
    %get3A_1362 = arith.constant 0 : index
    %get3A_1363 = vector.load %arg9[%get3A_1361, %get3A_1362] : memref<1024x1024xf32, #tpu.memory_space<vmem>>, vector<8x1024xf32>
    %lt3A_1364 = arith.cmpf olt, %get3A_1363, %min3A_1354 : vector<8x1024xf32>
    %min3A_1365 = arith.minimumf %min3A_1354, %get3A_1363 : vector<8x1024xf32>
    %mul3A_1366 = arith.constant 128 : i32
    %mul3A_1367 = arith.muli %sub3A_36, %mul3A_1366 : i32
    %add3A_1368 = arith.constant 121 : i32
    %add3A_1369 = arith.addi %mul3A_1367, %add3A_1368 : i32
    %broadcast_in_dim3A_1370 = vector.broadcast %add3A_1369 : i32 to vector<8x1024xi32>
    %select_n3A_1371 = arith.select %lt3A_1364, %broadcast_in_dim3A_1370, %select_n3A_1360 : vector<8x1024xi1>, vector<8x1024xi32>
    %get3A_1372 = arith.constant 976 : index
    %get3A_1373 = arith.constant 0 : index
    %get3A_1374 = vector.load %arg9[%get3A_1372, %get3A_1373] : memref<1024x1024xf32, #tpu.memory_space<vmem>>, vector<8x1024xf32>
    %lt3A_1375 = arith.cmpf olt, %get3A_1374, %min3A_1365 : vector<8x1024xf32>
    %min3A_1376 = arith.minimumf %min3A_1365, %get3A_1374 : vector<8x1024xf32>
    %mul3A_1377 = arith.constant 128 : i32
    %mul3A_1378 = arith.muli %sub3A_36, %mul3A_1377 : i32
    %add3A_1379 = arith.constant 122 : i32
    %add3A_1380 = arith.addi %mul3A_1378, %add3A_1379 : i32
    %broadcast_in_dim3A_1381 = vector.broadcast %add3A_1380 : i32 to vector<8x1024xi32>
    %select_n3A_1382 = arith.select %lt3A_1375, %broadcast_in_dim3A_1381, %select_n3A_1371 : vector<8x1024xi1>, vector<8x1024xi32>
    %get3A_1383 = arith.constant 984 : index
    %get3A_1384 = arith.constant 0 : index
    %get3A_1385 = vector.load %arg9[%get3A_1383, %get3A_1384] : memref<1024x1024xf32, #tpu.memory_space<vmem>>, vector<8x1024xf32>
    %lt3A_1386 = arith.cmpf olt, %get3A_1385, %min3A_1376 : vector<8x1024xf32>
    %min3A_1387 = arith.minimumf %min3A_1376, %get3A_1385 : vector<8x1024xf32>
    %mul3A_1388 = arith.constant 128 : i32
    %mul3A_1389 = arith.muli %sub3A_36, %mul3A_1388 : i32
    %add3A_1390 = arith.constant 123 : i32
    %add3A_1391 = arith.addi %mul3A_1389, %add3A_1390 : i32
    %broadcast_in_dim3A_1392 = vector.broadcast %add3A_1391 : i32 to vector<8x1024xi32>
    %select_n3A_1393 = arith.select %lt3A_1386, %broadcast_in_dim3A_1392, %select_n3A_1382 : vector<8x1024xi1>, vector<8x1024xi32>
    %get3A_1394 = arith.constant 992 : index
    %get3A_1395 = arith.constant 0 : index
    %get3A_1396 = vector.load %arg9[%get3A_1394, %get3A_1395] : memref<1024x1024xf32, #tpu.memory_space<vmem>>, vector<8x1024xf32>
    %lt3A_1397 = arith.cmpf olt, %get3A_1396, %min3A_1387 : vector<8x1024xf32>
    %min3A_1398 = arith.minimumf %min3A_1387, %get3A_1396 : vector<8x1024xf32>
    %mul3A_1399 = arith.constant 128 : i32
    %mul3A_1400 = arith.muli %sub3A_36, %mul3A_1399 : i32
    %add3A_1401 = arith.constant 124 : i32
    %add3A_1402 = arith.addi %mul3A_1400, %add3A_1401 : i32
    %broadcast_in_dim3A_1403 = vector.broadcast %add3A_1402 : i32 to vector<8x1024xi32>
    %select_n3A_1404 = arith.select %lt3A_1397, %broadcast_in_dim3A_1403, %select_n3A_1393 : vector<8x1024xi1>, vector<8x1024xi32>
    %get3A_1405 = arith.constant 1000 : index
    %get3A_1406 = arith.constant 0 : index
    %get3A_1407 = vector.load %arg9[%get3A_1405, %get3A_1406] : memref<1024x1024xf32, #tpu.memory_space<vmem>>, vector<8x1024xf32>
    %lt3A_1408 = arith.cmpf olt, %get3A_1407, %min3A_1398 : vector<8x1024xf32>
    %min3A_1409 = arith.minimumf %min3A_1398, %get3A_1407 : vector<8x1024xf32>
    %mul3A_1410 = arith.constant 128 : i32
    %mul3A_1411 = arith.muli %sub3A_36, %mul3A_1410 : i32
    %add3A_1412 = arith.constant 125 : i32
    %add3A_1413 = arith.addi %mul3A_1411, %add3A_1412 : i32
    %broadcast_in_dim3A_1414 = vector.broadcast %add3A_1413 : i32 to vector<8x1024xi32>
    %select_n3A_1415 = arith.select %lt3A_1408, %broadcast_in_dim3A_1414, %select_n3A_1404 : vector<8x1024xi1>, vector<8x1024xi32>
    %get3A_1416 = arith.constant 1008 : index
    %get3A_1417 = arith.constant 0 : index
    %get3A_1418 = vector.load %arg9[%get3A_1416, %get3A_1417] : memref<1024x1024xf32, #tpu.memory_space<vmem>>, vector<8x1024xf32>
    %lt3A_1419 = arith.cmpf olt, %get3A_1418, %min3A_1409 : vector<8x1024xf32>
    %min3A_1420 = arith.minimumf %min3A_1409, %get3A_1418 : vector<8x1024xf32>
    %mul3A_1421 = arith.constant 128 : i32
    %mul3A_1422 = arith.muli %sub3A_36, %mul3A_1421 : i32
    %add3A_1423 = arith.constant 126 : i32
    %add3A_1424 = arith.addi %mul3A_1422, %add3A_1423 : i32
    %broadcast_in_dim3A_1425 = vector.broadcast %add3A_1424 : i32 to vector<8x1024xi32>
    %select_n3A_1426 = arith.select %lt3A_1419, %broadcast_in_dim3A_1425, %select_n3A_1415 : vector<8x1024xi1>, vector<8x1024xi32>
    %get3A_1427 = arith.constant 1016 : index
    %get3A_1428 = arith.constant 0 : index
    %get3A_1429 = vector.load %arg9[%get3A_1427, %get3A_1428] : memref<1024x1024xf32, #tpu.memory_space<vmem>>, vector<8x1024xf32>
    %lt3A_1430 = arith.cmpf olt, %get3A_1429, %min3A_1420 : vector<8x1024xf32>
    %min3A_1431 = arith.minimumf %min3A_1420, %get3A_1429 : vector<8x1024xf32>
    %mul3A_1432 = arith.constant 128 : i32
    %mul3A_1433 = arith.muli %sub3A_36, %mul3A_1432 : i32
    %add3A_1434 = arith.constant 127 : i32
    %add3A_1435 = arith.addi %mul3A_1433, %add3A_1434 : i32
    %broadcast_in_dim3A_1436 = vector.broadcast %add3A_1435 : i32 to vector<8x1024xi32>
    %select_n3A_1437 = arith.select %lt3A_1430, %broadcast_in_dim3A_1436, %select_n3A_1426 : vector<8x1024xi1>, vector<8x1024xi32>
    %mul3A_1438 = arith.constant 1024 : i32
    %mul3A_1439 = arith.muli %add3A_4, %mul3A_1438 : i32
    %get3A_1440 = arith.index_cast %mul3A_1439 : i32 to index
    %get3A_1441 = arith.constant 0 : index
    %get3A_1442 = vector.load %arg7[%get3A_1440, %get3A_1441] : memref<8192x1xf32, #tpu.memory_space<vmem>>, vector<1024x1xf32>
    %add3A_1443 = vector.broadcast %get3A_1442 : vector<1024x1xf32> to vector<1024x1024xf32>
    %add3A_1444 = arith.addf %dot_general3A_33, %add3A_1443 : vector<1024x1024xf32>
    %swap3A_1445 = arith.constant 0 : index
    %swap3A_1446 = arith.constant 0 : index
    %swap3A_1447 = vector.load %arg9[%swap3A_1445, %swap3A_1446] : memref<1024x1024xf32, #tpu.memory_space<vmem>>, vector<1024x1024xf32>
    tpu.vector_store %arg9[%swap3A_1445, %swap3A_1446], %add3A_1444 {strides = array<i32>} : memref<1024x1024xf32, #tpu.memory_space<vmem>>, vector<1024x1024xf32>,
    %mul3A_1448 = arith.constant 2 : i32
    %mul3A_1449 = arith.muli %mul3A_1448, %arg1 : i32
    %get3A_1450 = arith.constant 0 : index
    %get3A_1451 = arith.constant 0 : index
    %get3A_1452 = vector.load %arg8[%get3A_1450, %get3A_1451] : memref<1024x1024xf32, #tpu.memory_space<vmem>>, vector<8x1024xf32>
    %mul3A_1453 = arith.constant 128 : i32
    %mul3A_1454 = arith.muli %mul3A_1449, %mul3A_1453 : i32
    %broadcast_in_dim3A_1455 = vector.broadcast %mul3A_1454 : i32 to vector<8x1024xi32>
    %get3A_1456 = arith.constant 8 : index
    %get3A_1457 = arith.constant 0 : index
    %get3A_1458 = vector.load %arg8[%get3A_1456, %get3A_1457] : memref<1024x1024xf32, #tpu.memory_space<vmem>>, vector<8x1024xf32>
    %lt3A_1459 = arith.cmpf olt, %get3A_1458, %get3A_1452 : vector<8x1024xf32>
    %min3A_1460 = arith.minimumf %get3A_1452, %get3A_1458 : vector<8x1024xf32>
    %mul3A_1461 = arith.constant 128 : i32
    %mul3A_1462 = arith.muli %mul3A_1449, %mul3A_1461 : i32
    %add3A_1463 = arith.constant 1 : i32
    %add3A_1464 = arith.addi %mul3A_1462, %add3A_1463 : i32
    %broadcast_in_dim3A_1465 = vector.broadcast %add3A_1464 : i32 to vector<8x1024xi32>
    %select_n3A_1466 = arith.select %lt3A_1459, %broadcast_in_dim3A_1465, %broadcast_in_dim3A_1455 : vector<8x1024xi1>, vector<8x1024xi32>
    %get3A_1467 = arith.constant 16 : index
    %get3A_1468 = arith.constant 0 : index
    %get3A_1469 = vector.load %arg8[%get3A_1467, %get3A_1468] : memref<1024x1024xf32, #tpu.memory_space<vmem>>, vector<8x1024xf32>
    %lt3A_1470 = arith.cmpf olt, %get3A_1469, %min3A_1460 : vector<8x1024xf32>
    %min3A_1471 = arith.minimumf %min3A_1460, %get3A_1469 : vector<8x1024xf32>
    %mul3A_1472 = arith.constant 128 : i32
    %mul3A_1473 = arith.muli %mul3A_1449, %mul3A_1472 : i32
    %add3A_1474 = arith.constant 2 : i32
    %add3A_1475 = arith.addi %mul3A_1473, %add3A_1474 : i32
    %broadcast_in_dim3A_1476 = vector.broadcast %add3A_1475 : i32 to vector<8x1024xi32>
    %select_n3A_1477 = arith.select %lt3A_1470, %broadcast_in_dim3A_1476, %select_n3A_1466 : vector<8x1024xi1>, vector<8x1024xi32>
    %get3A_1478 = arith.constant 24 : index
    %get3A_1479 = arith.constant 0 : index
    %get3A_1480 = vector.load %arg8[%get3A_1478, %get3A_1479] : memref<1024x1024xf32, #tpu.memory_space<vmem>>, vector<8x1024xf32>
    %lt3A_1481 = arith.cmpf olt, %get3A_1480, %min3A_1471 : vector<8x1024xf32>
    %min3A_1482 = arith.minimumf %min3A_1471, %get3A_1480 : vector<8x1024xf32>
    %mul3A_1483 = arith.constant 128 : i32
    %mul3A_1484 = arith.muli %mul3A_1449, %mul3A_1483 : i32
    %add3A_1485 = arith.constant 3 : i32
    %add3A_1486 = arith.addi %mul3A_1484, %add3A_1485 : i32
    %broadcast_in_dim3A_1487 = vector.broadcast %add3A_1486 : i32 to vector<8x1024xi32>
    %select_n3A_1488 = arith.select %lt3A_1481, %broadcast_in_dim3A_1487, %select_n3A_1477 : vector<8x1024xi1>, vector<8x1024xi32>
    %get3A_1489 = arith.constant 32 : index
    %get3A_1490 = arith.constant 0 : index
    %get3A_1491 = vector.load %arg8[%get3A_1489, %get3A_1490] : memref<1024x1024xf32, #tpu.memory_space<vmem>>, vector<8x1024xf32>
    %lt3A_1492 = arith.cmpf olt, %get3A_1491, %min3A_1482 : vector<8x1024xf32>
    %min3A_1493 = arith.minimumf %min3A_1482, %get3A_1491 : vector<8x1024xf32>
    %mul3A_1494 = arith.constant 128 : i32
    %mul3A_1495 = arith.muli %mul3A_1449, %mul3A_1494 : i32
    %add3A_1496 = arith.constant 4 : i32
    %add3A_1497 = arith.addi %mul3A_1495, %add3A_1496 : i32
    %broadcast_in_dim3A_1498 = vector.broadcast %add3A_1497 : i32 to vector<8x1024xi32>
    %select_n3A_1499 = arith.select %lt3A_1492, %broadcast_in_dim3A_1498, %select_n3A_1488 : vector<8x1024xi1>, vector<8x1024xi32>
    %get3A_1500 = arith.constant 40 : index
    %get3A_1501 = arith.constant 0 : index
    %get3A_1502 = vector.load %arg8[%get3A_1500, %get3A_1501] : memref<1024x1024xf32, #tpu.memory_space<vmem>>, vector<8x1024xf32>
    %lt3A_1503 = arith.cmpf olt, %get3A_1502, %min3A_1493 : vector<8x1024xf32>
    %min3A_1504 = arith.minimumf %min3A_1493, %get3A_1502 : vector<8x1024xf32>
    %mul3A_1505 = arith.constant 128 : i32
    %mul3A_1506 = arith.muli %mul3A_1449, %mul3A_1505 : i32
    %add3A_1507 = arith.constant 5 : i32
    %add3A_1508 = arith.addi %mul3A_1506, %add3A_1507 : i32
    %broadcast_in_dim3A_1509 = vector.broadcast %add3A_1508 : i32 to vector<8x1024xi32>
    %select_n3A_1510 = arith.select %lt3A_1503, %broadcast_in_dim3A_1509, %select_n3A_1499 : vector<8x1024xi1>, vector<8x1024xi32>
    %get3A_1511 = arith.constant 48 : index
    %get3A_1512 = arith.constant 0 : index
    %get3A_1513 = vector.load %arg8[%get3A_1511, %get3A_1512] : memref<1024x1024xf32, #tpu.memory_space<vmem>>, vector<8x1024xf32>
    %lt3A_1514 = arith.cmpf olt, %get3A_1513, %min3A_1504 : vector<8x1024xf32>
    %min3A_1515 = arith.minimumf %min3A_1504, %get3A_1513 : vector<8x1024xf32>
    %mul3A_1516 = arith.constant 128 : i32
    %mul3A_1517 = arith.muli %mul3A_1449, %mul3A_1516 : i32
    %add3A_1518 = arith.constant 6 : i32
    %add3A_1519 = arith.addi %mul3A_1517, %add3A_1518 : i32
    %broadcast_in_dim3A_1520 = vector.broadcast %add3A_1519 : i32 to vector<8x1024xi32>
    %select_n3A_1521 = arith.select %lt3A_1514, %broadcast_in_dim3A_1520, %select_n3A_1510 : vector<8x1024xi1>, vector<8x1024xi32>
    %get3A_1522 = arith.constant 56 : index
    %get3A_1523 = arith.constant 0 : index
    %get3A_1524 = vector.load %arg8[%get3A_1522, %get3A_1523] : memref<1024x1024xf32, #tpu.memory_space<vmem>>, vector<8x1024xf32>
    %lt3A_1525 = arith.cmpf olt, %get3A_1524, %min3A_1515 : vector<8x1024xf32>
    %min3A_1526 = arith.minimumf %min3A_1515, %get3A_1524 : vector<8x1024xf32>
    %mul3A_1527 = arith.constant 128 : i32
    %mul3A_1528 = arith.muli %mul3A_1449, %mul3A_1527 : i32
    %add3A_1529 = arith.constant 7 : i32
    %add3A_1530 = arith.addi %mul3A_1528, %add3A_1529 : i32
    %broadcast_in_dim3A_1531 = vector.broadcast %add3A_1530 : i32 to vector<8x1024xi32>
    %select_n3A_1532 = arith.select %lt3A_1525, %broadcast_in_dim3A_1531, %select_n3A_1521 : vector<8x1024xi1>, vector<8x1024xi32>
    %get3A_1533 = arith.constant 64 : index
    %get3A_1534 = arith.constant 0 : index
    %get3A_1535 = vector.load %arg8[%get3A_1533, %get3A_1534] : memref<1024x1024xf32, #tpu.memory_space<vmem>>, vector<8x1024xf32>
    %lt3A_1536 = arith.cmpf olt, %get3A_1535, %min3A_1526 : vector<8x1024xf32>
    %min3A_1537 = arith.minimumf %min3A_1526, %get3A_1535 : vector<8x1024xf32>
    %mul3A_1538 = arith.constant 128 : i32
    %mul3A_1539 = arith.muli %mul3A_1449, %mul3A_1538 : i32
    %add3A_1540 = arith.constant 8 : i32
    %add3A_1541 = arith.addi %mul3A_1539, %add3A_1540 : i32
    %broadcast_in_dim3A_1542 = vector.broadcast %add3A_1541 : i32 to vector<8x1024xi32>
    %select_n3A_1543 = arith.select %lt3A_1536, %broadcast_in_dim3A_1542, %select_n3A_1532 : vector<8x1024xi1>, vector<8x1024xi32>
    %get3A_1544 = arith.constant 72 : index
    %get3A_1545 = arith.constant 0 : index
    %get3A_1546 = vector.load %arg8[%get3A_1544, %get3A_1545] : memref<1024x1024xf32, #tpu.memory_space<vmem>>, vector<8x1024xf32>
    %lt3A_1547 = arith.cmpf olt, %get3A_1546, %min3A_1537 : vector<8x1024xf32>
    %min3A_1548 = arith.minimumf %min3A_1537, %get3A_1546 : vector<8x1024xf32>
    %mul3A_1549 = arith.constant 128 : i32
    %mul3A_1550 = arith.muli %mul3A_1449, %mul3A_1549 : i32
    %add3A_1551 = arith.constant 9 : i32
    %add3A_1552 = arith.addi %mul3A_1550, %add3A_1551 : i32
    %broadcast_in_dim3A_1553 = vector.broadcast %add3A_1552 : i32 to vector<8x1024xi32>
    %select_n3A_1554 = arith.select %lt3A_1547, %broadcast_in_dim3A_1553, %select_n3A_1543 : vector<8x1024xi1>, vector<8x1024xi32>
    %get3A_1555 = arith.constant 80 : index
    %get3A_1556 = arith.constant 0 : index
    %get3A_1557 = vector.load %arg8[%get3A_1555, %get3A_1556] : memref<1024x1024xf32, #tpu.memory_space<vmem>>, vector<8x1024xf32>
    %lt3A_1558 = arith.cmpf olt, %get3A_1557, %min3A_1548 : vector<8x1024xf32>
    %min3A_1559 = arith.minimumf %min3A_1548, %get3A_1557 : vector<8x1024xf32>
    %mul3A_1560 = arith.constant 128 : i32
    %mul3A_1561 = arith.muli %mul3A_1449, %mul3A_1560 : i32
    %add3A_1562 = arith.constant 10 : i32
    %add3A_1563 = arith.addi %mul3A_1561, %add3A_1562 : i32
    %broadcast_in_dim3A_1564 = vector.broadcast %add3A_1563 : i32 to vector<8x1024xi32>
    %select_n3A_1565 = arith.select %lt3A_1558, %broadcast_in_dim3A_1564, %select_n3A_1554 : vector<8x1024xi1>, vector<8x1024xi32>
    %get3A_1566 = arith.constant 88 : index
    %get3A_1567 = arith.constant 0 : index
    %get3A_1568 = vector.load %arg8[%get3A_1566, %get3A_1567] : memref<1024x1024xf32, #tpu.memory_space<vmem>>, vector<8x1024xf32>
    %lt3A_1569 = arith.cmpf olt, %get3A_1568, %min3A_1559 : vector<8x1024xf32>
    %min3A_1570 = arith.minimumf %min3A_1559, %get3A_1568 : vector<8x1024xf32>
    %mul3A_1571 = arith.constant 128 : i32
    %mul3A_1572 = arith.muli %mul3A_1449, %mul3A_1571 : i32
    %add3A_1573 = arith.constant 11 : i32
    %add3A_1574 = arith.addi %mul3A_1572, %add3A_1573 : i32
    %broadcast_in_dim3A_1575 = vector.broadcast %add3A_1574 : i32 to vector<8x1024xi32>
    %select_n3A_1576 = arith.select %lt3A_1569, %broadcast_in_dim3A_1575, %select_n3A_1565 : vector<8x1024xi1>, vector<8x1024xi32>
    %get3A_1577 = arith.constant 96 : index
    %get3A_1578 = arith.constant 0 : index
    %get3A_1579 = vector.load %arg8[%get3A_1577, %get3A_1578] : memref<1024x1024xf32, #tpu.memory_space<vmem>>, vector<8x1024xf32>
    %lt3A_1580 = arith.cmpf olt, %get3A_1579, %min3A_1570 : vector<8x1024xf32>
    %min3A_1581 = arith.minimumf %min3A_1570, %get3A_1579 : vector<8x1024xf32>
    %mul3A_1582 = arith.constant 128 : i32
    %mul3A_1583 = arith.muli %mul3A_1449, %mul3A_1582 : i32
    %add3A_1584 = arith.constant 12 : i32
    %add3A_1585 = arith.addi %mul3A_1583, %add3A_1584 : i32
    %broadcast_in_dim3A_1586 = vector.broadcast %add3A_1585 : i32 to vector<8x1024xi32>
    %select_n3A_1587 = arith.select %lt3A_1580, %broadcast_in_dim3A_1586, %select_n3A_1576 : vector<8x1024xi1>, vector<8x1024xi32>
    %get3A_1588 = arith.constant 104 : index
    %get3A_1589 = arith.constant 0 : index
    %get3A_1590 = vector.load %arg8[%get3A_1588, %get3A_1589] : memref<1024x1024xf32, #tpu.memory_space<vmem>>, vector<8x1024xf32>
    %lt3A_1591 = arith.cmpf olt, %get3A_1590, %min3A_1581 : vector<8x1024xf32>
    %min3A_1592 = arith.minimumf %min3A_1581, %get3A_1590 : vector<8x1024xf32>
    %mul3A_1593 = arith.constant 128 : i32
    %mul3A_1594 = arith.muli %mul3A_1449, %mul3A_1593 : i32
    %add3A_1595 = arith.constant 13 : i32
    %add3A_1596 = arith.addi %mul3A_1594, %add3A_1595 : i32
    %broadcast_in_dim3A_1597 = vector.broadcast %add3A_1596 : i32 to vector<8x1024xi32>
    %select_n3A_1598 = arith.select %lt3A_1591, %broadcast_in_dim3A_1597, %select_n3A_1587 : vector<8x1024xi1>, vector<8x1024xi32>
    %get3A_1599 = arith.constant 112 : index
    %get3A_1600 = arith.constant 0 : index
    %get3A_1601 = vector.load %arg8[%get3A_1599, %get3A_1600] : memref<1024x1024xf32, #tpu.memory_space<vmem>>, vector<8x1024xf32>
    %lt3A_1602 = arith.cmpf olt, %get3A_1601, %min3A_1592 : vector<8x1024xf32>
    %min3A_1603 = arith.minimumf %min3A_1592, %get3A_1601 : vector<8x1024xf32>
    %mul3A_1604 = arith.constant 128 : i32
    %mul3A_1605 = arith.muli %mul3A_1449, %mul3A_1604 : i32
    %add3A_1606 = arith.constant 14 : i32
    %add3A_1607 = arith.addi %mul3A_1605, %add3A_1606 : i32
    %broadcast_in_dim3A_1608 = vector.broadcast %add3A_1607 : i32 to vector<8x1024xi32>
    %select_n3A_1609 = arith.select %lt3A_1602, %broadcast_in_dim3A_1608, %select_n3A_1598 : vector<8x1024xi1>, vector<8x1024xi32>
    %get3A_1610 = arith.constant 120 : index
    %get3A_1611 = arith.constant 0 : index
    %get3A_1612 = vector.load %arg8[%get3A_1610, %get3A_1611] : memref<1024x1024xf32, #tpu.memory_space<vmem>>, vector<8x1024xf32>
    %lt3A_1613 = arith.cmpf olt, %get3A_1612, %min3A_1603 : vector<8x1024xf32>
    %min3A_1614 = arith.minimumf %min3A_1603, %get3A_1612 : vector<8x1024xf32>
    %mul3A_1615 = arith.constant 128 : i32
    %mul3A_1616 = arith.muli %mul3A_1449, %mul3A_1615 : i32
    %add3A_1617 = arith.constant 15 : i32
    %add3A_1618 = arith.addi %mul3A_1616, %add3A_1617 : i32
    %broadcast_in_dim3A_1619 = vector.broadcast %add3A_1618 : i32 to vector<8x1024xi32>
    %select_n3A_1620 = arith.select %lt3A_1613, %broadcast_in_dim3A_1619, %select_n3A_1609 : vector<8x1024xi1>, vector<8x1024xi32>
    %get3A_1621 = arith.constant 128 : index
    %get3A_1622 = arith.constant 0 : index
    %get3A_1623 = vector.load %arg8[%get3A_1621, %get3A_1622] : memref<1024x1024xf32, #tpu.memory_space<vmem>>, vector<8x1024xf32>
    %lt3A_1624 = arith.cmpf olt, %get3A_1623, %min3A_1614 : vector<8x1024xf32>
    %min3A_1625 = arith.minimumf %min3A_1614, %get3A_1623 : vector<8x1024xf32>
    %mul3A_1626 = arith.constant 128 : i32
    %mul3A_1627 = arith.muli %mul3A_1449, %mul3A_1626 : i32
    %add3A_1628 = arith.constant 16 : i32
    %add3A_1629 = arith.addi %mul3A_1627, %add3A_1628 : i32
    %broadcast_in_dim3A_1630 = vector.broadcast %add3A_1629 : i32 to vector<8x1024xi32>
    %select_n3A_1631 = arith.select %lt3A_1624, %broadcast_in_dim3A_1630, %select_n3A_1620 : vector<8x1024xi1>, vector<8x1024xi32>
    %get3A_1632 = arith.constant 136 : index
    %get3A_1633 = arith.constant 0 : index
    %get3A_1634 = vector.load %arg8[%get3A_1632, %get3A_1633] : memref<1024x1024xf32, #tpu.memory_space<vmem>>, vector<8x1024xf32>
    %lt3A_1635 = arith.cmpf olt, %get3A_1634, %min3A_1625 : vector<8x1024xf32>
    %min3A_1636 = arith.minimumf %min3A_1625, %get3A_1634 : vector<8x1024xf32>
    %mul3A_1637 = arith.constant 128 : i32
    %mul3A_1638 = arith.muli %mul3A_1449, %mul3A_1637 : i32
    %add3A_1639 = arith.constant 17 : i32
    %add3A_1640 = arith.addi %mul3A_1638, %add3A_1639 : i32
    %broadcast_in_dim3A_1641 = vector.broadcast %add3A_1640 : i32 to vector<8x1024xi32>
    %select_n3A_1642 = arith.select %lt3A_1635, %broadcast_in_dim3A_1641, %select_n3A_1631 : vector<8x1024xi1>, vector<8x1024xi32>
    %get3A_1643 = arith.constant 144 : index
    %get3A_1644 = arith.constant 0 : index
    %get3A_1645 = vector.load %arg8[%get3A_1643, %get3A_1644] : memref<1024x1024xf32, #tpu.memory_space<vmem>>, vector<8x1024xf32>
    %lt3A_1646 = arith.cmpf olt, %get3A_1645, %min3A_1636 : vector<8x1024xf32>
    %min3A_1647 = arith.minimumf %min3A_1636, %get3A_1645 : vector<8x1024xf32>
    %mul3A_1648 = arith.constant 128 : i32
    %mul3A_1649 = arith.muli %mul3A_1449, %mul3A_1648 : i32
    %add3A_1650 = arith.constant 18 : i32
    %add3A_1651 = arith.addi %mul3A_1649, %add3A_1650 : i32
    %broadcast_in_dim3A_1652 = vector.broadcast %add3A_1651 : i32 to vector<8x1024xi32>
    %select_n3A_1653 = arith.select %lt3A_1646, %broadcast_in_dim3A_1652, %select_n3A_1642 : vector<8x1024xi1>, vector<8x1024xi32>
    %get3A_1654 = arith.constant 152 : index
    %get3A_1655 = arith.constant 0 : index
    %get3A_1656 = vector.load %arg8[%get3A_1654, %get3A_1655] : memref<1024x1024xf32, #tpu.memory_space<vmem>>, vector<8x1024xf32>
    %lt3A_1657 = arith.cmpf olt, %get3A_1656, %min3A_1647 : vector<8x1024xf32>
    %min3A_1658 = arith.minimumf %min3A_1647, %get3A_1656 : vector<8x1024xf32>
    %mul3A_1659 = arith.constant 128 : i32
    %mul3A_1660 = arith.muli %mul3A_1449, %mul3A_1659 : i32
    %add3A_1661 = arith.constant 19 : i32
    %add3A_1662 = arith.addi %mul3A_1660, %add3A_1661 : i32
    %broadcast_in_dim3A_1663 = vector.broadcast %add3A_1662 : i32 to vector<8x1024xi32>
    %select_n3A_1664 = arith.select %lt3A_1657, %broadcast_in_dim3A_1663, %select_n3A_1653 : vector<8x1024xi1>, vector<8x1024xi32>
    %get3A_1665 = arith.constant 160 : index
    %get3A_1666 = arith.constant 0 : index
    %get3A_1667 = vector.load %arg8[%get3A_1665, %get3A_1666] : memref<1024x1024xf32, #tpu.memory_space<vmem>>, vector<8x1024xf32>
    %lt3A_1668 = arith.cmpf olt, %get3A_1667, %min3A_1658 : vector<8x1024xf32>
    %min3A_1669 = arith.minimumf %min3A_1658, %get3A_1667 : vector<8x1024xf32>
    %mul3A_1670 = arith.constant 128 : i32
    %mul3A_1671 = arith.muli %mul3A_1449, %mul3A_1670 : i32
    %add3A_1672 = arith.constant 20 : i32
    %add3A_1673 = arith.addi %mul3A_1671, %add3A_1672 : i32
    %broadcast_in_dim3A_1674 = vector.broadcast %add3A_1673 : i32 to vector<8x1024xi32>
    %select_n3A_1675 = arith.select %lt3A_1668, %broadcast_in_dim3A_1674, %select_n3A_1664 : vector<8x1024xi1>, vector<8x1024xi32>
    %get3A_1676 = arith.constant 168 : index
    %get3A_1677 = arith.constant 0 : index
    %get3A_1678 = vector.load %arg8[%get3A_1676, %get3A_1677] : memref<1024x1024xf32, #tpu.memory_space<vmem>>, vector<8x1024xf32>
    %lt3A_1679 = arith.cmpf olt, %get3A_1678, %min3A_1669 : vector<8x1024xf32>
    %min3A_1680 = arith.minimumf %min3A_1669, %get3A_1678 : vector<8x1024xf32>
    %mul3A_1681 = arith.constant 128 : i32
    %mul3A_1682 = arith.muli %mul3A_1449, %mul3A_1681 : i32
    %add3A_1683 = arith.constant 21 : i32
    %add3A_1684 = arith.addi %mul3A_1682, %add3A_1683 : i32
    %broadcast_in_dim3A_1685 = vector.broadcast %add3A_1684 : i32 to vector<8x1024xi32>
    %select_n3A_1686 = arith.select %lt3A_1679, %broadcast_in_dim3A_1685, %select_n3A_1675 : vector<8x1024xi1>, vector<8x1024xi32>
    %get3A_1687 = arith.constant 176 : index
    %get3A_1688 = arith.constant 0 : index
    %get3A_1689 = vector.load %arg8[%get3A_1687, %get3A_1688] : memref<1024x1024xf32, #tpu.memory_space<vmem>>, vector<8x1024xf32>
    %lt3A_1690 = arith.cmpf olt, %get3A_1689, %min3A_1680 : vector<8x1024xf32>
    %min3A_1691 = arith.minimumf %min3A_1680, %get3A_1689 : vector<8x1024xf32>
    %mul3A_1692 = arith.constant 128 : i32
    %mul3A_1693 = arith.muli %mul3A_1449, %mul3A_1692 : i32
    %add3A_1694 = arith.constant 22 : i32
    %add3A_1695 = arith.addi %mul3A_1693, %add3A_1694 : i32
    %broadcast_in_dim3A_1696 = vector.broadcast %add3A_1695 : i32 to vector<8x1024xi32>
    %select_n3A_1697 = arith.select %lt3A_1690, %broadcast_in_dim3A_1696, %select_n3A_1686 : vector<8x1024xi1>, vector<8x1024xi32>
    %get3A_1698 = arith.constant 184 : index
    %get3A_1699 = arith.constant 0 : index
    %get3A_1700 = vector.load %arg8[%get3A_1698, %get3A_1699] : memref<1024x1024xf32, #tpu.memory_space<vmem>>, vector<8x1024xf32>
    %lt3A_1701 = arith.cmpf olt, %get3A_1700, %min3A_1691 : vector<8x1024xf32>
    %min3A_1702 = arith.minimumf %min3A_1691, %get3A_1700 : vector<8x1024xf32>
    %mul3A_1703 = arith.constant 128 : i32
    %mul3A_1704 = arith.muli %mul3A_1449, %mul3A_1703 : i32
    %add3A_1705 = arith.constant 23 : i32
    %add3A_1706 = arith.addi %mul3A_1704, %add3A_1705 : i32
    %broadcast_in_dim3A_1707 = vector.broadcast %add3A_1706 : i32 to vector<8x1024xi32>
    %select_n3A_1708 = arith.select %lt3A_1701, %broadcast_in_dim3A_1707, %select_n3A_1697 : vector<8x1024xi1>, vector<8x1024xi32>
    %get3A_1709 = arith.constant 192 : index
    %get3A_1710 = arith.constant 0 : index
    %get3A_1711 = vector.load %arg8[%get3A_1709, %get3A_1710] : memref<1024x1024xf32, #tpu.memory_space<vmem>>, vector<8x1024xf32>
    %lt3A_1712 = arith.cmpf olt, %get3A_1711, %min3A_1702 : vector<8x1024xf32>
    %min3A_1713 = arith.minimumf %min3A_1702, %get3A_1711 : vector<8x1024xf32>
    %mul3A_1714 = arith.constant 128 : i32
    %mul3A_1715 = arith.muli %mul3A_1449, %mul3A_1714 : i32
    %add3A_1716 = arith.constant 24 : i32
    %add3A_1717 = arith.addi %mul3A_1715, %add3A_1716 : i32
    %broadcast_in_dim3A_1718 = vector.broadcast %add3A_1717 : i32 to vector<8x1024xi32>
    %select_n3A_1719 = arith.select %lt3A_1712, %broadcast_in_dim3A_1718, %select_n3A_1708 : vector<8x1024xi1>, vector<8x1024xi32>
    %get3A_1720 = arith.constant 200 : index
    %get3A_1721 = arith.constant 0 : index
    %get3A_1722 = vector.load %arg8[%get3A_1720, %get3A_1721] : memref<1024x1024xf32, #tpu.memory_space<vmem>>, vector<8x1024xf32>
    %lt3A_1723 = arith.cmpf olt, %get3A_1722, %min3A_1713 : vector<8x1024xf32>
    %min3A_1724 = arith.minimumf %min3A_1713, %get3A_1722 : vector<8x1024xf32>
    %mul3A_1725 = arith.constant 128 : i32
    %mul3A_1726 = arith.muli %mul3A_1449, %mul3A_1725 : i32
    %add3A_1727 = arith.constant 25 : i32
    %add3A_1728 = arith.addi %mul3A_1726, %add3A_1727 : i32
    %broadcast_in_dim3A_1729 = vector.broadcast %add3A_1728 : i32 to vector<8x1024xi32>
    %select_n3A_1730 = arith.select %lt3A_1723, %broadcast_in_dim3A_1729, %select_n3A_1719 : vector<8x1024xi1>, vector<8x1024xi32>
    %get3A_1731 = arith.constant 208 : index
    %get3A_1732 = arith.constant 0 : index
    %get3A_1733 = vector.load %arg8[%get3A_1731, %get3A_1732] : memref<1024x1024xf32, #tpu.memory_space<vmem>>, vector<8x1024xf32>
    %lt3A_1734 = arith.cmpf olt, %get3A_1733, %min3A_1724 : vector<8x1024xf32>
    %min3A_1735 = arith.minimumf %min3A_1724, %get3A_1733 : vector<8x1024xf32>
    %mul3A_1736 = arith.constant 128 : i32
    %mul3A_1737 = arith.muli %mul3A_1449, %mul3A_1736 : i32
    %add3A_1738 = arith.constant 26 : i32
    %add3A_1739 = arith.addi %mul3A_1737, %add3A_1738 : i32
    %broadcast_in_dim3A_1740 = vector.broadcast %add3A_1739 : i32 to vector<8x1024xi32>
    %select_n3A_1741 = arith.select %lt3A_1734, %broadcast_in_dim3A_1740, %select_n3A_1730 : vector<8x1024xi1>, vector<8x1024xi32>
    %get3A_1742 = arith.constant 216 : index
    %get3A_1743 = arith.constant 0 : index
    %get3A_1744 = vector.load %arg8[%get3A_1742, %get3A_1743] : memref<1024x1024xf32, #tpu.memory_space<vmem>>, vector<8x1024xf32>
    %lt3A_1745 = arith.cmpf olt, %get3A_1744, %min3A_1735 : vector<8x1024xf32>
    %min3A_1746 = arith.minimumf %min3A_1735, %get3A_1744 : vector<8x1024xf32>
    %mul3A_1747 = arith.constant 128 : i32
    %mul3A_1748 = arith.muli %mul3A_1449, %mul3A_1747 : i32
    %add3A_1749 = arith.constant 27 : i32
    %add3A_1750 = arith.addi %mul3A_1748, %add3A_1749 : i32
    %broadcast_in_dim3A_1751 = vector.broadcast %add3A_1750 : i32 to vector<8x1024xi32>
    %select_n3A_1752 = arith.select %lt3A_1745, %broadcast_in_dim3A_1751, %select_n3A_1741 : vector<8x1024xi1>, vector<8x1024xi32>
    %get3A_1753 = arith.constant 224 : index
    %get3A_1754 = arith.constant 0 : index
    %get3A_1755 = vector.load %arg8[%get3A_1753, %get3A_1754] : memref<1024x1024xf32, #tpu.memory_space<vmem>>, vector<8x1024xf32>
    %lt3A_1756 = arith.cmpf olt, %get3A_1755, %min3A_1746 : vector<8x1024xf32>
    %min3A_1757 = arith.minimumf %min3A_1746, %get3A_1755 : vector<8x1024xf32>
    %mul3A_1758 = arith.constant 128 : i32
    %mul3A_1759 = arith.muli %mul3A_1449, %mul3A_1758 : i32
    %add3A_1760 = arith.constant 28 : i32
    %add3A_1761 = arith.addi %mul3A_1759, %add3A_1760 : i32
    %broadcast_in_dim3A_1762 = vector.broadcast %add3A_1761 : i32 to vector<8x1024xi32>
    %select_n3A_1763 = arith.select %lt3A_1756, %broadcast_in_dim3A_1762, %select_n3A_1752 : vector<8x1024xi1>, vector<8x1024xi32>
    %get3A_1764 = arith.constant 232 : index
    %get3A_1765 = arith.constant 0 : index
    %get3A_1766 = vector.load %arg8[%get3A_1764, %get3A_1765] : memref<1024x1024xf32, #tpu.memory_space<vmem>>, vector<8x1024xf32>
    %lt3A_1767 = arith.cmpf olt, %get3A_1766, %min3A_1757 : vector<8x1024xf32>
    %min3A_1768 = arith.minimumf %min3A_1757, %get3A_1766 : vector<8x1024xf32>
    %mul3A_1769 = arith.constant 128 : i32
    %mul3A_1770 = arith.muli %mul3A_1449, %mul3A_1769 : i32
    %add3A_1771 = arith.constant 29 : i32
    %add3A_1772 = arith.addi %mul3A_1770, %add3A_1771 : i32
    %broadcast_in_dim3A_1773 = vector.broadcast %add3A_1772 : i32 to vector<8x1024xi32>
    %select_n3A_1774 = arith.select %lt3A_1767, %broadcast_in_dim3A_1773, %select_n3A_1763 : vector<8x1024xi1>, vector<8x1024xi32>
    %get3A_1775 = arith.constant 240 : index
    %get3A_1776 = arith.constant 0 : index
    %get3A_1777 = vector.load %arg8[%get3A_1775, %get3A_1776] : memref<1024x1024xf32, #tpu.memory_space<vmem>>, vector<8x1024xf32>
    %lt3A_1778 = arith.cmpf olt, %get3A_1777, %min3A_1768 : vector<8x1024xf32>
    %min3A_1779 = arith.minimumf %min3A_1768, %get3A_1777 : vector<8x1024xf32>
    %mul3A_1780 = arith.constant 128 : i32
    %mul3A_1781 = arith.muli %mul3A_1449, %mul3A_1780 : i32
    %add3A_1782 = arith.constant 30 : i32
    %add3A_1783 = arith.addi %mul3A_1781, %add3A_1782 : i32
    %broadcast_in_dim3A_1784 = vector.broadcast %add3A_1783 : i32 to vector<8x1024xi32>
    %select_n3A_1785 = arith.select %lt3A_1778, %broadcast_in_dim3A_1784, %select_n3A_1774 : vector<8x1024xi1>, vector<8x1024xi32>
    %get3A_1786 = arith.constant 248 : index
    %get3A_1787 = arith.constant 0 : index
    %get3A_1788 = vector.load %arg8[%get3A_1786, %get3A_1787] : memref<1024x1024xf32, #tpu.memory_space<vmem>>, vector<8x1024xf32>
    %lt3A_1789 = arith.cmpf olt, %get3A_1788, %min3A_1779 : vector<8x1024xf32>
    %min3A_1790 = arith.minimumf %min3A_1779, %get3A_1788 : vector<8x1024xf32>
    %mul3A_1791 = arith.constant 128 : i32
    %mul3A_1792 = arith.muli %mul3A_1449, %mul3A_1791 : i32
    %add3A_1793 = arith.constant 31 : i32
    %add3A_1794 = arith.addi %mul3A_1792, %add3A_1793 : i32
    %broadcast_in_dim3A_1795 = vector.broadcast %add3A_1794 : i32 to vector<8x1024xi32>
    %select_n3A_1796 = arith.select %lt3A_1789, %broadcast_in_dim3A_1795, %select_n3A_1785 : vector<8x1024xi1>, vector<8x1024xi32>
    %get3A_1797 = arith.constant 256 : index
    %get3A_1798 = arith.constant 0 : index
    %get3A_1799 = vector.load %arg8[%get3A_1797, %get3A_1798] : memref<1024x1024xf32, #tpu.memory_space<vmem>>, vector<8x1024xf32>
    %lt3A_1800 = arith.cmpf olt, %get3A_1799, %min3A_1790 : vector<8x1024xf32>
    %min3A_1801 = arith.minimumf %min3A_1790, %get3A_1799 : vector<8x1024xf32>
    %mul3A_1802 = arith.constant 128 : i32
    %mul3A_1803 = arith.muli %mul3A_1449, %mul3A_1802 : i32
    %add3A_1804 = arith.constant 32 : i32
    %add3A_1805 = arith.addi %mul3A_1803, %add3A_1804 : i32
    %broadcast_in_dim3A_1806 = vector.broadcast %add3A_1805 : i32 to vector<8x1024xi32>
    %select_n3A_1807 = arith.select %lt3A_1800, %broadcast_in_dim3A_1806, %select_n3A_1796 : vector<8x1024xi1>, vector<8x1024xi32>
    %get3A_1808 = arith.constant 264 : index
    %get3A_1809 = arith.constant 0 : index
    %get3A_1810 = vector.load %arg8[%get3A_1808, %get3A_1809] : memref<1024x1024xf32, #tpu.memory_space<vmem>>, vector<8x1024xf32>
    %lt3A_1811 = arith.cmpf olt, %get3A_1810, %min3A_1801 : vector<8x1024xf32>
    %min3A_1812 = arith.minimumf %min3A_1801, %get3A_1810 : vector<8x1024xf32>
    %mul3A_1813 = arith.constant 128 : i32
    %mul3A_1814 = arith.muli %mul3A_1449, %mul3A_1813 : i32
    %add3A_1815 = arith.constant 33 : i32
    %add3A_1816 = arith.addi %mul3A_1814, %add3A_1815 : i32
    %broadcast_in_dim3A_1817 = vector.broadcast %add3A_1816 : i32 to vector<8x1024xi32>
    %select_n3A_1818 = arith.select %lt3A_1811, %broadcast_in_dim3A_1817, %select_n3A_1807 : vector<8x1024xi1>, vector<8x1024xi32>
    %get3A_1819 = arith.constant 272 : index
    %get3A_1820 = arith.constant 0 : index
    %get3A_1821 = vector.load %arg8[%get3A_1819, %get3A_1820] : memref<1024x1024xf32, #tpu.memory_space<vmem>>, vector<8x1024xf32>
    %lt3A_1822 = arith.cmpf olt, %get3A_1821, %min3A_1812 : vector<8x1024xf32>
    %min3A_1823 = arith.minimumf %min3A_1812, %get3A_1821 : vector<8x1024xf32>
    %mul3A_1824 = arith.constant 128 : i32
    %mul3A_1825 = arith.muli %mul3A_1449, %mul3A_1824 : i32
    %add3A_1826 = arith.constant 34 : i32
    %add3A_1827 = arith.addi %mul3A_1825, %add3A_1826 : i32
    %broadcast_in_dim3A_1828 = vector.broadcast %add3A_1827 : i32 to vector<8x1024xi32>
    %select_n3A_1829 = arith.select %lt3A_1822, %broadcast_in_dim3A_1828, %select_n3A_1818 : vector<8x1024xi1>, vector<8x1024xi32>
    %get3A_1830 = arith.constant 280 : index
    %get3A_1831 = arith.constant 0 : index
    %get3A_1832 = vector.load %arg8[%get3A_1830, %get3A_1831] : memref<1024x1024xf32, #tpu.memory_space<vmem>>, vector<8x1024xf32>
    %lt3A_1833 = arith.cmpf olt, %get3A_1832, %min3A_1823 : vector<8x1024xf32>
    %min3A_1834 = arith.minimumf %min3A_1823, %get3A_1832 : vector<8x1024xf32>
    %mul3A_1835 = arith.constant 128 : i32
    %mul3A_1836 = arith.muli %mul3A_1449, %mul3A_1835 : i32
    %add3A_1837 = arith.constant 35 : i32
    %add3A_1838 = arith.addi %mul3A_1836, %add3A_1837 : i32
    %broadcast_in_dim3A_1839 = vector.broadcast %add3A_1838 : i32 to vector<8x1024xi32>
    %select_n3A_1840 = arith.select %lt3A_1833, %broadcast_in_dim3A_1839, %select_n3A_1829 : vector<8x1024xi1>, vector<8x1024xi32>
    %get3A_1841 = arith.constant 288 : index
    %get3A_1842 = arith.constant 0 : index
    %get3A_1843 = vector.load %arg8[%get3A_1841, %get3A_1842] : memref<1024x1024xf32, #tpu.memory_space<vmem>>, vector<8x1024xf32>
    %lt3A_1844 = arith.cmpf olt, %get3A_1843, %min3A_1834 : vector<8x1024xf32>
    %min3A_1845 = arith.minimumf %min3A_1834, %get3A_1843 : vector<8x1024xf32>
    %mul3A_1846 = arith.constant 128 : i32
    %mul3A_1847 = arith.muli %mul3A_1449, %mul3A_1846 : i32
    %add3A_1848 = arith.constant 36 : i32
    %add3A_1849 = arith.addi %mul3A_1847, %add3A_1848 : i32
    %broadcast_in_dim3A_1850 = vector.broadcast %add3A_1849 : i32 to vector<8x1024xi32>
    %select_n3A_1851 = arith.select %lt3A_1844, %broadcast_in_dim3A_1850, %select_n3A_1840 : vector<8x1024xi1>, vector<8x1024xi32>
    %get3A_1852 = arith.constant 296 : index
    %get3A_1853 = arith.constant 0 : index
    %get3A_1854 = vector.load %arg8[%get3A_1852, %get3A_1853] : memref<1024x1024xf32, #tpu.memory_space<vmem>>, vector<8x1024xf32>
    %lt3A_1855 = arith.cmpf olt, %get3A_1854, %min3A_1845 : vector<8x1024xf32>
    %min3A_1856 = arith.minimumf %min3A_1845, %get3A_1854 : vector<8x1024xf32>
    %mul3A_1857 = arith.constant 128 : i32
    %mul3A_1858 = arith.muli %mul3A_1449, %mul3A_1857 : i32
    %add3A_1859 = arith.constant 37 : i32
    %add3A_1860 = arith.addi %mul3A_1858, %add3A_1859 : i32
    %broadcast_in_dim3A_1861 = vector.broadcast %add3A_1860 : i32 to vector<8x1024xi32>
    %select_n3A_1862 = arith.select %lt3A_1855, %broadcast_in_dim3A_1861, %select_n3A_1851 : vector<8x1024xi1>, vector<8x1024xi32>
    %get3A_1863 = arith.constant 304 : index
    %get3A_1864 = arith.constant 0 : index
    %get3A_1865 = vector.load %arg8[%get3A_1863, %get3A_1864] : memref<1024x1024xf32, #tpu.memory_space<vmem>>, vector<8x1024xf32>
    %lt3A_1866 = arith.cmpf olt, %get3A_1865, %min3A_1856 : vector<8x1024xf32>
    %min3A_1867 = arith.minimumf %min3A_1856, %get3A_1865 : vector<8x1024xf32>
    %mul3A_1868 = arith.constant 128 : i32
    %mul3A_1869 = arith.muli %mul3A_1449, %mul3A_1868 : i32
    %add3A_1870 = arith.constant 38 : i32
    %add3A_1871 = arith.addi %mul3A_1869, %add3A_1870 : i32
    %broadcast_in_dim3A_1872 = vector.broadcast %add3A_1871 : i32 to vector<8x1024xi32>
    %select_n3A_1873 = arith.select %lt3A_1866, %broadcast_in_dim3A_1872, %select_n3A_1862 : vector<8x1024xi1>, vector<8x1024xi32>
    %get3A_1874 = arith.constant 312 : index
    %get3A_1875 = arith.constant 0 : index
    %get3A_1876 = vector.load %arg8[%get3A_1874, %get3A_1875] : memref<1024x1024xf32, #tpu.memory_space<vmem>>, vector<8x1024xf32>
    %lt3A_1877 = arith.cmpf olt, %get3A_1876, %min3A_1867 : vector<8x1024xf32>
    %min3A_1878 = arith.minimumf %min3A_1867, %get3A_1876 : vector<8x1024xf32>
    %mul3A_1879 = arith.constant 128 : i32
    %mul3A_1880 = arith.muli %mul3A_1449, %mul3A_1879 : i32
    %add3A_1881 = arith.constant 39 : i32
    %add3A_1882 = arith.addi %mul3A_1880, %add3A_1881 : i32
    %broadcast_in_dim3A_1883 = vector.broadcast %add3A_1882 : i32 to vector<8x1024xi32>
    %select_n3A_1884 = arith.select %lt3A_1877, %broadcast_in_dim3A_1883, %select_n3A_1873 : vector<8x1024xi1>, vector<8x1024xi32>
    %get3A_1885 = arith.constant 320 : index
    %get3A_1886 = arith.constant 0 : index
    %get3A_1887 = vector.load %arg8[%get3A_1885, %get3A_1886] : memref<1024x1024xf32, #tpu.memory_space<vmem>>, vector<8x1024xf32>
    %lt3A_1888 = arith.cmpf olt, %get3A_1887, %min3A_1878 : vector<8x1024xf32>
    %min3A_1889 = arith.minimumf %min3A_1878, %get3A_1887 : vector<8x1024xf32>
    %mul3A_1890 = arith.constant 128 : i32
    %mul3A_1891 = arith.muli %mul3A_1449, %mul3A_1890 : i32
    %add3A_1892 = arith.constant 40 : i32
    %add3A_1893 = arith.addi %mul3A_1891, %add3A_1892 : i32
    %broadcast_in_dim3A_1894 = vector.broadcast %add3A_1893 : i32 to vector<8x1024xi32>
    %select_n3A_1895 = arith.select %lt3A_1888, %broadcast_in_dim3A_1894, %select_n3A_1884 : vector<8x1024xi1>, vector<8x1024xi32>
    %get3A_1896 = arith.constant 328 : index
    %get3A_1897 = arith.constant 0 : index
    %get3A_1898 = vector.load %arg8[%get3A_1896, %get3A_1897] : memref<1024x1024xf32, #tpu.memory_space<vmem>>, vector<8x1024xf32>
    %lt3A_1899 = arith.cmpf olt, %get3A_1898, %min3A_1889 : vector<8x1024xf32>
    %min3A_1900 = arith.minimumf %min3A_1889, %get3A_1898 : vector<8x1024xf32>
    %mul3A_1901 = arith.constant 128 : i32
    %mul3A_1902 = arith.muli %mul3A_1449, %mul3A_1901 : i32
    %add3A_1903 = arith.constant 41 : i32
    %add3A_1904 = arith.addi %mul3A_1902, %add3A_1903 : i32
    %broadcast_in_dim3A_1905 = vector.broadcast %add3A_1904 : i32 to vector<8x1024xi32>
    %select_n3A_1906 = arith.select %lt3A_1899, %broadcast_in_dim3A_1905, %select_n3A_1895 : vector<8x1024xi1>, vector<8x1024xi32>
    %get3A_1907 = arith.constant 336 : index
    %get3A_1908 = arith.constant 0 : index
    %get3A_1909 = vector.load %arg8[%get3A_1907, %get3A_1908] : memref<1024x1024xf32, #tpu.memory_space<vmem>>, vector<8x1024xf32>
    %lt3A_1910 = arith.cmpf olt, %get3A_1909, %min3A_1900 : vector<8x1024xf32>
    %min3A_1911 = arith.minimumf %min3A_1900, %get3A_1909 : vector<8x1024xf32>
    %mul3A_1912 = arith.constant 128 : i32
    %mul3A_1913 = arith.muli %mul3A_1449, %mul3A_1912 : i32
    %add3A_1914 = arith.constant 42 : i32
    %add3A_1915 = arith.addi %mul3A_1913, %add3A_1914 : i32
    %broadcast_in_dim3A_1916 = vector.broadcast %add3A_1915 : i32 to vector<8x1024xi32>
    %select_n3A_1917 = arith.select %lt3A_1910, %broadcast_in_dim3A_1916, %select_n3A_1906 : vector<8x1024xi1>, vector<8x1024xi32>
    %get3A_1918 = arith.constant 344 : index
    %get3A_1919 = arith.constant 0 : index
    %get3A_1920 = vector.load %arg8[%get3A_1918, %get3A_1919] : memref<1024x1024xf32, #tpu.memory_space<vmem>>, vector<8x1024xf32>
    %lt3A_1921 = arith.cmpf olt, %get3A_1920, %min3A_1911 : vector<8x1024xf32>
    %min3A_1922 = arith.minimumf %min3A_1911, %get3A_1920 : vector<8x1024xf32>
    %mul3A_1923 = arith.constant 128 : i32
    %mul3A_1924 = arith.muli %mul3A_1449, %mul3A_1923 : i32
    %add3A_1925 = arith.constant 43 : i32
    %add3A_1926 = arith.addi %mul3A_1924, %add3A_1925 : i32
    %broadcast_in_dim3A_1927 = vector.broadcast %add3A_1926 : i32 to vector<8x1024xi32>
    %select_n3A_1928 = arith.select %lt3A_1921, %broadcast_in_dim3A_1927, %select_n3A_1917 : vector<8x1024xi1>, vector<8x1024xi32>
    %get3A_1929 = arith.constant 352 : index
    %get3A_1930 = arith.constant 0 : index
    %get3A_1931 = vector.load %arg8[%get3A_1929, %get3A_1930] : memref<1024x1024xf32, #tpu.memory_space<vmem>>, vector<8x1024xf32>
    %lt3A_1932 = arith.cmpf olt, %get3A_1931, %min3A_1922 : vector<8x1024xf32>
    %min3A_1933 = arith.minimumf %min3A_1922, %get3A_1931 : vector<8x1024xf32>
    %mul3A_1934 = arith.constant 128 : i32
    %mul3A_1935 = arith.muli %mul3A_1449, %mul3A_1934 : i32
    %add3A_1936 = arith.constant 44 : i32
    %add3A_1937 = arith.addi %mul3A_1935, %add3A_1936 : i32
    %broadcast_in_dim3A_1938 = vector.broadcast %add3A_1937 : i32 to vector<8x1024xi32>
    %select_n3A_1939 = arith.select %lt3A_1932, %broadcast_in_dim3A_1938, %select_n3A_1928 : vector<8x1024xi1>, vector<8x1024xi32>
    %get3A_1940 = arith.constant 360 : index
    %get3A_1941 = arith.constant 0 : index
    %get3A_1942 = vector.load %arg8[%get3A_1940, %get3A_1941] : memref<1024x1024xf32, #tpu.memory_space<vmem>>, vector<8x1024xf32>
    %lt3A_1943 = arith.cmpf olt, %get3A_1942, %min3A_1933 : vector<8x1024xf32>
    %min3A_1944 = arith.minimumf %min3A_1933, %get3A_1942 : vector<8x1024xf32>
    %mul3A_1945 = arith.constant 128 : i32
    %mul3A_1946 = arith.muli %mul3A_1449, %mul3A_1945 : i32
    %add3A_1947 = arith.constant 45 : i32
    %add3A_1948 = arith.addi %mul3A_1946, %add3A_1947 : i32
    %broadcast_in_dim3A_1949 = vector.broadcast %add3A_1948 : i32 to vector<8x1024xi32>
    %select_n3A_1950 = arith.select %lt3A_1943, %broadcast_in_dim3A_1949, %select_n3A_1939 : vector<8x1024xi1>, vector<8x1024xi32>
    %get3A_1951 = arith.constant 368 : index
    %get3A_1952 = arith.constant 0 : index
    %get3A_1953 = vector.load %arg8[%get3A_1951, %get3A_1952] : memref<1024x1024xf32, #tpu.memory_space<vmem>>, vector<8x1024xf32>
    %lt3A_1954 = arith.cmpf olt, %get3A_1953, %min3A_1944 : vector<8x1024xf32>
    %min3A_1955 = arith.minimumf %min3A_1944, %get3A_1953 : vector<8x1024xf32>
    %mul3A_1956 = arith.constant 128 : i32
    %mul3A_1957 = arith.muli %mul3A_1449, %mul3A_1956 : i32
    %add3A_1958 = arith.constant 46 : i32
    %add3A_1959 = arith.addi %mul3A_1957, %add3A_1958 : i32
    %broadcast_in_dim3A_1960 = vector.broadcast %add3A_1959 : i32 to vector<8x1024xi32>
    %select_n3A_1961 = arith.select %lt3A_1954, %broadcast_in_dim3A_1960, %select_n3A_1950 : vector<8x1024xi1>, vector<8x1024xi32>
    %get3A_1962 = arith.constant 376 : index
    %get3A_1963 = arith.constant 0 : index
    %get3A_1964 = vector.load %arg8[%get3A_1962, %get3A_1963] : memref<1024x1024xf32, #tpu.memory_space<vmem>>, vector<8x1024xf32>
    %lt3A_1965 = arith.cmpf olt, %get3A_1964, %min3A_1955 : vector<8x1024xf32>
    %min3A_1966 = arith.minimumf %min3A_1955, %get3A_1964 : vector<8x1024xf32>
    %mul3A_1967 = arith.constant 128 : i32
    %mul3A_1968 = arith.muli %mul3A_1449, %mul3A_1967 : i32
    %add3A_1969 = arith.constant 47 : i32
    %add3A_1970 = arith.addi %mul3A_1968, %add3A_1969 : i32
    %broadcast_in_dim3A_1971 = vector.broadcast %add3A_1970 : i32 to vector<8x1024xi32>
    %select_n3A_1972 = arith.select %lt3A_1965, %broadcast_in_dim3A_1971, %select_n3A_1961 : vector<8x1024xi1>, vector<8x1024xi32>
    %get3A_1973 = arith.constant 384 : index
    %get3A_1974 = arith.constant 0 : index
    %get3A_1975 = vector.load %arg8[%get3A_1973, %get3A_1974] : memref<1024x1024xf32, #tpu.memory_space<vmem>>, vector<8x1024xf32>
    %lt3A_1976 = arith.cmpf olt, %get3A_1975, %min3A_1966 : vector<8x1024xf32>
    %min3A_1977 = arith.minimumf %min3A_1966, %get3A_1975 : vector<8x1024xf32>
    %mul3A_1978 = arith.constant 128 : i32
    %mul3A_1979 = arith.muli %mul3A_1449, %mul3A_1978 : i32
    %add3A_1980 = arith.constant 48 : i32
    %add3A_1981 = arith.addi %mul3A_1979, %add3A_1980 : i32
    %broadcast_in_dim3A_1982 = vector.broadcast %add3A_1981 : i32 to vector<8x1024xi32>
    %select_n3A_1983 = arith.select %lt3A_1976, %broadcast_in_dim3A_1982, %select_n3A_1972 : vector<8x1024xi1>, vector<8x1024xi32>
    %get3A_1984 = arith.constant 392 : index
    %get3A_1985 = arith.constant 0 : index
    %get3A_1986 = vector.load %arg8[%get3A_1984, %get3A_1985] : memref<1024x1024xf32, #tpu.memory_space<vmem>>, vector<8x1024xf32>
    %lt3A_1987 = arith.cmpf olt, %get3A_1986, %min3A_1977 : vector<8x1024xf32>
    %min3A_1988 = arith.minimumf %min3A_1977, %get3A_1986 : vector<8x1024xf32>
    %mul3A_1989 = arith.constant 128 : i32
    %mul3A_1990 = arith.muli %mul3A_1449, %mul3A_1989 : i32
    %add3A_1991 = arith.constant 49 : i32
    %add3A_1992 = arith.addi %mul3A_1990, %add3A_1991 : i32
    %broadcast_in_dim3A_1993 = vector.broadcast %add3A_1992 : i32 to vector<8x1024xi32>
    %select_n3A_1994 = arith.select %lt3A_1987, %broadcast_in_dim3A_1993, %select_n3A_1983 : vector<8x1024xi1>, vector<8x1024xi32>
    %get3A_1995 = arith.constant 400 : index
    %get3A_1996 = arith.constant 0 : index
    %get3A_1997 = vector.load %arg8[%get3A_1995, %get3A_1996] : memref<1024x1024xf32, #tpu.memory_space<vmem>>, vector<8x1024xf32>
    %lt3A_1998 = arith.cmpf olt, %get3A_1997, %min3A_1988 : vector<8x1024xf32>
    %min3A_1999 = arith.minimumf %min3A_1988, %get3A_1997 : vector<8x1024xf32>
    %mul3A_2000 = arith.constant 128 : i32
    %mul3A_2001 = arith.muli %mul3A_1449, %mul3A_2000 : i32
    %add3A_2002 = arith.constant 50 : i32
    %add3A_2003 = arith.addi %mul3A_2001, %add3A_2002 : i32
    %broadcast_in_dim3A_2004 = vector.broadcast %add3A_2003 : i32 to vector<8x1024xi32>
    %select_n3A_2005 = arith.select %lt3A_1998, %broadcast_in_dim3A_2004, %select_n3A_1994 : vector<8x1024xi1>, vector<8x1024xi32>
    %get3A_2006 = arith.constant 408 : index
    %get3A_2007 = arith.constant 0 : index
    %get3A_2008 = vector.load %arg8[%get3A_2006, %get3A_2007] : memref<1024x1024xf32, #tpu.memory_space<vmem>>, vector<8x1024xf32>
    %lt3A_2009 = arith.cmpf olt, %get3A_2008, %min3A_1999 : vector<8x1024xf32>
    %min3A_2010 = arith.minimumf %min3A_1999, %get3A_2008 : vector<8x1024xf32>
    %mul3A_2011 = arith.constant 128 : i32
    %mul3A_2012 = arith.muli %mul3A_1449, %mul3A_2011 : i32
    %add3A_2013 = arith.constant 51 : i32
    %add3A_2014 = arith.addi %mul3A_2012, %add3A_2013 : i32
    %broadcast_in_dim3A_2015 = vector.broadcast %add3A_2014 : i32 to vector<8x1024xi32>
    %select_n3A_2016 = arith.select %lt3A_2009, %broadcast_in_dim3A_2015, %select_n3A_2005 : vector<8x1024xi1>, vector<8x1024xi32>
    %get3A_2017 = arith.constant 416 : index
    %get3A_2018 = arith.constant 0 : index
    %get3A_2019 = vector.load %arg8[%get3A_2017, %get3A_2018] : memref<1024x1024xf32, #tpu.memory_space<vmem>>, vector<8x1024xf32>
    %lt3A_2020 = arith.cmpf olt, %get3A_2019, %min3A_2010 : vector<8x1024xf32>
    %min3A_2021 = arith.minimumf %min3A_2010, %get3A_2019 : vector<8x1024xf32>
    %mul3A_2022 = arith.constant 128 : i32
    %mul3A_2023 = arith.muli %mul3A_1449, %mul3A_2022 : i32
    %add3A_2024 = arith.constant 52 : i32
    %add3A_2025 = arith.addi %mul3A_2023, %add3A_2024 : i32
    %broadcast_in_dim3A_2026 = vector.broadcast %add3A_2025 : i32 to vector<8x1024xi32>
    %select_n3A_2027 = arith.select %lt3A_2020, %broadcast_in_dim3A_2026, %select_n3A_2016 : vector<8x1024xi1>, vector<8x1024xi32>
    %get3A_2028 = arith.constant 424 : index
    %get3A_2029 = arith.constant 0 : index
    %get3A_2030 = vector.load %arg8[%get3A_2028, %get3A_2029] : memref<1024x1024xf32, #tpu.memory_space<vmem>>, vector<8x1024xf32>
    %lt3A_2031 = arith.cmpf olt, %get3A_2030, %min3A_2021 : vector<8x1024xf32>
    %min3A_2032 = arith.minimumf %min3A_2021, %get3A_2030 : vector<8x1024xf32>
    %mul3A_2033 = arith.constant 128 : i32
    %mul3A_2034 = arith.muli %mul3A_1449, %mul3A_2033 : i32
    %add3A_2035 = arith.constant 53 : i32
    %add3A_2036 = arith.addi %mul3A_2034, %add3A_2035 : i32
    %broadcast_in_dim3A_2037 = vector.broadcast %add3A_2036 : i32 to vector<8x1024xi32>
    %select_n3A_2038 = arith.select %lt3A_2031, %broadcast_in_dim3A_2037, %select_n3A_2027 : vector<8x1024xi1>, vector<8x1024xi32>
    %get3A_2039 = arith.constant 432 : index
    %get3A_2040 = arith.constant 0 : index
    %get3A_2041 = vector.load %arg8[%get3A_2039, %get3A_2040] : memref<1024x1024xf32, #tpu.memory_space<vmem>>, vector<8x1024xf32>
    %lt3A_2042 = arith.cmpf olt, %get3A_2041, %min3A_2032 : vector<8x1024xf32>
    %min3A_2043 = arith.minimumf %min3A_2032, %get3A_2041 : vector<8x1024xf32>
    %mul3A_2044 = arith.constant 128 : i32
    %mul3A_2045 = arith.muli %mul3A_1449, %mul3A_2044 : i32
    %add3A_2046 = arith.constant 54 : i32
    %add3A_2047 = arith.addi %mul3A_2045, %add3A_2046 : i32
    %broadcast_in_dim3A_2048 = vector.broadcast %add3A_2047 : i32 to vector<8x1024xi32>
    %select_n3A_2049 = arith.select %lt3A_2042, %broadcast_in_dim3A_2048, %select_n3A_2038 : vector<8x1024xi1>, vector<8x1024xi32>
    %get3A_2050 = arith.constant 440 : index
    %get3A_2051 = arith.constant 0 : index
    %get3A_2052 = vector.load %arg8[%get3A_2050, %get3A_2051] : memref<1024x1024xf32, #tpu.memory_space<vmem>>, vector<8x1024xf32>
    %lt3A_2053 = arith.cmpf olt, %get3A_2052, %min3A_2043 : vector<8x1024xf32>
    %min3A_2054 = arith.minimumf %min3A_2043, %get3A_2052 : vector<8x1024xf32>
    %mul3A_2055 = arith.constant 128 : i32
    %mul3A_2056 = arith.muli %mul3A_1449, %mul3A_2055 : i32
    %add3A_2057 = arith.constant 55 : i32
    %add3A_2058 = arith.addi %mul3A_2056, %add3A_2057 : i32
    %broadcast_in_dim3A_2059 = vector.broadcast %add3A_2058 : i32 to vector<8x1024xi32>
    %select_n3A_2060 = arith.select %lt3A_2053, %broadcast_in_dim3A_2059, %select_n3A_2049 : vector<8x1024xi1>, vector<8x1024xi32>
    %get3A_2061 = arith.constant 448 : index
    %get3A_2062 = arith.constant 0 : index
    %get3A_2063 = vector.load %arg8[%get3A_2061, %get3A_2062] : memref<1024x1024xf32, #tpu.memory_space<vmem>>, vector<8x1024xf32>
    %lt3A_2064 = arith.cmpf olt, %get3A_2063, %min3A_2054 : vector<8x1024xf32>
    %min3A_2065 = arith.minimumf %min3A_2054, %get3A_2063 : vector<8x1024xf32>
    %mul3A_2066 = arith.constant 128 : i32
    %mul3A_2067 = arith.muli %mul3A_1449, %mul3A_2066 : i32
    %add3A_2068 = arith.constant 56 : i32
    %add3A_2069 = arith.addi %mul3A_2067, %add3A_2068 : i32
    %broadcast_in_dim3A_2070 = vector.broadcast %add3A_2069 : i32 to vector<8x1024xi32>
    %select_n3A_2071 = arith.select %lt3A_2064, %broadcast_in_dim3A_2070, %select_n3A_2060 : vector<8x1024xi1>, vector<8x1024xi32>
    %get3A_2072 = arith.constant 456 : index
    %get3A_2073 = arith.constant 0 : index
    %get3A_2074 = vector.load %arg8[%get3A_2072, %get3A_2073] : memref<1024x1024xf32, #tpu.memory_space<vmem>>, vector<8x1024xf32>
    %lt3A_2075 = arith.cmpf olt, %get3A_2074, %min3A_2065 : vector<8x1024xf32>
    %min3A_2076 = arith.minimumf %min3A_2065, %get3A_2074 : vector<8x1024xf32>
    %mul3A_2077 = arith.constant 128 : i32
    %mul3A_2078 = arith.muli %mul3A_1449, %mul3A_2077 : i32
    %add3A_2079 = arith.constant 57 : i32
    %add3A_2080 = arith.addi %mul3A_2078, %add3A_2079 : i32
    %broadcast_in_dim3A_2081 = vector.broadcast %add3A_2080 : i32 to vector<8x1024xi32>
    %select_n3A_2082 = arith.select %lt3A_2075, %broadcast_in_dim3A_2081, %select_n3A_2071 : vector<8x1024xi1>, vector<8x1024xi32>
    %get3A_2083 = arith.constant 464 : index
    %get3A_2084 = arith.constant 0 : index
    %get3A_2085 = vector.load %arg8[%get3A_2083, %get3A_2084] : memref<1024x1024xf32, #tpu.memory_space<vmem>>, vector<8x1024xf32>
    %lt3A_2086 = arith.cmpf olt, %get3A_2085, %min3A_2076 : vector<8x1024xf32>
    %min3A_2087 = arith.minimumf %min3A_2076, %get3A_2085 : vector<8x1024xf32>
    %mul3A_2088 = arith.constant 128 : i32
    %mul3A_2089 = arith.muli %mul3A_1449, %mul3A_2088 : i32
    %add3A_2090 = arith.constant 58 : i32
    %add3A_2091 = arith.addi %mul3A_2089, %add3A_2090 : i32
    %broadcast_in_dim3A_2092 = vector.broadcast %add3A_2091 : i32 to vector<8x1024xi32>
    %select_n3A_2093 = arith.select %lt3A_2086, %broadcast_in_dim3A_2092, %select_n3A_2082 : vector<8x1024xi1>, vector<8x1024xi32>
    %get3A_2094 = arith.constant 472 : index
    %get3A_2095 = arith.constant 0 : index
    %get3A_2096 = vector.load %arg8[%get3A_2094, %get3A_2095] : memref<1024x1024xf32, #tpu.memory_space<vmem>>, vector<8x1024xf32>
    %lt3A_2097 = arith.cmpf olt, %get3A_2096, %min3A_2087 : vector<8x1024xf32>
    %min3A_2098 = arith.minimumf %min3A_2087, %get3A_2096 : vector<8x1024xf32>
    %mul3A_2099 = arith.constant 128 : i32
    %mul3A_2100 = arith.muli %mul3A_1449, %mul3A_2099 : i32
    %add3A_2101 = arith.constant 59 : i32
    %add3A_2102 = arith.addi %mul3A_2100, %add3A_2101 : i32
    %broadcast_in_dim3A_2103 = vector.broadcast %add3A_2102 : i32 to vector<8x1024xi32>
    %select_n3A_2104 = arith.select %lt3A_2097, %broadcast_in_dim3A_2103, %select_n3A_2093 : vector<8x1024xi1>, vector<8x1024xi32>
    %get3A_2105 = arith.constant 480 : index
    %get3A_2106 = arith.constant 0 : index
    %get3A_2107 = vector.load %arg8[%get3A_2105, %get3A_2106] : memref<1024x1024xf32, #tpu.memory_space<vmem>>, vector<8x1024xf32>
    %lt3A_2108 = arith.cmpf olt, %get3A_2107, %min3A_2098 : vector<8x1024xf32>
    %min3A_2109 = arith.minimumf %min3A_2098, %get3A_2107 : vector<8x1024xf32>
    %mul3A_2110 = arith.constant 128 : i32
    %mul3A_2111 = arith.muli %mul3A_1449, %mul3A_2110 : i32
    %add3A_2112 = arith.constant 60 : i32
    %add3A_2113 = arith.addi %mul3A_2111, %add3A_2112 : i32
    %broadcast_in_dim3A_2114 = vector.broadcast %add3A_2113 : i32 to vector<8x1024xi32>
    %select_n3A_2115 = arith.select %lt3A_2108, %broadcast_in_dim3A_2114, %select_n3A_2104 : vector<8x1024xi1>, vector<8x1024xi32>
    %get3A_2116 = arith.constant 488 : index
    %get3A_2117 = arith.constant 0 : index
    %get3A_2118 = vector.load %arg8[%get3A_2116, %get3A_2117] : memref<1024x1024xf32, #tpu.memory_space<vmem>>, vector<8x1024xf32>
    %lt3A_2119 = arith.cmpf olt, %get3A_2118, %min3A_2109 : vector<8x1024xf32>
    %min3A_2120 = arith.minimumf %min3A_2109, %get3A_2118 : vector<8x1024xf32>
    %mul3A_2121 = arith.constant 128 : i32
    %mul3A_2122 = arith.muli %mul3A_1449, %mul3A_2121 : i32
    %add3A_2123 = arith.constant 61 : i32
    %add3A_2124 = arith.addi %mul3A_2122, %add3A_2123 : i32
    %broadcast_in_dim3A_2125 = vector.broadcast %add3A_2124 : i32 to vector<8x1024xi32>
    %select_n3A_2126 = arith.select %lt3A_2119, %broadcast_in_dim3A_2125, %select_n3A_2115 : vector<8x1024xi1>, vector<8x1024xi32>
    %get3A_2127 = arith.constant 496 : index
    %get3A_2128 = arith.constant 0 : index
    %get3A_2129 = vector.load %arg8[%get3A_2127, %get3A_2128] : memref<1024x1024xf32, #tpu.memory_space<vmem>>, vector<8x1024xf32>
    %lt3A_2130 = arith.cmpf olt, %get3A_2129, %min3A_2120 : vector<8x1024xf32>
    %min3A_2131 = arith.minimumf %min3A_2120, %get3A_2129 : vector<8x1024xf32>
    %mul3A_2132 = arith.constant 128 : i32
    %mul3A_2133 = arith.muli %mul3A_1449, %mul3A_2132 : i32
    %add3A_2134 = arith.constant 62 : i32
    %add3A_2135 = arith.addi %mul3A_2133, %add3A_2134 : i32
    %broadcast_in_dim3A_2136 = vector.broadcast %add3A_2135 : i32 to vector<8x1024xi32>
    %select_n3A_2137 = arith.select %lt3A_2130, %broadcast_in_dim3A_2136, %select_n3A_2126 : vector<8x1024xi1>, vector<8x1024xi32>
    %get3A_2138 = arith.constant 504 : index
    %get3A_2139 = arith.constant 0 : index
    %get3A_2140 = vector.load %arg8[%get3A_2138, %get3A_2139] : memref<1024x1024xf32, #tpu.memory_space<vmem>>, vector<8x1024xf32>
    %lt3A_2141 = arith.cmpf olt, %get3A_2140, %min3A_2131 : vector<8x1024xf32>
    %min3A_2142 = arith.minimumf %min3A_2131, %get3A_2140 : vector<8x1024xf32>
    %mul3A_2143 = arith.constant 128 : i32
    %mul3A_2144 = arith.muli %mul3A_1449, %mul3A_2143 : i32
    %add3A_2145 = arith.constant 63 : i32
    %add3A_2146 = arith.addi %mul3A_2144, %add3A_2145 : i32
    %broadcast_in_dim3A_2147 = vector.broadcast %add3A_2146 : i32 to vector<8x1024xi32>
    %select_n3A_2148 = arith.select %lt3A_2141, %broadcast_in_dim3A_2147, %select_n3A_2137 : vector<8x1024xi1>, vector<8x1024xi32>
    %get3A_2149 = arith.constant 512 : index
    %get3A_2150 = arith.constant 0 : index
    %get3A_2151 = vector.load %arg8[%get3A_2149, %get3A_2150] : memref<1024x1024xf32, #tpu.memory_space<vmem>>, vector<8x1024xf32>
    %lt3A_2152 = arith.cmpf olt, %get3A_2151, %min3A_2142 : vector<8x1024xf32>
    %min3A_2153 = arith.minimumf %min3A_2142, %get3A_2151 : vector<8x1024xf32>
    %mul3A_2154 = arith.constant 128 : i32
    %mul3A_2155 = arith.muli %mul3A_1449, %mul3A_2154 : i32
    %add3A_2156 = arith.constant 64 : i32
    %add3A_2157 = arith.addi %mul3A_2155, %add3A_2156 : i32
    %broadcast_in_dim3A_2158 = vector.broadcast %add3A_2157 : i32 to vector<8x1024xi32>
    %select_n3A_2159 = arith.select %lt3A_2152, %broadcast_in_dim3A_2158, %select_n3A_2148 : vector<8x1024xi1>, vector<8x1024xi32>
    %get3A_2160 = arith.constant 520 : index
    %get3A_2161 = arith.constant 0 : index
    %get3A_2162 = vector.load %arg8[%get3A_2160, %get3A_2161] : memref<1024x1024xf32, #tpu.memory_space<vmem>>, vector<8x1024xf32>
    %lt3A_2163 = arith.cmpf olt, %get3A_2162, %min3A_2153 : vector<8x1024xf32>
    %min3A_2164 = arith.minimumf %min3A_2153, %get3A_2162 : vector<8x1024xf32>
    %mul3A_2165 = arith.constant 128 : i32
    %mul3A_2166 = arith.muli %mul3A_1449, %mul3A_2165 : i32
    %add3A_2167 = arith.constant 65 : i32
    %add3A_2168 = arith.addi %mul3A_2166, %add3A_2167 : i32
    %broadcast_in_dim3A_2169 = vector.broadcast %add3A_2168 : i32 to vector<8x1024xi32>
    %select_n3A_2170 = arith.select %lt3A_2163, %broadcast_in_dim3A_2169, %select_n3A_2159 : vector<8x1024xi1>, vector<8x1024xi32>
    %get3A_2171 = arith.constant 528 : index
    %get3A_2172 = arith.constant 0 : index
    %get3A_2173 = vector.load %arg8[%get3A_2171, %get3A_2172] : memref<1024x1024xf32, #tpu.memory_space<vmem>>, vector<8x1024xf32>
    %lt3A_2174 = arith.cmpf olt, %get3A_2173, %min3A_2164 : vector<8x1024xf32>
    %min3A_2175 = arith.minimumf %min3A_2164, %get3A_2173 : vector<8x1024xf32>
    %mul3A_2176 = arith.constant 128 : i32
    %mul3A_2177 = arith.muli %mul3A_1449, %mul3A_2176 : i32
    %add3A_2178 = arith.constant 66 : i32
    %add3A_2179 = arith.addi %mul3A_2177, %add3A_2178 : i32
    %broadcast_in_dim3A_2180 = vector.broadcast %add3A_2179 : i32 to vector<8x1024xi32>
    %select_n3A_2181 = arith.select %lt3A_2174, %broadcast_in_dim3A_2180, %select_n3A_2170 : vector<8x1024xi1>, vector<8x1024xi32>
    %get3A_2182 = arith.constant 536 : index
    %get3A_2183 = arith.constant 0 : index
    %get3A_2184 = vector.load %arg8[%get3A_2182, %get3A_2183] : memref<1024x1024xf32, #tpu.memory_space<vmem>>, vector<8x1024xf32>
    %lt3A_2185 = arith.cmpf olt, %get3A_2184, %min3A_2175 : vector<8x1024xf32>
    %min3A_2186 = arith.minimumf %min3A_2175, %get3A_2184 : vector<8x1024xf32>
    %mul3A_2187 = arith.constant 128 : i32
    %mul3A_2188 = arith.muli %mul3A_1449, %mul3A_2187 : i32
    %add3A_2189 = arith.constant 67 : i32
    %add3A_2190 = arith.addi %mul3A_2188, %add3A_2189 : i32
    %broadcast_in_dim3A_2191 = vector.broadcast %add3A_2190 : i32 to vector<8x1024xi32>
    %select_n3A_2192 = arith.select %lt3A_2185, %broadcast_in_dim3A_2191, %select_n3A_2181 : vector<8x1024xi1>, vector<8x1024xi32>
    %get3A_2193 = arith.constant 544 : index
    %get3A_2194 = arith.constant 0 : index
    %get3A_2195 = vector.load %arg8[%get3A_2193, %get3A_2194] : memref<1024x1024xf32, #tpu.memory_space<vmem>>, vector<8x1024xf32>
    %lt3A_2196 = arith.cmpf olt, %get3A_2195, %min3A_2186 : vector<8x1024xf32>
    %min3A_2197 = arith.minimumf %min3A_2186, %get3A_2195 : vector<8x1024xf32>
    %mul3A_2198 = arith.constant 128 : i32
    %mul3A_2199 = arith.muli %mul3A_1449, %mul3A_2198 : i32
    %add3A_2200 = arith.constant 68 : i32
    %add3A_2201 = arith.addi %mul3A_2199, %add3A_2200 : i32
    %broadcast_in_dim3A_2202 = vector.broadcast %add3A_2201 : i32 to vector<8x1024xi32>
    %select_n3A_2203 = arith.select %lt3A_2196, %broadcast_in_dim3A_2202, %select_n3A_2192 : vector<8x1024xi1>, vector<8x1024xi32>
    %get3A_2204 = arith.constant 552 : index
    %get3A_2205 = arith.constant 0 : index
    %get3A_2206 = vector.load %arg8[%get3A_2204, %get3A_2205] : memref<1024x1024xf32, #tpu.memory_space<vmem>>, vector<8x1024xf32>
    %lt3A_2207 = arith.cmpf olt, %get3A_2206, %min3A_2197 : vector<8x1024xf32>
    %min3A_2208 = arith.minimumf %min3A_2197, %get3A_2206 : vector<8x1024xf32>
    %mul3A_2209 = arith.constant 128 : i32
    %mul3A_2210 = arith.muli %mul3A_1449, %mul3A_2209 : i32
    %add3A_2211 = arith.constant 69 : i32
    %add3A_2212 = arith.addi %mul3A_2210, %add3A_2211 : i32
    %broadcast_in_dim3A_2213 = vector.broadcast %add3A_2212 : i32 to vector<8x1024xi32>
    %select_n3A_2214 = arith.select %lt3A_2207, %broadcast_in_dim3A_2213, %select_n3A_2203 : vector<8x1024xi1>, vector<8x1024xi32>
    %get3A_2215 = arith.constant 560 : index
    %get3A_2216 = arith.constant 0 : index
    %get3A_2217 = vector.load %arg8[%get3A_2215, %get3A_2216] : memref<1024x1024xf32, #tpu.memory_space<vmem>>, vector<8x1024xf32>
    %lt3A_2218 = arith.cmpf olt, %get3A_2217, %min3A_2208 : vector<8x1024xf32>
    %min3A_2219 = arith.minimumf %min3A_2208, %get3A_2217 : vector<8x1024xf32>
    %mul3A_2220 = arith.constant 128 : i32
    %mul3A_2221 = arith.muli %mul3A_1449, %mul3A_2220 : i32
    %add3A_2222 = arith.constant 70 : i32
    %add3A_2223 = arith.addi %mul3A_2221, %add3A_2222 : i32
    %broadcast_in_dim3A_2224 = vector.broadcast %add3A_2223 : i32 to vector<8x1024xi32>
    %select_n3A_2225 = arith.select %lt3A_2218, %broadcast_in_dim3A_2224, %select_n3A_2214 : vector<8x1024xi1>, vector<8x1024xi32>
    %get3A_2226 = arith.constant 568 : index
    %get3A_2227 = arith.constant 0 : index
    %get3A_2228 = vector.load %arg8[%get3A_2226, %get3A_2227] : memref<1024x1024xf32, #tpu.memory_space<vmem>>, vector<8x1024xf32>
    %lt3A_2229 = arith.cmpf olt, %get3A_2228, %min3A_2219 : vector<8x1024xf32>
    %min3A_2230 = arith.minimumf %min3A_2219, %get3A_2228 : vector<8x1024xf32>
    %mul3A_2231 = arith.constant 128 : i32
    %mul3A_2232 = arith.muli %mul3A_1449, %mul3A_2231 : i32
    %add3A_2233 = arith.constant 71 : i32
    %add3A_2234 = arith.addi %mul3A_2232, %add3A_2233 : i32
    %broadcast_in_dim3A_2235 = vector.broadcast %add3A_2234 : i32 to vector<8x1024xi32>
    %select_n3A_2236 = arith.select %lt3A_2229, %broadcast_in_dim3A_2235, %select_n3A_2225 : vector<8x1024xi1>, vector<8x1024xi32>
    %get3A_2237 = arith.constant 576 : index
    %get3A_2238 = arith.constant 0 : index
    %get3A_2239 = vector.load %arg8[%get3A_2237, %get3A_2238] : memref<1024x1024xf32, #tpu.memory_space<vmem>>, vector<8x1024xf32>
    %lt3A_2240 = arith.cmpf olt, %get3A_2239, %min3A_2230 : vector<8x1024xf32>
    %min3A_2241 = arith.minimumf %min3A_2230, %get3A_2239 : vector<8x1024xf32>
    %mul3A_2242 = arith.constant 128 : i32
    %mul3A_2243 = arith.muli %mul3A_1449, %mul3A_2242 : i32
    %add3A_2244 = arith.constant 72 : i32
    %add3A_2245 = arith.addi %mul3A_2243, %add3A_2244 : i32
    %broadcast_in_dim3A_2246 = vector.broadcast %add3A_2245 : i32 to vector<8x1024xi32>
    %select_n3A_2247 = arith.select %lt3A_2240, %broadcast_in_dim3A_2246, %select_n3A_2236 : vector<8x1024xi1>, vector<8x1024xi32>
    %get3A_2248 = arith.constant 584 : index
    %get3A_2249 = arith.constant 0 : index
    %get3A_2250 = vector.load %arg8[%get3A_2248, %get3A_2249] : memref<1024x1024xf32, #tpu.memory_space<vmem>>, vector<8x1024xf32>
    %lt3A_2251 = arith.cmpf olt, %get3A_2250, %min3A_2241 : vector<8x1024xf32>
    %min3A_2252 = arith.minimumf %min3A_2241, %get3A_2250 : vector<8x1024xf32>
    %mul3A_2253 = arith.constant 128 : i32
    %mul3A_2254 = arith.muli %mul3A_1449, %mul3A_2253 : i32
    %add3A_2255 = arith.constant 73 : i32
    %add3A_2256 = arith.addi %mul3A_2254, %add3A_2255 : i32
    %broadcast_in_dim3A_2257 = vector.broadcast %add3A_2256 : i32 to vector<8x1024xi32>
    %select_n3A_2258 = arith.select %lt3A_2251, %broadcast_in_dim3A_2257, %select_n3A_2247 : vector<8x1024xi1>, vector<8x1024xi32>
    %get3A_2259 = arith.constant 592 : index
    %get3A_2260 = arith.constant 0 : index
    %get3A_2261 = vector.load %arg8[%get3A_2259, %get3A_2260] : memref<1024x1024xf32, #tpu.memory_space<vmem>>, vector<8x1024xf32>
    %lt3A_2262 = arith.cmpf olt, %get3A_2261, %min3A_2252 : vector<8x1024xf32>
    %min3A_2263 = arith.minimumf %min3A_2252, %get3A_2261 : vector<8x1024xf32>
    %mul3A_2264 = arith.constant 128 : i32
    %mul3A_2265 = arith.muli %mul3A_1449, %mul3A_2264 : i32
    %add3A_2266 = arith.constant 74 : i32
    %add3A_2267 = arith.addi %mul3A_2265, %add3A_2266 : i32
    %broadcast_in_dim3A_2268 = vector.broadcast %add3A_2267 : i32 to vector<8x1024xi32>
    %select_n3A_2269 = arith.select %lt3A_2262, %broadcast_in_dim3A_2268, %select_n3A_2258 : vector<8x1024xi1>, vector<8x1024xi32>
    %get3A_2270 = arith.constant 600 : index
    %get3A_2271 = arith.constant 0 : index
    %get3A_2272 = vector.load %arg8[%get3A_2270, %get3A_2271] : memref<1024x1024xf32, #tpu.memory_space<vmem>>, vector<8x1024xf32>
    %lt3A_2273 = arith.cmpf olt, %get3A_2272, %min3A_2263 : vector<8x1024xf32>
    %min3A_2274 = arith.minimumf %min3A_2263, %get3A_2272 : vector<8x1024xf32>
    %mul3A_2275 = arith.constant 128 : i32
    %mul3A_2276 = arith.muli %mul3A_1449, %mul3A_2275 : i32
    %add3A_2277 = arith.constant 75 : i32
    %add3A_2278 = arith.addi %mul3A_2276, %add3A_2277 : i32
    %broadcast_in_dim3A_2279 = vector.broadcast %add3A_2278 : i32 to vector<8x1024xi32>
    %select_n3A_2280 = arith.select %lt3A_2273, %broadcast_in_dim3A_2279, %select_n3A_2269 : vector<8x1024xi1>, vector<8x1024xi32>
    %get3A_2281 = arith.constant 608 : index
    %get3A_2282 = arith.constant 0 : index
    %get3A_2283 = vector.load %arg8[%get3A_2281, %get3A_2282] : memref<1024x1024xf32, #tpu.memory_space<vmem>>, vector<8x1024xf32>
    %lt3A_2284 = arith.cmpf olt, %get3A_2283, %min3A_2274 : vector<8x1024xf32>
    %min3A_2285 = arith.minimumf %min3A_2274, %get3A_2283 : vector<8x1024xf32>
    %mul3A_2286 = arith.constant 128 : i32
    %mul3A_2287 = arith.muli %mul3A_1449, %mul3A_2286 : i32
    %add3A_2288 = arith.constant 76 : i32
    %add3A_2289 = arith.addi %mul3A_2287, %add3A_2288 : i32
    %broadcast_in_dim3A_2290 = vector.broadcast %add3A_2289 : i32 to vector<8x1024xi32>
    %select_n3A_2291 = arith.select %lt3A_2284, %broadcast_in_dim3A_2290, %select_n3A_2280 : vector<8x1024xi1>, vector<8x1024xi32>
    %get3A_2292 = arith.constant 616 : index
    %get3A_2293 = arith.constant 0 : index
    %get3A_2294 = vector.load %arg8[%get3A_2292, %get3A_2293] : memref<1024x1024xf32, #tpu.memory_space<vmem>>, vector<8x1024xf32>
    %lt3A_2295 = arith.cmpf olt, %get3A_2294, %min3A_2285 : vector<8x1024xf32>
    %min3A_2296 = arith.minimumf %min3A_2285, %get3A_2294 : vector<8x1024xf32>
    %mul3A_2297 = arith.constant 128 : i32
    %mul3A_2298 = arith.muli %mul3A_1449, %mul3A_2297 : i32
    %add3A_2299 = arith.constant 77 : i32
    %add3A_2300 = arith.addi %mul3A_2298, %add3A_2299 : i32
    %broadcast_in_dim3A_2301 = vector.broadcast %add3A_2300 : i32 to vector<8x1024xi32>
    %select_n3A_2302 = arith.select %lt3A_2295, %broadcast_in_dim3A_2301, %select_n3A_2291 : vector<8x1024xi1>, vector<8x1024xi32>
    %get3A_2303 = arith.constant 624 : index
    %get3A_2304 = arith.constant 0 : index
    %get3A_2305 = vector.load %arg8[%get3A_2303, %get3A_2304] : memref<1024x1024xf32, #tpu.memory_space<vmem>>, vector<8x1024xf32>
    %lt3A_2306 = arith.cmpf olt, %get3A_2305, %min3A_2296 : vector<8x1024xf32>
    %min3A_2307 = arith.minimumf %min3A_2296, %get3A_2305 : vector<8x1024xf32>
    %mul3A_2308 = arith.constant 128 : i32
    %mul3A_2309 = arith.muli %mul3A_1449, %mul3A_2308 : i32
    %add3A_2310 = arith.constant 78 : i32
    %add3A_2311 = arith.addi %mul3A_2309, %add3A_2310 : i32
    %broadcast_in_dim3A_2312 = vector.broadcast %add3A_2311 : i32 to vector<8x1024xi32>
    %select_n3A_2313 = arith.select %lt3A_2306, %broadcast_in_dim3A_2312, %select_n3A_2302 : vector<8x1024xi1>, vector<8x1024xi32>
    %get3A_2314 = arith.constant 632 : index
    %get3A_2315 = arith.constant 0 : index
    %get3A_2316 = vector.load %arg8[%get3A_2314, %get3A_2315] : memref<1024x1024xf32, #tpu.memory_space<vmem>>, vector<8x1024xf32>
    %lt3A_2317 = arith.cmpf olt, %get3A_2316, %min3A_2307 : vector<8x1024xf32>
    %min3A_2318 = arith.minimumf %min3A_2307, %get3A_2316 : vector<8x1024xf32>
    %mul3A_2319 = arith.constant 128 : i32
    %mul3A_2320 = arith.muli %mul3A_1449, %mul3A_2319 : i32
    %add3A_2321 = arith.constant 79 : i32
    %add3A_2322 = arith.addi %mul3A_2320, %add3A_2321 : i32
    %broadcast_in_dim3A_2323 = vector.broadcast %add3A_2322 : i32 to vector<8x1024xi32>
    %select_n3A_2324 = arith.select %lt3A_2317, %broadcast_in_dim3A_2323, %select_n3A_2313 : vector<8x1024xi1>, vector<8x1024xi32>
    %get3A_2325 = arith.constant 640 : index
    %get3A_2326 = arith.constant 0 : index
    %get3A_2327 = vector.load %arg8[%get3A_2325, %get3A_2326] : memref<1024x1024xf32, #tpu.memory_space<vmem>>, vector<8x1024xf32>
    %lt3A_2328 = arith.cmpf olt, %get3A_2327, %min3A_2318 : vector<8x1024xf32>
    %min3A_2329 = arith.minimumf %min3A_2318, %get3A_2327 : vector<8x1024xf32>
    %mul3A_2330 = arith.constant 128 : i32
    %mul3A_2331 = arith.muli %mul3A_1449, %mul3A_2330 : i32
    %add3A_2332 = arith.constant 80 : i32
    %add3A_2333 = arith.addi %mul3A_2331, %add3A_2332 : i32
    %broadcast_in_dim3A_2334 = vector.broadcast %add3A_2333 : i32 to vector<8x1024xi32>
    %select_n3A_2335 = arith.select %lt3A_2328, %broadcast_in_dim3A_2334, %select_n3A_2324 : vector<8x1024xi1>, vector<8x1024xi32>
    %get3A_2336 = arith.constant 648 : index
    %get3A_2337 = arith.constant 0 : index
    %get3A_2338 = vector.load %arg8[%get3A_2336, %get3A_2337] : memref<1024x1024xf32, #tpu.memory_space<vmem>>, vector<8x1024xf32>
    %lt3A_2339 = arith.cmpf olt, %get3A_2338, %min3A_2329 : vector<8x1024xf32>
    %min3A_2340 = arith.minimumf %min3A_2329, %get3A_2338 : vector<8x1024xf32>
    %mul3A_2341 = arith.constant 128 : i32
    %mul3A_2342 = arith.muli %mul3A_1449, %mul3A_2341 : i32
    %add3A_2343 = arith.constant 81 : i32
    %add3A_2344 = arith.addi %mul3A_2342, %add3A_2343 : i32
    %broadcast_in_dim3A_2345 = vector.broadcast %add3A_2344 : i32 to vector<8x1024xi32>
    %select_n3A_2346 = arith.select %lt3A_2339, %broadcast_in_dim3A_2345, %select_n3A_2335 : vector<8x1024xi1>, vector<8x1024xi32>
    %get3A_2347 = arith.constant 656 : index
    %get3A_2348 = arith.constant 0 : index
    %get3A_2349 = vector.load %arg8[%get3A_2347, %get3A_2348] : memref<1024x1024xf32, #tpu.memory_space<vmem>>, vector<8x1024xf32>
    %lt3A_2350 = arith.cmpf olt, %get3A_2349, %min3A_2340 : vector<8x1024xf32>
    %min3A_2351 = arith.minimumf %min3A_2340, %get3A_2349 : vector<8x1024xf32>
    %mul3A_2352 = arith.constant 128 : i32
    %mul3A_2353 = arith.muli %mul3A_1449, %mul3A_2352 : i32
    %add3A_2354 = arith.constant 82 : i32
    %add3A_2355 = arith.addi %mul3A_2353, %add3A_2354 : i32
    %broadcast_in_dim3A_2356 = vector.broadcast %add3A_2355 : i32 to vector<8x1024xi32>
    %select_n3A_2357 = arith.select %lt3A_2350, %broadcast_in_dim3A_2356, %select_n3A_2346 : vector<8x1024xi1>, vector<8x1024xi32>
    %get3A_2358 = arith.constant 664 : index
    %get3A_2359 = arith.constant 0 : index
    %get3A_2360 = vector.load %arg8[%get3A_2358, %get3A_2359] : memref<1024x1024xf32, #tpu.memory_space<vmem>>, vector<8x1024xf32>
    %lt3A_2361 = arith.cmpf olt, %get3A_2360, %min3A_2351 : vector<8x1024xf32>
    %min3A_2362 = arith.minimumf %min3A_2351, %get3A_2360 : vector<8x1024xf32>
    %mul3A_2363 = arith.constant 128 : i32
    %mul3A_2364 = arith.muli %mul3A_1449, %mul3A_2363 : i32
    %add3A_2365 = arith.constant 83 : i32
    %add3A_2366 = arith.addi %mul3A_2364, %add3A_2365 : i32
    %broadcast_in_dim3A_2367 = vector.broadcast %add3A_2366 : i32 to vector<8x1024xi32>
    %select_n3A_2368 = arith.select %lt3A_2361, %broadcast_in_dim3A_2367, %select_n3A_2357 : vector<8x1024xi1>, vector<8x1024xi32>
    %get3A_2369 = arith.constant 672 : index
    %get3A_2370 = arith.constant 0 : index
    %get3A_2371 = vector.load %arg8[%get3A_2369, %get3A_2370] : memref<1024x1024xf32, #tpu.memory_space<vmem>>, vector<8x1024xf32>
    %lt3A_2372 = arith.cmpf olt, %get3A_2371, %min3A_2362 : vector<8x1024xf32>
    %min3A_2373 = arith.minimumf %min3A_2362, %get3A_2371 : vector<8x1024xf32>
    %mul3A_2374 = arith.constant 128 : i32
    %mul3A_2375 = arith.muli %mul3A_1449, %mul3A_2374 : i32
    %add3A_2376 = arith.constant 84 : i32
    %add3A_2377 = arith.addi %mul3A_2375, %add3A_2376 : i32
    %broadcast_in_dim3A_2378 = vector.broadcast %add3A_2377 : i32 to vector<8x1024xi32>
    %select_n3A_2379 = arith.select %lt3A_2372, %broadcast_in_dim3A_2378, %select_n3A_2368 : vector<8x1024xi1>, vector<8x1024xi32>
    %get3A_2380 = arith.constant 680 : index
    %get3A_2381 = arith.constant 0 : index
    %get3A_2382 = vector.load %arg8[%get3A_2380, %get3A_2381] : memref<1024x1024xf32, #tpu.memory_space<vmem>>, vector<8x1024xf32>
    %lt3A_2383 = arith.cmpf olt, %get3A_2382, %min3A_2373 : vector<8x1024xf32>
    %min3A_2384 = arith.minimumf %min3A_2373, %get3A_2382 : vector<8x1024xf32>
    %mul3A_2385 = arith.constant 128 : i32
    %mul3A_2386 = arith.muli %mul3A_1449, %mul3A_2385 : i32
    %add3A_2387 = arith.constant 85 : i32
    %add3A_2388 = arith.addi %mul3A_2386, %add3A_2387 : i32
    %broadcast_in_dim3A_2389 = vector.broadcast %add3A_2388 : i32 to vector<8x1024xi32>
    %select_n3A_2390 = arith.select %lt3A_2383, %broadcast_in_dim3A_2389, %select_n3A_2379 : vector<8x1024xi1>, vector<8x1024xi32>
    %get3A_2391 = arith.constant 688 : index
    %get3A_2392 = arith.constant 0 : index
    %get3A_2393 = vector.load %arg8[%get3A_2391, %get3A_2392] : memref<1024x1024xf32, #tpu.memory_space<vmem>>, vector<8x1024xf32>
    %lt3A_2394 = arith.cmpf olt, %get3A_2393, %min3A_2384 : vector<8x1024xf32>
    %min3A_2395 = arith.minimumf %min3A_2384, %get3A_2393 : vector<8x1024xf32>
    %mul3A_2396 = arith.constant 128 : i32
    %mul3A_2397 = arith.muli %mul3A_1449, %mul3A_2396 : i32
    %add3A_2398 = arith.constant 86 : i32
    %add3A_2399 = arith.addi %mul3A_2397, %add3A_2398 : i32
    %broadcast_in_dim3A_2400 = vector.broadcast %add3A_2399 : i32 to vector<8x1024xi32>
    %select_n3A_2401 = arith.select %lt3A_2394, %broadcast_in_dim3A_2400, %select_n3A_2390 : vector<8x1024xi1>, vector<8x1024xi32>
    %get3A_2402 = arith.constant 696 : index
    %get3A_2403 = arith.constant 0 : index
    %get3A_2404 = vector.load %arg8[%get3A_2402, %get3A_2403] : memref<1024x1024xf32, #tpu.memory_space<vmem>>, vector<8x1024xf32>
    %lt3A_2405 = arith.cmpf olt, %get3A_2404, %min3A_2395 : vector<8x1024xf32>
    %min3A_2406 = arith.minimumf %min3A_2395, %get3A_2404 : vector<8x1024xf32>
    %mul3A_2407 = arith.constant 128 : i32
    %mul3A_2408 = arith.muli %mul3A_1449, %mul3A_2407 : i32
    %add3A_2409 = arith.constant 87 : i32
    %add3A_2410 = arith.addi %mul3A_2408, %add3A_2409 : i32
    %broadcast_in_dim3A_2411 = vector.broadcast %add3A_2410 : i32 to vector<8x1024xi32>
    %select_n3A_2412 = arith.select %lt3A_2405, %broadcast_in_dim3A_2411, %select_n3A_2401 : vector<8x1024xi1>, vector<8x1024xi32>
    %get3A_2413 = arith.constant 704 : index
    %get3A_2414 = arith.constant 0 : index
    %get3A_2415 = vector.load %arg8[%get3A_2413, %get3A_2414] : memref<1024x1024xf32, #tpu.memory_space<vmem>>, vector<8x1024xf32>
    %lt3A_2416 = arith.cmpf olt, %get3A_2415, %min3A_2406 : vector<8x1024xf32>
    %min3A_2417 = arith.minimumf %min3A_2406, %get3A_2415 : vector<8x1024xf32>
    %mul3A_2418 = arith.constant 128 : i32
    %mul3A_2419 = arith.muli %mul3A_1449, %mul3A_2418 : i32
    %add3A_2420 = arith.constant 88 : i32
    %add3A_2421 = arith.addi %mul3A_2419, %add3A_2420 : i32
    %broadcast_in_dim3A_2422 = vector.broadcast %add3A_2421 : i32 to vector<8x1024xi32>
    %select_n3A_2423 = arith.select %lt3A_2416, %broadcast_in_dim3A_2422, %select_n3A_2412 : vector<8x1024xi1>, vector<8x1024xi32>
    %get3A_2424 = arith.constant 712 : index
    %get3A_2425 = arith.constant 0 : index
    %get3A_2426 = vector.load %arg8[%get3A_2424, %get3A_2425] : memref<1024x1024xf32, #tpu.memory_space<vmem>>, vector<8x1024xf32>
    %lt3A_2427 = arith.cmpf olt, %get3A_2426, %min3A_2417 : vector<8x1024xf32>
    %min3A_2428 = arith.minimumf %min3A_2417, %get3A_2426 : vector<8x1024xf32>
    %mul3A_2429 = arith.constant 128 : i32
    %mul3A_2430 = arith.muli %mul3A_1449, %mul3A_2429 : i32
    %add3A_2431 = arith.constant 89 : i32
    %add3A_2432 = arith.addi %mul3A_2430, %add3A_2431 : i32
    %broadcast_in_dim3A_2433 = vector.broadcast %add3A_2432 : i32 to vector<8x1024xi32>
    %select_n3A_2434 = arith.select %lt3A_2427, %broadcast_in_dim3A_2433, %select_n3A_2423 : vector<8x1024xi1>, vector<8x1024xi32>
    %get3A_2435 = arith.constant 720 : index
    %get3A_2436 = arith.constant 0 : index
    %get3A_2437 = vector.load %arg8[%get3A_2435, %get3A_2436] : memref<1024x1024xf32, #tpu.memory_space<vmem>>, vector<8x1024xf32>
    %lt3A_2438 = arith.cmpf olt, %get3A_2437, %min3A_2428 : vector<8x1024xf32>
    %min3A_2439 = arith.minimumf %min3A_2428, %get3A_2437 : vector<8x1024xf32>
    %mul3A_2440 = arith.constant 128 : i32
    %mul3A_2441 = arith.muli %mul3A_1449, %mul3A_2440 : i32
    %add3A_2442 = arith.constant 90 : i32
    %add3A_2443 = arith.addi %mul3A_2441, %add3A_2442 : i32
    %broadcast_in_dim3A_2444 = vector.broadcast %add3A_2443 : i32 to vector<8x1024xi32>
    %select_n3A_2445 = arith.select %lt3A_2438, %broadcast_in_dim3A_2444, %select_n3A_2434 : vector<8x1024xi1>, vector<8x1024xi32>
    %get3A_2446 = arith.constant 728 : index
    %get3A_2447 = arith.constant 0 : index
    %get3A_2448 = vector.load %arg8[%get3A_2446, %get3A_2447] : memref<1024x1024xf32, #tpu.memory_space<vmem>>, vector<8x1024xf32>
    %lt3A_2449 = arith.cmpf olt, %get3A_2448, %min3A_2439 : vector<8x1024xf32>
    %min3A_2450 = arith.minimumf %min3A_2439, %get3A_2448 : vector<8x1024xf32>
    %mul3A_2451 = arith.constant 128 : i32
    %mul3A_2452 = arith.muli %mul3A_1449, %mul3A_2451 : i32
    %add3A_2453 = arith.constant 91 : i32
    %add3A_2454 = arith.addi %mul3A_2452, %add3A_2453 : i32
    %broadcast_in_dim3A_2455 = vector.broadcast %add3A_2454 : i32 to vector<8x1024xi32>
    %select_n3A_2456 = arith.select %lt3A_2449, %broadcast_in_dim3A_2455, %select_n3A_2445 : vector<8x1024xi1>, vector<8x1024xi32>
    %get3A_2457 = arith.constant 736 : index
    %get3A_2458 = arith.constant 0 : index
    %get3A_2459 = vector.load %arg8[%get3A_2457, %get3A_2458] : memref<1024x1024xf32, #tpu.memory_space<vmem>>, vector<8x1024xf32>
    %lt3A_2460 = arith.cmpf olt, %get3A_2459, %min3A_2450 : vector<8x1024xf32>
    %min3A_2461 = arith.minimumf %min3A_2450, %get3A_2459 : vector<8x1024xf32>
    %mul3A_2462 = arith.constant 128 : i32
    %mul3A_2463 = arith.muli %mul3A_1449, %mul3A_2462 : i32
    %add3A_2464 = arith.constant 92 : i32
    %add3A_2465 = arith.addi %mul3A_2463, %add3A_2464 : i32
    %broadcast_in_dim3A_2466 = vector.broadcast %add3A_2465 : i32 to vector<8x1024xi32>
    %select_n3A_2467 = arith.select %lt3A_2460, %broadcast_in_dim3A_2466, %select_n3A_2456 : vector<8x1024xi1>, vector<8x1024xi32>
    %get3A_2468 = arith.constant 744 : index
    %get3A_2469 = arith.constant 0 : index
    %get3A_2470 = vector.load %arg8[%get3A_2468, %get3A_2469] : memref<1024x1024xf32, #tpu.memory_space<vmem>>, vector<8x1024xf32>
    %lt3A_2471 = arith.cmpf olt, %get3A_2470, %min3A_2461 : vector<8x1024xf32>
    %min3A_2472 = arith.minimumf %min3A_2461, %get3A_2470 : vector<8x1024xf32>
    %mul3A_2473 = arith.constant 128 : i32
    %mul3A_2474 = arith.muli %mul3A_1449, %mul3A_2473 : i32
    %add3A_2475 = arith.constant 93 : i32
    %add3A_2476 = arith.addi %mul3A_2474, %add3A_2475 : i32
    %broadcast_in_dim3A_2477 = vector.broadcast %add3A_2476 : i32 to vector<8x1024xi32>
    %select_n3A_2478 = arith.select %lt3A_2471, %broadcast_in_dim3A_2477, %select_n3A_2467 : vector<8x1024xi1>, vector<8x1024xi32>
    %get3A_2479 = arith.constant 752 : index
    %get3A_2480 = arith.constant 0 : index
    %get3A_2481 = vector.load %arg8[%get3A_2479, %get3A_2480] : memref<1024x1024xf32, #tpu.memory_space<vmem>>, vector<8x1024xf32>
    %lt3A_2482 = arith.cmpf olt, %get3A_2481, %min3A_2472 : vector<8x1024xf32>
    %min3A_2483 = arith.minimumf %min3A_2472, %get3A_2481 : vector<8x1024xf32>
    %mul3A_2484 = arith.constant 128 : i32
    %mul3A_2485 = arith.muli %mul3A_1449, %mul3A_2484 : i32
    %add3A_2486 = arith.constant 94 : i32
    %add3A_2487 = arith.addi %mul3A_2485, %add3A_2486 : i32
    %broadcast_in_dim3A_2488 = vector.broadcast %add3A_2487 : i32 to vector<8x1024xi32>
    %select_n3A_2489 = arith.select %lt3A_2482, %broadcast_in_dim3A_2488, %select_n3A_2478 : vector<8x1024xi1>, vector<8x1024xi32>
    %get3A_2490 = arith.constant 760 : index
    %get3A_2491 = arith.constant 0 : index
    %get3A_2492 = vector.load %arg8[%get3A_2490, %get3A_2491] : memref<1024x1024xf32, #tpu.memory_space<vmem>>, vector<8x1024xf32>
    %lt3A_2493 = arith.cmpf olt, %get3A_2492, %min3A_2483 : vector<8x1024xf32>
    %min3A_2494 = arith.minimumf %min3A_2483, %get3A_2492 : vector<8x1024xf32>
    %mul3A_2495 = arith.constant 128 : i32
    %mul3A_2496 = arith.muli %mul3A_1449, %mul3A_2495 : i32
    %add3A_2497 = arith.constant 95 : i32
    %add3A_2498 = arith.addi %mul3A_2496, %add3A_2497 : i32
    %broadcast_in_dim3A_2499 = vector.broadcast %add3A_2498 : i32 to vector<8x1024xi32>
    %select_n3A_2500 = arith.select %lt3A_2493, %broadcast_in_dim3A_2499, %select_n3A_2489 : vector<8x1024xi1>, vector<8x1024xi32>
    %get3A_2501 = arith.constant 768 : index
    %get3A_2502 = arith.constant 0 : index
    %get3A_2503 = vector.load %arg8[%get3A_2501, %get3A_2502] : memref<1024x1024xf32, #tpu.memory_space<vmem>>, vector<8x1024xf32>
    %lt3A_2504 = arith.cmpf olt, %get3A_2503, %min3A_2494 : vector<8x1024xf32>
    %min3A_2505 = arith.minimumf %min3A_2494, %get3A_2503 : vector<8x1024xf32>
    %mul3A_2506 = arith.constant 128 : i32
    %mul3A_2507 = arith.muli %mul3A_1449, %mul3A_2506 : i32
    %add3A_2508 = arith.constant 96 : i32
    %add3A_2509 = arith.addi %mul3A_2507, %add3A_2508 : i32
    %broadcast_in_dim3A_2510 = vector.broadcast %add3A_2509 : i32 to vector<8x1024xi32>
    %select_n3A_2511 = arith.select %lt3A_2504, %broadcast_in_dim3A_2510, %select_n3A_2500 : vector<8x1024xi1>, vector<8x1024xi32>
    %get3A_2512 = arith.constant 776 : index
    %get3A_2513 = arith.constant 0 : index
    %get3A_2514 = vector.load %arg8[%get3A_2512, %get3A_2513] : memref<1024x1024xf32, #tpu.memory_space<vmem>>, vector<8x1024xf32>
    %lt3A_2515 = arith.cmpf olt, %get3A_2514, %min3A_2505 : vector<8x1024xf32>
    %min3A_2516 = arith.minimumf %min3A_2505, %get3A_2514 : vector<8x1024xf32>
    %mul3A_2517 = arith.constant 128 : i32
    %mul3A_2518 = arith.muli %mul3A_1449, %mul3A_2517 : i32
    %add3A_2519 = arith.constant 97 : i32
    %add3A_2520 = arith.addi %mul3A_2518, %add3A_2519 : i32
    %broadcast_in_dim3A_2521 = vector.broadcast %add3A_2520 : i32 to vector<8x1024xi32>
    %select_n3A_2522 = arith.select %lt3A_2515, %broadcast_in_dim3A_2521, %select_n3A_2511 : vector<8x1024xi1>, vector<8x1024xi32>
    %get3A_2523 = arith.constant 784 : index
    %get3A_2524 = arith.constant 0 : index
    %get3A_2525 = vector.load %arg8[%get3A_2523, %get3A_2524] : memref<1024x1024xf32, #tpu.memory_space<vmem>>, vector<8x1024xf32>
    %lt3A_2526 = arith.cmpf olt, %get3A_2525, %min3A_2516 : vector<8x1024xf32>
    %min3A_2527 = arith.minimumf %min3A_2516, %get3A_2525 : vector<8x1024xf32>
    %mul3A_2528 = arith.constant 128 : i32
    %mul3A_2529 = arith.muli %mul3A_1449, %mul3A_2528 : i32
    %add3A_2530 = arith.constant 98 : i32
    %add3A_2531 = arith.addi %mul3A_2529, %add3A_2530 : i32
    %broadcast_in_dim3A_2532 = vector.broadcast %add3A_2531 : i32 to vector<8x1024xi32>
    %select_n3A_2533 = arith.select %lt3A_2526, %broadcast_in_dim3A_2532, %select_n3A_2522 : vector<8x1024xi1>, vector<8x1024xi32>
    %get3A_2534 = arith.constant 792 : index
    %get3A_2535 = arith.constant 0 : index
    %get3A_2536 = vector.load %arg8[%get3A_2534, %get3A_2535] : memref<1024x1024xf32, #tpu.memory_space<vmem>>, vector<8x1024xf32>
    %lt3A_2537 = arith.cmpf olt, %get3A_2536, %min3A_2527 : vector<8x1024xf32>
    %min3A_2538 = arith.minimumf %min3A_2527, %get3A_2536 : vector<8x1024xf32>
    %mul3A_2539 = arith.constant 128 : i32
    %mul3A_2540 = arith.muli %mul3A_1449, %mul3A_2539 : i32
    %add3A_2541 = arith.constant 99 : i32
    %add3A_2542 = arith.addi %mul3A_2540, %add3A_2541 : i32
    %broadcast_in_dim3A_2543 = vector.broadcast %add3A_2542 : i32 to vector<8x1024xi32>
    %select_n3A_2544 = arith.select %lt3A_2537, %broadcast_in_dim3A_2543, %select_n3A_2533 : vector<8x1024xi1>, vector<8x1024xi32>
    %get3A_2545 = arith.constant 800 : index
    %get3A_2546 = arith.constant 0 : index
    %get3A_2547 = vector.load %arg8[%get3A_2545, %get3A_2546] : memref<1024x1024xf32, #tpu.memory_space<vmem>>, vector<8x1024xf32>
    %lt3A_2548 = arith.cmpf olt, %get3A_2547, %min3A_2538 : vector<8x1024xf32>
    %min3A_2549 = arith.minimumf %min3A_2538, %get3A_2547 : vector<8x1024xf32>
    %mul3A_2550 = arith.constant 128 : i32
    %mul3A_2551 = arith.muli %mul3A_1449, %mul3A_2550 : i32
    %add3A_2552 = arith.constant 100 : i32
    %add3A_2553 = arith.addi %mul3A_2551, %add3A_2552 : i32
    %broadcast_in_dim3A_2554 = vector.broadcast %add3A_2553 : i32 to vector<8x1024xi32>
    %select_n3A_2555 = arith.select %lt3A_2548, %broadcast_in_dim3A_2554, %select_n3A_2544 : vector<8x1024xi1>, vector<8x1024xi32>
    %get3A_2556 = arith.constant 808 : index
    %get3A_2557 = arith.constant 0 : index
    %get3A_2558 = vector.load %arg8[%get3A_2556, %get3A_2557] : memref<1024x1024xf32, #tpu.memory_space<vmem>>, vector<8x1024xf32>
    %lt3A_2559 = arith.cmpf olt, %get3A_2558, %min3A_2549 : vector<8x1024xf32>
    %min3A_2560 = arith.minimumf %min3A_2549, %get3A_2558 : vector<8x1024xf32>
    %mul3A_2561 = arith.constant 128 : i32
    %mul3A_2562 = arith.muli %mul3A_1449, %mul3A_2561 : i32
    %add3A_2563 = arith.constant 101 : i32
    %add3A_2564 = arith.addi %mul3A_2562, %add3A_2563 : i32
    %broadcast_in_dim3A_2565 = vector.broadcast %add3A_2564 : i32 to vector<8x1024xi32>
    %select_n3A_2566 = arith.select %lt3A_2559, %broadcast_in_dim3A_2565, %select_n3A_2555 : vector<8x1024xi1>, vector<8x1024xi32>
    %get3A_2567 = arith.constant 816 : index
    %get3A_2568 = arith.constant 0 : index
    %get3A_2569 = vector.load %arg8[%get3A_2567, %get3A_2568] : memref<1024x1024xf32, #tpu.memory_space<vmem>>, vector<8x1024xf32>
    %lt3A_2570 = arith.cmpf olt, %get3A_2569, %min3A_2560 : vector<8x1024xf32>
    %min3A_2571 = arith.minimumf %min3A_2560, %get3A_2569 : vector<8x1024xf32>
    %mul3A_2572 = arith.constant 128 : i32
    %mul3A_2573 = arith.muli %mul3A_1449, %mul3A_2572 : i32
    %add3A_2574 = arith.constant 102 : i32
    %add3A_2575 = arith.addi %mul3A_2573, %add3A_2574 : i32
    %broadcast_in_dim3A_2576 = vector.broadcast %add3A_2575 : i32 to vector<8x1024xi32>
    %select_n3A_2577 = arith.select %lt3A_2570, %broadcast_in_dim3A_2576, %select_n3A_2566 : vector<8x1024xi1>, vector<8x1024xi32>
    %get3A_2578 = arith.constant 824 : index
    %get3A_2579 = arith.constant 0 : index
    %get3A_2580 = vector.load %arg8[%get3A_2578, %get3A_2579] : memref<1024x1024xf32, #tpu.memory_space<vmem>>, vector<8x1024xf32>
    %lt3A_2581 = arith.cmpf olt, %get3A_2580, %min3A_2571 : vector<8x1024xf32>
    %min3A_2582 = arith.minimumf %min3A_2571, %get3A_2580 : vector<8x1024xf32>
    %mul3A_2583 = arith.constant 128 : i32
    %mul3A_2584 = arith.muli %mul3A_1449, %mul3A_2583 : i32
    %add3A_2585 = arith.constant 103 : i32
    %add3A_2586 = arith.addi %mul3A_2584, %add3A_2585 : i32
    %broadcast_in_dim3A_2587 = vector.broadcast %add3A_2586 : i32 to vector<8x1024xi32>
    %select_n3A_2588 = arith.select %lt3A_2581, %broadcast_in_dim3A_2587, %select_n3A_2577 : vector<8x1024xi1>, vector<8x1024xi32>
    %get3A_2589 = arith.constant 832 : index
    %get3A_2590 = arith.constant 0 : index
    %get3A_2591 = vector.load %arg8[%get3A_2589, %get3A_2590] : memref<1024x1024xf32, #tpu.memory_space<vmem>>, vector<8x1024xf32>
    %lt3A_2592 = arith.cmpf olt, %get3A_2591, %min3A_2582 : vector<8x1024xf32>
    %min3A_2593 = arith.minimumf %min3A_2582, %get3A_2591 : vector<8x1024xf32>
    %mul3A_2594 = arith.constant 128 : i32
    %mul3A_2595 = arith.muli %mul3A_1449, %mul3A_2594 : i32
    %add3A_2596 = arith.constant 104 : i32
    %add3A_2597 = arith.addi %mul3A_2595, %add3A_2596 : i32
    %broadcast_in_dim3A_2598 = vector.broadcast %add3A_2597 : i32 to vector<8x1024xi32>
    %select_n3A_2599 = arith.select %lt3A_2592, %broadcast_in_dim3A_2598, %select_n3A_2588 : vector<8x1024xi1>, vector<8x1024xi32>
    %get3A_2600 = arith.constant 840 : index
    %get3A_2601 = arith.constant 0 : index
    %get3A_2602 = vector.load %arg8[%get3A_2600, %get3A_2601] : memref<1024x1024xf32, #tpu.memory_space<vmem>>, vector<8x1024xf32>
    %lt3A_2603 = arith.cmpf olt, %get3A_2602, %min3A_2593 : vector<8x1024xf32>
    %min3A_2604 = arith.minimumf %min3A_2593, %get3A_2602 : vector<8x1024xf32>
    %mul3A_2605 = arith.constant 128 : i32
    %mul3A_2606 = arith.muli %mul3A_1449, %mul3A_2605 : i32
    %add3A_2607 = arith.constant 105 : i32
    %add3A_2608 = arith.addi %mul3A_2606, %add3A_2607 : i32
    %broadcast_in_dim3A_2609 = vector.broadcast %add3A_2608 : i32 to vector<8x1024xi32>
    %select_n3A_2610 = arith.select %lt3A_2603, %broadcast_in_dim3A_2609, %select_n3A_2599 : vector<8x1024xi1>, vector<8x1024xi32>
    %get3A_2611 = arith.constant 848 : index
    %get3A_2612 = arith.constant 0 : index
    %get3A_2613 = vector.load %arg8[%get3A_2611, %get3A_2612] : memref<1024x1024xf32, #tpu.memory_space<vmem>>, vector<8x1024xf32>
    %lt3A_2614 = arith.cmpf olt, %get3A_2613, %min3A_2604 : vector<8x1024xf32>
    %min3A_2615 = arith.minimumf %min3A_2604, %get3A_2613 : vector<8x1024xf32>
    %mul3A_2616 = arith.constant 128 : i32
    %mul3A_2617 = arith.muli %mul3A_1449, %mul3A_2616 : i32
    %add3A_2618 = arith.constant 106 : i32
    %add3A_2619 = arith.addi %mul3A_2617, %add3A_2618 : i32
    %broadcast_in_dim3A_2620 = vector.broadcast %add3A_2619 : i32 to vector<8x1024xi32>
    %select_n3A_2621 = arith.select %lt3A_2614, %broadcast_in_dim3A_2620, %select_n3A_2610 : vector<8x1024xi1>, vector<8x1024xi32>
    %get3A_2622 = arith.constant 856 : index
    %get3A_2623 = arith.constant 0 : index
    %get3A_2624 = vector.load %arg8[%get3A_2622, %get3A_2623] : memref<1024x1024xf32, #tpu.memory_space<vmem>>, vector<8x1024xf32>
    %lt3A_2625 = arith.cmpf olt, %get3A_2624, %min3A_2615 : vector<8x1024xf32>
    %min3A_2626 = arith.minimumf %min3A_2615, %get3A_2624 : vector<8x1024xf32>
    %mul3A_2627 = arith.constant 128 : i32
    %mul3A_2628 = arith.muli %mul3A_1449, %mul3A_2627 : i32
    %add3A_2629 = arith.constant 107 : i32
    %add3A_2630 = arith.addi %mul3A_2628, %add3A_2629 : i32
    %broadcast_in_dim3A_2631 = vector.broadcast %add3A_2630 : i32 to vector<8x1024xi32>
    %select_n3A_2632 = arith.select %lt3A_2625, %broadcast_in_dim3A_2631, %select_n3A_2621 : vector<8x1024xi1>, vector<8x1024xi32>
    %get3A_2633 = arith.constant 864 : index
    %get3A_2634 = arith.constant 0 : index
    %get3A_2635 = vector.load %arg8[%get3A_2633, %get3A_2634] : memref<1024x1024xf32, #tpu.memory_space<vmem>>, vector<8x1024xf32>
    %lt3A_2636 = arith.cmpf olt, %get3A_2635, %min3A_2626 : vector<8x1024xf32>
    %min3A_2637 = arith.minimumf %min3A_2626, %get3A_2635 : vector<8x1024xf32>
    %mul3A_2638 = arith.constant 128 : i32
    %mul3A_2639 = arith.muli %mul3A_1449, %mul3A_2638 : i32
    %add3A_2640 = arith.constant 108 : i32
    %add3A_2641 = arith.addi %mul3A_2639, %add3A_2640 : i32
    %broadcast_in_dim3A_2642 = vector.broadcast %add3A_2641 : i32 to vector<8x1024xi32>
    %select_n3A_2643 = arith.select %lt3A_2636, %broadcast_in_dim3A_2642, %select_n3A_2632 : vector<8x1024xi1>, vector<8x1024xi32>
    %get3A_2644 = arith.constant 872 : index
    %get3A_2645 = arith.constant 0 : index
    %get3A_2646 = vector.load %arg8[%get3A_2644, %get3A_2645] : memref<1024x1024xf32, #tpu.memory_space<vmem>>, vector<8x1024xf32>
    %lt3A_2647 = arith.cmpf olt, %get3A_2646, %min3A_2637 : vector<8x1024xf32>
    %min3A_2648 = arith.minimumf %min3A_2637, %get3A_2646 : vector<8x1024xf32>
    %mul3A_2649 = arith.constant 128 : i32
    %mul3A_2650 = arith.muli %mul3A_1449, %mul3A_2649 : i32
    %add3A_2651 = arith.constant 109 : i32
    %add3A_2652 = arith.addi %mul3A_2650, %add3A_2651 : i32
    %broadcast_in_dim3A_2653 = vector.broadcast %add3A_2652 : i32 to vector<8x1024xi32>
    %select_n3A_2654 = arith.select %lt3A_2647, %broadcast_in_dim3A_2653, %select_n3A_2643 : vector<8x1024xi1>, vector<8x1024xi32>
    %get3A_2655 = arith.constant 880 : index
    %get3A_2656 = arith.constant 0 : index
    %get3A_2657 = vector.load %arg8[%get3A_2655, %get3A_2656] : memref<1024x1024xf32, #tpu.memory_space<vmem>>, vector<8x1024xf32>
    %lt3A_2658 = arith.cmpf olt, %get3A_2657, %min3A_2648 : vector<8x1024xf32>
    %min3A_2659 = arith.minimumf %min3A_2648, %get3A_2657 : vector<8x1024xf32>
    %mul3A_2660 = arith.constant 128 : i32
    %mul3A_2661 = arith.muli %mul3A_1449, %mul3A_2660 : i32
    %add3A_2662 = arith.constant 110 : i32
    %add3A_2663 = arith.addi %mul3A_2661, %add3A_2662 : i32
    %broadcast_in_dim3A_2664 = vector.broadcast %add3A_2663 : i32 to vector<8x1024xi32>
    %select_n3A_2665 = arith.select %lt3A_2658, %broadcast_in_dim3A_2664, %select_n3A_2654 : vector<8x1024xi1>, vector<8x1024xi32>
    %get3A_2666 = arith.constant 888 : index
    %get3A_2667 = arith.constant 0 : index
    %get3A_2668 = vector.load %arg8[%get3A_2666, %get3A_2667] : memref<1024x1024xf32, #tpu.memory_space<vmem>>, vector<8x1024xf32>
    %lt3A_2669 = arith.cmpf olt, %get3A_2668, %min3A_2659 : vector<8x1024xf32>
    %min3A_2670 = arith.minimumf %min3A_2659, %get3A_2668 : vector<8x1024xf32>
    %mul3A_2671 = arith.constant 128 : i32
    %mul3A_2672 = arith.muli %mul3A_1449, %mul3A_2671 : i32
    %add3A_2673 = arith.constant 111 : i32
    %add3A_2674 = arith.addi %mul3A_2672, %add3A_2673 : i32
    %broadcast_in_dim3A_2675 = vector.broadcast %add3A_2674 : i32 to vector<8x1024xi32>
    %select_n3A_2676 = arith.select %lt3A_2669, %broadcast_in_dim3A_2675, %select_n3A_2665 : vector<8x1024xi1>, vector<8x1024xi32>
    %get3A_2677 = arith.constant 896 : index
    %get3A_2678 = arith.constant 0 : index
    %get3A_2679 = vector.load %arg8[%get3A_2677, %get3A_2678] : memref<1024x1024xf32, #tpu.memory_space<vmem>>, vector<8x1024xf32>
    %lt3A_2680 = arith.cmpf olt, %get3A_2679, %min3A_2670 : vector<8x1024xf32>
    %min3A_2681 = arith.minimumf %min3A_2670, %get3A_2679 : vector<8x1024xf32>
    %mul3A_2682 = arith.constant 128 : i32
    %mul3A_2683 = arith.muli %mul3A_1449, %mul3A_2682 : i32
    %add3A_2684 = arith.constant 112 : i32
    %add3A_2685 = arith.addi %mul3A_2683, %add3A_2684 : i32
    %broadcast_in_dim3A_2686 = vector.broadcast %add3A_2685 : i32 to vector<8x1024xi32>
    %select_n3A_2687 = arith.select %lt3A_2680, %broadcast_in_dim3A_2686, %select_n3A_2676 : vector<8x1024xi1>, vector<8x1024xi32>
    %get3A_2688 = arith.constant 904 : index
    %get3A_2689 = arith.constant 0 : index
    %get3A_2690 = vector.load %arg8[%get3A_2688, %get3A_2689] : memref<1024x1024xf32, #tpu.memory_space<vmem>>, vector<8x1024xf32>
    %lt3A_2691 = arith.cmpf olt, %get3A_2690, %min3A_2681 : vector<8x1024xf32>
    %min3A_2692 = arith.minimumf %min3A_2681, %get3A_2690 : vector<8x1024xf32>
    %mul3A_2693 = arith.constant 128 : i32
    %mul3A_2694 = arith.muli %mul3A_1449, %mul3A_2693 : i32
    %add3A_2695 = arith.constant 113 : i32
    %add3A_2696 = arith.addi %mul3A_2694, %add3A_2695 : i32
    %broadcast_in_dim3A_2697 = vector.broadcast %add3A_2696 : i32 to vector<8x1024xi32>
    %select_n3A_2698 = arith.select %lt3A_2691, %broadcast_in_dim3A_2697, %select_n3A_2687 : vector<8x1024xi1>, vector<8x1024xi32>
    %get3A_2699 = arith.constant 912 : index
    %get3A_2700 = arith.constant 0 : index
    %get3A_2701 = vector.load %arg8[%get3A_2699, %get3A_2700] : memref<1024x1024xf32, #tpu.memory_space<vmem>>, vector<8x1024xf32>
    %lt3A_2702 = arith.cmpf olt, %get3A_2701, %min3A_2692 : vector<8x1024xf32>
    %min3A_2703 = arith.minimumf %min3A_2692, %get3A_2701 : vector<8x1024xf32>
    %mul3A_2704 = arith.constant 128 : i32
    %mul3A_2705 = arith.muli %mul3A_1449, %mul3A_2704 : i32
    %add3A_2706 = arith.constant 114 : i32
    %add3A_2707 = arith.addi %mul3A_2705, %add3A_2706 : i32
    %broadcast_in_dim3A_2708 = vector.broadcast %add3A_2707 : i32 to vector<8x1024xi32>
    %select_n3A_2709 = arith.select %lt3A_2702, %broadcast_in_dim3A_2708, %select_n3A_2698 : vector<8x1024xi1>, vector<8x1024xi32>
    %get3A_2710 = arith.constant 920 : index
    %get3A_2711 = arith.constant 0 : index
    %get3A_2712 = vector.load %arg8[%get3A_2710, %get3A_2711] : memref<1024x1024xf32, #tpu.memory_space<vmem>>, vector<8x1024xf32>
    %lt3A_2713 = arith.cmpf olt, %get3A_2712, %min3A_2703 : vector<8x1024xf32>
    %min3A_2714 = arith.minimumf %min3A_2703, %get3A_2712 : vector<8x1024xf32>
    %mul3A_2715 = arith.constant 128 : i32
    %mul3A_2716 = arith.muli %mul3A_1449, %mul3A_2715 : i32
    %add3A_2717 = arith.constant 115 : i32
    %add3A_2718 = arith.addi %mul3A_2716, %add3A_2717 : i32
    %broadcast_in_dim3A_2719 = vector.broadcast %add3A_2718 : i32 to vector<8x1024xi32>
    %select_n3A_2720 = arith.select %lt3A_2713, %broadcast_in_dim3A_2719, %select_n3A_2709 : vector<8x1024xi1>, vector<8x1024xi32>
    %get3A_2721 = arith.constant 928 : index
    %get3A_2722 = arith.constant 0 : index
    %get3A_2723 = vector.load %arg8[%get3A_2721, %get3A_2722] : memref<1024x1024xf32, #tpu.memory_space<vmem>>, vector<8x1024xf32>
    %lt3A_2724 = arith.cmpf olt, %get3A_2723, %min3A_2714 : vector<8x1024xf32>
    %min3A_2725 = arith.minimumf %min3A_2714, %get3A_2723 : vector<8x1024xf32>
    %mul3A_2726 = arith.constant 128 : i32
    %mul3A_2727 = arith.muli %mul3A_1449, %mul3A_2726 : i32
    %add3A_2728 = arith.constant 116 : i32
    %add3A_2729 = arith.addi %mul3A_2727, %add3A_2728 : i32
    %broadcast_in_dim3A_2730 = vector.broadcast %add3A_2729 : i32 to vector<8x1024xi32>
    %select_n3A_2731 = arith.select %lt3A_2724, %broadcast_in_dim3A_2730, %select_n3A_2720 : vector<8x1024xi1>, vector<8x1024xi32>
    %get3A_2732 = arith.constant 936 : index
    %get3A_2733 = arith.constant 0 : index
    %get3A_2734 = vector.load %arg8[%get3A_2732, %get3A_2733] : memref<1024x1024xf32, #tpu.memory_space<vmem>>, vector<8x1024xf32>
    %lt3A_2735 = arith.cmpf olt, %get3A_2734, %min3A_2725 : vector<8x1024xf32>
    %min3A_2736 = arith.minimumf %min3A_2725, %get3A_2734 : vector<8x1024xf32>
    %mul3A_2737 = arith.constant 128 : i32
    %mul3A_2738 = arith.muli %mul3A_1449, %mul3A_2737 : i32
    %add3A_2739 = arith.constant 117 : i32
    %add3A_2740 = arith.addi %mul3A_2738, %add3A_2739 : i32
    %broadcast_in_dim3A_2741 = vector.broadcast %add3A_2740 : i32 to vector<8x1024xi32>
    %select_n3A_2742 = arith.select %lt3A_2735, %broadcast_in_dim3A_2741, %select_n3A_2731 : vector<8x1024xi1>, vector<8x1024xi32>
    %get3A_2743 = arith.constant 944 : index
    %get3A_2744 = arith.constant 0 : index
    %get3A_2745 = vector.load %arg8[%get3A_2743, %get3A_2744] : memref<1024x1024xf32, #tpu.memory_space<vmem>>, vector<8x1024xf32>
    %lt3A_2746 = arith.cmpf olt, %get3A_2745, %min3A_2736 : vector<8x1024xf32>
    %min3A_2747 = arith.minimumf %min3A_2736, %get3A_2745 : vector<8x1024xf32>
    %mul3A_2748 = arith.constant 128 : i32
    %mul3A_2749 = arith.muli %mul3A_1449, %mul3A_2748 : i32
    %add3A_2750 = arith.constant 118 : i32
    %add3A_2751 = arith.addi %mul3A_2749, %add3A_2750 : i32
    %broadcast_in_dim3A_2752 = vector.broadcast %add3A_2751 : i32 to vector<8x1024xi32>
    %select_n3A_2753 = arith.select %lt3A_2746, %broadcast_in_dim3A_2752, %select_n3A_2742 : vector<8x1024xi1>, vector<8x1024xi32>
    %get3A_2754 = arith.constant 952 : index
    %get3A_2755 = arith.constant 0 : index
    %get3A_2756 = vector.load %arg8[%get3A_2754, %get3A_2755] : memref<1024x1024xf32, #tpu.memory_space<vmem>>, vector<8x1024xf32>
    %lt3A_2757 = arith.cmpf olt, %get3A_2756, %min3A_2747 : vector<8x1024xf32>
    %min3A_2758 = arith.minimumf %min3A_2747, %get3A_2756 : vector<8x1024xf32>
    %mul3A_2759 = arith.constant 128 : i32
    %mul3A_2760 = arith.muli %mul3A_1449, %mul3A_2759 : i32
    %add3A_2761 = arith.constant 119 : i32
    %add3A_2762 = arith.addi %mul3A_2760, %add3A_2761 : i32
    %broadcast_in_dim3A_2763 = vector.broadcast %add3A_2762 : i32 to vector<8x1024xi32>
    %select_n3A_2764 = arith.select %lt3A_2757, %broadcast_in_dim3A_2763, %select_n3A_2753 : vector<8x1024xi1>, vector<8x1024xi32>
    %get3A_2765 = arith.constant 960 : index
    %get3A_2766 = arith.constant 0 : index
    %get3A_2767 = vector.load %arg8[%get3A_2765, %get3A_2766] : memref<1024x1024xf32, #tpu.memory_space<vmem>>, vector<8x1024xf32>
    %lt3A_2768 = arith.cmpf olt, %get3A_2767, %min3A_2758 : vector<8x1024xf32>
    %min3A_2769 = arith.minimumf %min3A_2758, %get3A_2767 : vector<8x1024xf32>
    %mul3A_2770 = arith.constant 128 : i32
    %mul3A_2771 = arith.muli %mul3A_1449, %mul3A_2770 : i32
    %add3A_2772 = arith.constant 120 : i32
    %add3A_2773 = arith.addi %mul3A_2771, %add3A_2772 : i32
    %broadcast_in_dim3A_2774 = vector.broadcast %add3A_2773 : i32 to vector<8x1024xi32>
    %select_n3A_2775 = arith.select %lt3A_2768, %broadcast_in_dim3A_2774, %select_n3A_2764 : vector<8x1024xi1>, vector<8x1024xi32>
    %get3A_2776 = arith.constant 968 : index
    %get3A_2777 = arith.constant 0 : index
    %get3A_2778 = vector.load %arg8[%get3A_2776, %get3A_2777] : memref<1024x1024xf32, #tpu.memory_space<vmem>>, vector<8x1024xf32>
    %lt3A_2779 = arith.cmpf olt, %get3A_2778, %min3A_2769 : vector<8x1024xf32>
    %min3A_2780 = arith.minimumf %min3A_2769, %get3A_2778 : vector<8x1024xf32>
    %mul3A_2781 = arith.constant 128 : i32
    %mul3A_2782 = arith.muli %mul3A_1449, %mul3A_2781 : i32
    %add3A_2783 = arith.constant 121 : i32
    %add3A_2784 = arith.addi %mul3A_2782, %add3A_2783 : i32
    %broadcast_in_dim3A_2785 = vector.broadcast %add3A_2784 : i32 to vector<8x1024xi32>
    %select_n3A_2786 = arith.select %lt3A_2779, %broadcast_in_dim3A_2785, %select_n3A_2775 : vector<8x1024xi1>, vector<8x1024xi32>
    %get3A_2787 = arith.constant 976 : index
    %get3A_2788 = arith.constant 0 : index
    %get3A_2789 = vector.load %arg8[%get3A_2787, %get3A_2788] : memref<1024x1024xf32, #tpu.memory_space<vmem>>, vector<8x1024xf32>
    %lt3A_2790 = arith.cmpf olt, %get3A_2789, %min3A_2780 : vector<8x1024xf32>
    %min3A_2791 = arith.minimumf %min3A_2780, %get3A_2789 : vector<8x1024xf32>
    %mul3A_2792 = arith.constant 128 : i32
    %mul3A_2793 = arith.muli %mul3A_1449, %mul3A_2792 : i32
    %add3A_2794 = arith.constant 122 : i32
    %add3A_2795 = arith.addi %mul3A_2793, %add3A_2794 : i32
    %broadcast_in_dim3A_2796 = vector.broadcast %add3A_2795 : i32 to vector<8x1024xi32>
    %select_n3A_2797 = arith.select %lt3A_2790, %broadcast_in_dim3A_2796, %select_n3A_2786 : vector<8x1024xi1>, vector<8x1024xi32>
    %get3A_2798 = arith.constant 984 : index
    %get3A_2799 = arith.constant 0 : index
    %get3A_2800 = vector.load %arg8[%get3A_2798, %get3A_2799] : memref<1024x1024xf32, #tpu.memory_space<vmem>>, vector<8x1024xf32>
    %lt3A_2801 = arith.cmpf olt, %get3A_2800, %min3A_2791 : vector<8x1024xf32>
    %min3A_2802 = arith.minimumf %min3A_2791, %get3A_2800 : vector<8x1024xf32>
    %mul3A_2803 = arith.constant 128 : i32
    %mul3A_2804 = arith.muli %mul3A_1449, %mul3A_2803 : i32
    %add3A_2805 = arith.constant 123 : i32
    %add3A_2806 = arith.addi %mul3A_2804, %add3A_2805 : i32
    %broadcast_in_dim3A_2807 = vector.broadcast %add3A_2806 : i32 to vector<8x1024xi32>
    %select_n3A_2808 = arith.select %lt3A_2801, %broadcast_in_dim3A_2807, %select_n3A_2797 : vector<8x1024xi1>, vector<8x1024xi32>
    %get3A_2809 = arith.constant 992 : index
    %get3A_2810 = arith.constant 0 : index
    %get3A_2811 = vector.load %arg8[%get3A_2809, %get3A_2810] : memref<1024x1024xf32, #tpu.memory_space<vmem>>, vector<8x1024xf32>
    %lt3A_2812 = arith.cmpf olt, %get3A_2811, %min3A_2802 : vector<8x1024xf32>
    %min3A_2813 = arith.minimumf %min3A_2802, %get3A_2811 : vector<8x1024xf32>
    %mul3A_2814 = arith.constant 128 : i32
    %mul3A_2815 = arith.muli %mul3A_1449, %mul3A_2814 : i32
    %add3A_2816 = arith.constant 124 : i32
    %add3A_2817 = arith.addi %mul3A_2815, %add3A_2816 : i32
    %broadcast_in_dim3A_2818 = vector.broadcast %add3A_2817 : i32 to vector<8x1024xi32>
    %select_n3A_2819 = arith.select %lt3A_2812, %broadcast_in_dim3A_2818, %select_n3A_2808 : vector<8x1024xi1>, vector<8x1024xi32>
    %get3A_2820 = arith.constant 1000 : index
    %get3A_2821 = arith.constant 0 : index
    %get3A_2822 = vector.load %arg8[%get3A_2820, %get3A_2821] : memref<1024x1024xf32, #tpu.memory_space<vmem>>, vector<8x1024xf32>
    %lt3A_2823 = arith.cmpf olt, %get3A_2822, %min3A_2813 : vector<8x1024xf32>
    %min3A_2824 = arith.minimumf %min3A_2813, %get3A_2822 : vector<8x1024xf32>
    %mul3A_2825 = arith.constant 128 : i32
    %mul3A_2826 = arith.muli %mul3A_1449, %mul3A_2825 : i32
    %add3A_2827 = arith.constant 125 : i32
    %add3A_2828 = arith.addi %mul3A_2826, %add3A_2827 : i32
    %broadcast_in_dim3A_2829 = vector.broadcast %add3A_2828 : i32 to vector<8x1024xi32>
    %select_n3A_2830 = arith.select %lt3A_2823, %broadcast_in_dim3A_2829, %select_n3A_2819 : vector<8x1024xi1>, vector<8x1024xi32>
    %get3A_2831 = arith.constant 1008 : index
    %get3A_2832 = arith.constant 0 : index
    %get3A_2833 = vector.load %arg8[%get3A_2831, %get3A_2832] : memref<1024x1024xf32, #tpu.memory_space<vmem>>, vector<8x1024xf32>
    %lt3A_2834 = arith.cmpf olt, %get3A_2833, %min3A_2824 : vector<8x1024xf32>
    %min3A_2835 = arith.minimumf %min3A_2824, %get3A_2833 : vector<8x1024xf32>
    %mul3A_2836 = arith.constant 128 : i32
    %mul3A_2837 = arith.muli %mul3A_1449, %mul3A_2836 : i32
    %add3A_2838 = arith.constant 126 : i32
    %add3A_2839 = arith.addi %mul3A_2837, %add3A_2838 : i32
    %broadcast_in_dim3A_2840 = vector.broadcast %add3A_2839 : i32 to vector<8x1024xi32>
    %select_n3A_2841 = arith.select %lt3A_2834, %broadcast_in_dim3A_2840, %select_n3A_2830 : vector<8x1024xi1>, vector<8x1024xi32>
    %get3A_2842 = arith.constant 1016 : index
    %get3A_2843 = arith.constant 0 : index
    %get3A_2844 = vector.load %arg8[%get3A_2842, %get3A_2843] : memref<1024x1024xf32, #tpu.memory_space<vmem>>, vector<8x1024xf32>
    %lt3A_2845 = arith.cmpf olt, %get3A_2844, %min3A_2835 : vector<8x1024xf32>
    %min3A_2846 = arith.minimumf %min3A_2835, %get3A_2844 : vector<8x1024xf32>
    %mul3A_2847 = arith.constant 128 : i32
    %mul3A_2848 = arith.muli %mul3A_1449, %mul3A_2847 : i32
    %add3A_2849 = arith.constant 127 : i32
    %add3A_2850 = arith.addi %mul3A_2848, %add3A_2849 : i32
    %broadcast_in_dim3A_2851 = vector.broadcast %add3A_2850 : i32 to vector<8x1024xi32>
    %select_n3A_2852 = arith.select %lt3A_2845, %broadcast_in_dim3A_2851, %select_n3A_2841 : vector<8x1024xi1>, vector<8x1024xi32>
    %eq3A_2853 = arith.constant 0 : i32
    %eq3A_2854 = arith.cmpi eq, %arg1, %eq3A_2853 : i32
    %convert_element_type3A_2855 = arith.extui %eq3A_2854 : i1 to i32
    %cond3A_2856 = arith.constant 0 : i32
    %cond3A_2857 = arith.cmpi ne, %convert_element_type3A_2855, %cond3A_2856 : i32
    scf.if %cond3A_2857 {
      %swap3A_2867 = arith.constant 0 : index
      %swap3A_2868 = arith.constant 0 : index
      %swap3A_2869 = vector.load %arg10[%swap3A_2867, %swap3A_2868] : memref<8x1024xf32, #tpu.memory_space<vmem>>, vector<8x1024xf32>
      tpu.vector_store %arg10[%swap3A_2867, %swap3A_2868], %min3A_2846 {strides = array<i32>} : memref<8x1024xf32, #tpu.memory_space<vmem>>, vector<8x1024xf32>,
      %swap3A_2870 = arith.constant 0 : index
      %swap3A_2871 = arith.constant 0 : index
      %swap3A_2872 = vector.load %arg11[%swap3A_2870, %swap3A_2871] : memref<8x1024xi32, #tpu.memory_space<vmem>>, vector<8x1024xi32>
      tpu.vector_store %arg11[%swap3A_2870, %swap3A_2871], %select_n3A_2852 {strides = array<i32>} : memref<8x1024xi32, #tpu.memory_space<vmem>>, vector<8x1024xi32>,
    } else {
    }
    %gt3A = arith.constant 0 : i32
    %gt3A_2858 = arith.cmpi sgt, %arg1, %gt3A : i32
    %convert_element_type3A_2859 = arith.extui %gt3A_2858 : i1 to i32
    %cond3A_2860 = arith.constant 0 : i32
    %cond3A_2861 = arith.cmpi ne, %convert_element_type3A_2859, %cond3A_2860 : i32
    scf.if %cond3A_2861 {
      %get3A_2867 = arith.constant 0 : index
      %get3A_2868 = arith.constant 0 : index
      %get3A_2869 = vector.load %arg10[%get3A_2867, %get3A_2868] : memref<8x1024xf32, #tpu.memory_space<vmem>>, vector<8x1024xf32>
      %lt3A_2870 = arith.cmpf olt, %min3A_1431, %get3A_2869 : vector<8x1024xf32>
      %get3A_2871 = arith.constant 0 : index
      %get3A_2872 = arith.constant 0 : index
      %get3A_2873 = vector.load %arg11[%get3A_2871, %get3A_2872] : memref<8x1024xi32, #tpu.memory_space<vmem>>, vector<8x1024xi32>
      %select_n3A_2874 = arith.select %lt3A_2870, %select_n3A_1437, %get3A_2873 : vector<8x1024xi1>, vector<8x1024xi32>
      %swap3A_2875 = arith.constant 0 : index
      %swap3A_2876 = arith.constant 0 : index
      %swap3A_2877 = vector.load %arg11[%swap3A_2875, %swap3A_2876] : memref<8x1024xi32, #tpu.memory_space<vmem>>, vector<8x1024xi32>
      tpu.vector_store %arg11[%swap3A_2875, %swap3A_2876], %select_n3A_2874 {strides = array<i32>} : memref<8x1024xi32, #tpu.memory_space<vmem>>, vector<8x1024xi32>,
      %get3A_2878 = arith.constant 0 : index
      %get3A_2879 = arith.constant 0 : index
      %get3A_2880 = vector.load %arg10[%get3A_2878, %get3A_2879] : memref<8x1024xf32, #tpu.memory_space<vmem>>, vector<8x1024xf32>
      %min3A_2881 = arith.minimumf %get3A_2880, %min3A_1431 : vector<8x1024xf32>
      %swap3A_2882 = arith.constant 0 : index
      %swap3A_2883 = arith.constant 0 : index
      %swap3A_2884 = vector.load %arg10[%swap3A_2882, %swap3A_2883] : memref<8x1024xf32, #tpu.memory_space<vmem>>, vector<8x1024xf32>
      tpu.vector_store %arg10[%swap3A_2882, %swap3A_2883], %min3A_2881 {strides = array<i32>} : memref<8x1024xf32, #tpu.memory_space<vmem>>, vector<8x1024xf32>,
      %get3A_2885 = arith.constant 0 : index
      %get3A_2886 = arith.constant 0 : index
      %get3A_2887 = vector.load %arg10[%get3A_2885, %get3A_2886] : memref<8x1024xf32, #tpu.memory_space<vmem>>, vector<8x1024xf32>
      %lt3A_2888 = arith.cmpf olt, %min3A_2846, %get3A_2887 : vector<8x1024xf32>
      %get3A_2889 = arith.constant 0 : index
      %get3A_2890 = arith.constant 0 : index
      %get3A_2891 = vector.load %arg11[%get3A_2889, %get3A_2890] : memref<8x1024xi32, #tpu.memory_space<vmem>>, vector<8x1024xi32>
      %select_n3A_2892 = arith.select %lt3A_2888, %select_n3A_2852, %get3A_2891 : vector<8x1024xi1>, vector<8x1024xi32>
      %swap3A_2893 = arith.constant 0 : index
      %swap3A_2894 = arith.constant 0 : index
      %swap3A_2895 = vector.load %arg11[%swap3A_2893, %swap3A_2894] : memref<8x1024xi32, #tpu.memory_space<vmem>>, vector<8x1024xi32>
      tpu.vector_store %arg11[%swap3A_2893, %swap3A_2894], %select_n3A_2892 {strides = array<i32>} : memref<8x1024xi32, #tpu.memory_space<vmem>>, vector<8x1024xi32>,
      %get3A_2896 = arith.constant 0 : index
      %get3A_2897 = arith.constant 0 : index
      %get3A_2898 = vector.load %arg10[%get3A_2896, %get3A_2897] : memref<8x1024xf32, #tpu.memory_space<vmem>>, vector<8x1024xf32>
      %min3A_2899 = arith.minimumf %get3A_2898, %min3A_2846 : vector<8x1024xf32>
      %swap3A_2900 = arith.constant 0 : index
      %swap3A_2901 = arith.constant 0 : index
      %swap3A_2902 = vector.load %arg10[%swap3A_2900, %swap3A_2901] : memref<8x1024xf32, #tpu.memory_space<vmem>>, vector<8x1024xf32>
      tpu.vector_store %arg10[%swap3A_2900, %swap3A_2901], %min3A_2899 {strides = array<i32>} : memref<8x1024xf32, #tpu.memory_space<vmem>>, vector<8x1024xf32>,
    } else {
    }
    %eq3A_2862 = arith.constant 4 : i32
    %eq3A_2863 = arith.cmpi eq, %arg1, %eq3A_2862 : i32
    %convert_element_type3A_2864 = arith.extui %eq3A_2863 : i1 to i32
    %cond3A_2865 = arith.constant 0 : i32
    %cond3A_2866 = arith.cmpi ne, %convert_element_type3A_2864, %cond3A_2865 : i32
    scf.if %cond3A_2866 {
      %get3A_2867 = arith.constant 0 : index
      %get3A_2868 = arith.constant 0 : index
      %get3A_2869 = vector.load %arg10[%get3A_2867, %get3A_2868] : memref<8x1024xf32, #tpu.memory_space<vmem>>, vector<8x1024xf32>
      %get3A_2870 = arith.constant 0 : index
      %get3A_2871 = arith.constant 0 : index
      %get3A_2872 = vector.load %arg11[%get3A_2870, %get3A_2871] : memref<8x1024xi32, #tpu.memory_space<vmem>>, vector<8x1024xi32>
      %mul3A_2873 = arith.constant 8 : i32
      %mul3A_2874 = vector.broadcast %mul3A_2873 : i32 to vector<8x1024xi32>
      %mul3A_2875 = arith.muli %get3A_2872, %mul3A_2874 : vector<8x1024xi32>
      %iota3A = tpu.iota {dimensions = array<i32: 0>} : vector<8x1024xi32>
      %add3A_2876 = arith.addi %mul3A_2875, %iota3A : vector<8x1024xi32>
      %slice3A = vector.extract_strided_slice %get3A_2869 {offsets = [0, 0], sizes = [4, 1024], strides = [1, 1]} : vector<8x1024xf32> to vector<4x1024xf32>
      %slice3A_2877 = vector.extract_strided_slice %add3A_2876 {offsets = [0, 0], sizes = [4, 1024], strides = [1, 1]} : vector<8x1024xi32> to vector<4x1024xi32>
      %slice3A_2878 = vector.extract_strided_slice %get3A_2869 {offsets = [4, 0], sizes = [4, 1024], strides = [1, 1]} : vector<8x1024xf32> to vector<4x1024xf32>
      %slice3A_2879 = vector.extract_strided_slice %add3A_2876 {offsets = [4, 0], sizes = [4, 1024], strides = [1, 1]} : vector<8x1024xi32> to vector<4x1024xi32>
      %lt3A_2880 = arith.cmpf olt, %slice3A_2878, %slice3A : vector<4x1024xf32>
      %eq3A_2881 = arith.cmpf oeq, %slice3A_2878, %slice3A : vector<4x1024xf32>
      %lt3A_2882 = arith.cmpi slt, %slice3A_2879, %slice3A_2877 : vector<4x1024xi32>
      %and3A_2883 = arith.andi %eq3A_2881, %lt3A_2882 : vector<4x1024xi1>
      %or3A = arith.ori %lt3A_2880, %and3A_2883 : vector<4x1024xi1>
      %select_n3A_2884 = arith.select %or3A, %slice3A_2878, %slice3A : vector<4x1024xi1>, vector<4x1024xf32>
      %select_n3A_2885 = arith.select %or3A, %slice3A_2879, %slice3A_2877 : vector<4x1024xi1>, vector<4x1024xi32>
      %slice3A_2886 = vector.extract_strided_slice %select_n3A_2884 {offsets = [0, 0], sizes = [2, 1024], strides = [1, 1]} : vector<4x1024xf32> to vector<2x1024xf32>
      %slice3A_2887 = vector.extract_strided_slice %select_n3A_2885 {offsets = [0, 0], sizes = [2, 1024], strides = [1, 1]} : vector<4x1024xi32> to vector<2x1024xi32>
      %slice3A_2888 = vector.extract_strided_slice %select_n3A_2884 {offsets = [2, 0], sizes = [2, 1024], strides = [1, 1]} : vector<4x1024xf32> to vector<2x1024xf32>
      %slice3A_2889 = vector.extract_strided_slice %select_n3A_2885 {offsets = [2, 0], sizes = [2, 1024], strides = [1, 1]} : vector<4x1024xi32> to vector<2x1024xi32>
      %lt3A_2890 = arith.cmpf olt, %slice3A_2888, %slice3A_2886 : vector<2x1024xf32>
      %eq3A_2891 = arith.cmpf oeq, %slice3A_2888, %slice3A_2886 : vector<2x1024xf32>
      %lt3A_2892 = arith.cmpi slt, %slice3A_2889, %slice3A_2887 : vector<2x1024xi32>
      %and3A_2893 = arith.andi %eq3A_2891, %lt3A_2892 : vector<2x1024xi1>
      %or3A_2894 = arith.ori %lt3A_2890, %and3A_2893 : vector<2x1024xi1>
      %select_n3A_2895 = arith.select %or3A_2894, %slice3A_2888, %slice3A_2886 : vector<2x1024xi1>, vector<2x1024xf32>
      %select_n3A_2896 = arith.select %or3A_2894, %slice3A_2889, %slice3A_2887 : vector<2x1024xi1>, vector<2x1024xi32>
      %slice3A_2897 = vector.extract_strided_slice %select_n3A_2895 {offsets = [0, 0], sizes = [1, 1024], strides = [1, 1]} : vector<2x1024xf32> to vector<1x1024xf32>
      %slice3A_2898 = vector.extract_strided_slice %select_n3A_2896 {offsets = [0, 0], sizes = [1, 1024], strides = [1, 1]} : vector<2x1024xi32> to vector<1x1024xi32>
      %slice3A_2899 = vector.extract_strided_slice %select_n3A_2895 {offsets = [1, 0], sizes = [1, 1024], strides = [1, 1]} : vector<2x1024xf32> to vector<1x1024xf32>
      %slice3A_2900 = vector.extract_strided_slice %select_n3A_2896 {offsets = [1, 0], sizes = [1, 1024], strides = [1, 1]} : vector<2x1024xi32> to vector<1x1024xi32>
      %lt3A_2901 = arith.cmpf olt, %slice3A_2899, %slice3A_2897 : vector<1x1024xf32>
      %eq3A_2902 = arith.cmpf oeq, %slice3A_2899, %slice3A_2897 : vector<1x1024xf32>
      %lt3A_2903 = arith.cmpi slt, %slice3A_2900, %slice3A_2898 : vector<1x1024xi32>
      %and3A_2904 = arith.andi %eq3A_2902, %lt3A_2903 : vector<1x1024xi1>
      %or3A_2905 = arith.ori %lt3A_2901, %and3A_2904 : vector<1x1024xi1>
      %select_n3A_2906 = arith.select %or3A_2905, %slice3A_2899, %slice3A_2897 : vector<1x1024xi1>, vector<1x1024xf32>
      %select_n3A_2907 = arith.select %or3A_2905, %slice3A_2900, %slice3A_2898 : vector<1x1024xi1>, vector<1x1024xi32>
      %swap3A_2908 = arith.constant 0 : index
      %swap3A_2909 = arith.constant 0 : index
      %swap3A_2910 = arith.constant 0 : index
      %swap3A_2911 = vector.load %arg4[%swap3A_2908, %swap3A_2909, %swap3A_2910] : memref<1x1x1024xi32, #tpu.memory_space<vmem>>, vector<1x1x1024xi32>
      %swap3A_2912 = vector.shape_cast %swap3A_2911 : vector<1x1x1024xi32> to vector<1x1024xi32>
      %swap3A_2913 = vector.shape_cast %select_n3A_2907 : vector<1x1024xi32> to vector<1x1x1024xi32>
      tpu.vector_store %arg4[%swap3A_2908, %swap3A_2909, %swap3A_2910], %swap3A_2913 {strides = array<i32>} : memref<1x1x1024xi32, #tpu.memory_space<vmem>>, vector<1x1x1024xi32>,
      %mul3A_2914 = arith.mulf %get3A_11, %get3A_11 : vector<256x1024xf32>
      %reduce_sum3A = arith.constant dense<0.000000e+00> : vector<1024xf32>
      %reduce_sum3A_2915 = vector.multi_reduction <add>, %mul3A_2914, %reduce_sum3A [0] : vector<256x1024xf32> to vector<1024xf32>
      %broadcast_in_dim3A_2916 = vector.shape_cast %reduce_sum3A_2915 : vector<1024xf32> to vector<1x1024xf32>
      %add3A_2917 = arith.addf %select_n3A_2906, %broadcast_in_dim3A_2916 : vector<1x1024xf32>
      %reduce_sum3A_2918 = vector.shape_cast %add3A_2917 : vector<1x1024xf32> to vector<1x1x1024xf32>
      %reduce_sum3A_2919 = arith.constant dense<0.000000e+00> : vector<1xf32>
      %reduce_sum3A_2920 = vector.multi_reduction <add>, %reduce_sum3A_2918, %reduce_sum3A_2919 [1, 2] : vector<1x1x1024xf32> to vector<1xf32>
      %reduce_sum3A_2921 = vector.shape_cast %reduce_sum3A_2920 : vector<1xf32> to vector<1x1x1xf32>
      %reduce_sum3A_2922 = vector.extract %reduce_sum3A_2921[0, 0, 0] : f32 from vector<1x1x1xf32>
      %broadcast_in_dim3A_2923 = vector.broadcast %reduce_sum3A_2922 : f32 to vector<1x1xf32>
      %eq3A_2924 = arith.constant 0 : i32
      %eq3A_2925 = arith.cmpi eq, %arg0, %eq3A_2924 : i32
      %get3A_2926 = arith.constant 0 : index
      %get3A_2927 = arith.constant 0 : index
      %get3A_2928 = vector.load %arg5[%get3A_2926, %get3A_2927] : memref<1x1xf32, #tpu.memory_space<vmem>>, vector<1x1xf32>
      %jit3A = arith.constant 0.000000e+00 : f32
      %broadcast_in_dim3A_2929 = vector.broadcast %jit3A : f32 to vector<1x1xf32>
      %select_n3A_2930 = arith.select %eq3A_2925, %broadcast_in_dim3A_2929, %get3A_2928 : vector<1x1xf32>
      %add3A_2931 = arith.addf %select_n3A_2930, %broadcast_in_dim3A_2923 : vector<1x1xf32>
      %eq3A_2932 = arith.constant 7 : i32
      %eq3A_2933 = arith.cmpi eq, %arg0, %eq3A_2932 : i32
      %mul3A_2934 = arith.constant 1.1920929E-7 : f32
      %mul3A_2935 = vector.broadcast %mul3A_2934 : f32 to vector<1x1xf32>
      %mul3A_2936 = arith.mulf %add3A_2931, %mul3A_2935 : vector<1x1xf32>
      %select_n3A_2937 = arith.select %eq3A_2933, %mul3A_2936, %add3A_2931 : vector<1x1xf32>
      %swap3A_2938 = arith.constant 0 : index
      %swap3A_2939 = arith.constant 0 : index
      %swap3A_2940 = vector.load %arg5[%swap3A_2938, %swap3A_2939] : memref<1x1xf32, #tpu.memory_space<vmem>>, vector<1x1xf32>
      tpu.vector_store %arg5[%swap3A_2938, %swap3A_2939], %select_n3A_2937 {strides = array<i32>} : memref<1x1xf32, #tpu.memory_space<vmem>>, vector<1x1xf32>,
    } else {
    }
    return
  }
  func.func @transform_0(%arg0: i32, %arg1: i32) -> (i32, i32, i32) {
    %c0_i32 = arith.constant 0 : i32
    %c0_i32_0 = arith.constant 0 : i32
    %c0_i32_1 = arith.constant 0 : i32
    return %arg0, %c0_i32, %c0_i32_0 : i32, i32, i32
  }
  func.func @transform_1(%arg0: i32, %arg1: i32) -> (i32, i32) {
    %eq3A = arith.constant 0 : i32
    %eq3A_0 = arith.cmpi eq, %arg0, %eq3A : i32
    %min3A = arith.constant 3 : i32
    %min3A_1 = arith.minsi %arg1, %min3A : i32
    %jit3A = arith.constant 3 : i32
    %select_n3A = arith.select %eq3A_0, %min3A_1, %jit3A : i32
    %c0_i32 = arith.constant 0 : i32
    %c0_i32_2 = arith.constant 0 : i32
    return %select_n3A, %c0_i32 : i32, i32
  }
  func.func @transform_2(%arg0: i32, %arg1: i32) -> (i32, i32, i32) {
    %c0_i32 = arith.constant 0 : i32
    %c0_i32_0 = arith.constant 0 : i32
    %c0_i32_1 = arith.constant 0 : i32
    return %arg0, %c0_i32, %c0_i32_0 : i32, i32, i32
  }
  func.func @transform_3(%arg0: i32, %arg1: i32) -> (i32, i32) {
    %c0_i32 = arith.constant 0 : i32
    %c0_i32_0 = arith.constant 0 : i32
    %c0_i32_1 = arith.constant 0 : i32
    return %c0_i32, %c0_i32_0 : i32, i32
  }
}

</mosaic_0001>

<sc_bundles>
// kernel: kernel.4.cloned.1.call-start
scs
__scs_entry_jumppad:
0x0: {  	(pc) =	sbr.rel $0x88, $3  }
0x1: {  	(tag) =	ssettag $0x0;
	lr =	simm.s32 $0x1  }
0x2: {  	[smem:$0x3F9F] =	sst lr;
	_ =	strace $0xD0000000  }
0x3: {  	_ = 	snop  }
0x4: {  	_ = 	snop  }
0x5: {  	_ = 	snop  }
0x6: {  	_ = 	snop  }
0x7: {  	_ = 	snop  }
__scs_overlays_trampoline_lowered:
0x8: {  	[smem:$0x3FAE] =	sst s0  }
0x9: {  	[smem:$0x3FAF] =	sst s1  }
0xa: {  	[smem:$0x3FB0] =	sst s2  }
0xb: {  	[smem:$0x3FB1] =	sst s3  }
0xc: {  	[smem:$0x3FB2] =	sst s4  }
0xd: {  	[smem:$0x3FB3] =	sst s5  }
0xe: {  	[smem:$0x3FB4] =	sst s6  }
0xf: {  	[smem:$0x3FB5] =	sst s7  }
0x10: {  	[smem:$0x3FB6] =	sst s8  }
0x11: {  	[smem:$0x3FB7] =	sst s9;
	s0 =	simm.s32 @!p0 $0x0  }
0x12: {  	s1 =	sld [smem:$0x3F9D];
	s0 =	simm.s32 @p0 $0x1  }
0x13: {  	[smem:$0x3FB8] =	sst s0;
	s0 =	simm.s32 @!p1 $0x0  }
0x14: {  	s2 =	sld [smem:$0x3F9C];
	s0 =	simm.s32 @p1 $0x1  }
0x15: {  	[smem:$0x3FB9] =	sst s0;
	s0 =	simm.s32 @!p2 $0x0  }
0x16: {  	s3 =	sld [smem:$0x3FDB];
	s0 =	simm.s32 @p2 $0x1  }
0x17: {  	s4 =	simm.s32 $0x1BF5;
	[smem:$0x3FBB] =	sst s0  }
0x18: {  	s0 =	sld [smem:$0x3F9E];
	_ =	swait.ge [sflag:s4], $0x0  }
0x19: {  	s7 =	sld [smem:$0x3F9F]  }
0x1a: {  	s8 =	sadd.s32 $0xFFFFE003, lr  }
0x1b: {  	s9 =	sadd.s32 $0xFFFFFEF7, lr;
	s5 =	simm.s32 $0xFFFFFFFF;
	p2 =	slt.u32 s8, $0xFFFFF086  }
0x1c: {  	p1 =	slt.u32 s9, $0xF7A;
	s5 =	simm.s32 @!p2 $0x0  }
0x1d: {  	s5 =	simm.s32 @p1 $0x1;
	p0 =	seq.s32 s7, s2  }
0x1e: {  	s7 =	smul.u32 @!p0 $0xF7A, s2;
	p2 =	seq.s32 @!p0 s5, $0x0  }
0x1f: {  	s9 =	smul.u32 $0xF7A, s1;
	s8 =	simm.s32 @!p0 $0x1BF5;
	p2 =	por !p2, p0  }
0x20: {  	[sflag:s8] =	ssyncset.s32 @!p0 $0xFFFFF086;
	s6 =	sadd.s32 @!p0 s3, s7;
	s7 =	simm.s32 @!p0 $0x108  }
0x21: {  	s3 =	sadd.s32 s3, s9;
	s6 =	sadd.s32 @!p0 $0x88, s6;
	s7 =	simm.s32 @p2 $0x1082  }
0x22: {  	[simem:s7], [sflag:s8] =	dma.local @!p0 [hbm:s6], $0xF7A  }
0x23: {  	s9 =	sor.u32 $0xD0000000, s2;
	s6 =	simm.s32 $0x108;
	_ =	swait.ge @!p0 [sflag:s8], $0x0  }
0x24: {  	s3 =	sadd.s32 $0x88, s3;
	s6 =	simm.s32 @!p1 $0x1082;
	[sflag:s4] =	ssyncset.s32 $0xFFFFF086  }
0x25: {  	[simem:s6], [sflag:s4] =	dma.local [hbm:s3], $0xF7A  }
0x26: {  	[smem:$0x3F9F] =	sst s1;
	(tag) =	ssettag s2;
	_ =	strace s9  }
0x27: {  	s1 =	sld [smem:$0x3FAF]  }
0x28: {  	s2 =	sld [smem:$0x3FB0]  }
0x29: {  	s4 =	sld [smem:$0x3FB2]  }
0x2a: {  	p0 =	seq.s32 s5, $0x0;
	s5 =	sld [smem:$0x3FB3]  }
0x2b: {  	s6 =	sld [smem:$0x3FB4]  }
0x2c: {  	s7 =	sld [smem:$0x3FB5]  }
0x2d: {  	s3 =	simm.s32 $0x108;
	s8 =	sld [smem:$0x3FB6]  }
0x2e: {  	s3 =	simm.s32 @!p0 $0x1082;
	s9 =	sld [smem:$0x3FB7]  }
0x2f: {  	lr =	sadd.s32 s0, s3;
	s0 =	sld [smem:$0x3FAE]  }
0x30: {  	s3 =	sld [smem:$0x3FB1]  }
0x31: {  	[smem:$0x3FBA] =	sst s10  }
0x32: {  	s10 =	sld [smem:$0x3FB8];
	_ =	sdelay $0x3  }
0x33: {  	p0 =	seq.s32 s10, $0x1;
	s10 =	sld [smem:$0x3FBA];
	_ =	sdelay $0x3  }
0x34: {  	[smem:$0x3FBA] =	sst s10  }
0x35: {  	s10 =	sld [smem:$0x3FB9];
	_ =	sdelay $0x3  }
0x36: {  	p1 =	seq.s32 s10, $0x1;
	s10 =	sld [smem:$0x3FBA];
	_ =	sdelay $0x3  }
0x37: {  	[smem:$0x3FBA] =	sst s10  }
0x38: {  	s10 =	sld [smem:$0x3FBB]  }
0x39: {  	_ = 	snop;
	(pc) =	sbr.ind lr, $3  }
0x3a: {  	_ = 	snop  }
0x3b: {  	_ = 	snop  }
0x3c: {  	p2 =	seq.s32 s10, $0x1;
	s10 =	sld [smem:$0x3FBA]  }
0x3d: {  	_ =	shalt  }
0x3e: {  	_ =	shalt  }
0x3f: {  	_ =	shalt  }
0x40: {  	_ =	shalt  }
0x41: {  	_ =	shalt  }
0x42: {  	_ =	shalt  }
0x43: {  	_ =	shalt  }
0x44: {  	_ =	shalt  }
0x45: {  	_ =	shalt  }
0x46: {  	_ =	shalt  }
0x47: {  	_ =	shalt  }
0x48: {  	_ =	shalt  }
0x49: {  	_ =	shalt  }
0x4a: {  	_ =	shalt  }
0x4b: {  	_ =	shalt  }
0x4c: {  	_ =	shalt  }
0x4d: {  	_ =	shalt  }
0x4e: {  	_ =	shalt  }
0x4f: {  	_ =	shalt  }
0x50: {  	_ =	shalt  }
0x51: {  	_ =	shalt  }
0x52: {  	_ =	shalt  }
0x53: {  	_ =	shalt  }
0x54: {  	_ =	shalt  }
0x55: {  	_ =	shalt  }
0x56: {  	_ =	shalt  }
0x57: {  	_ =	shalt  }
0x58: {  	_ =	shalt  }
0x59: {  	_ =	shalt  }
0x5a: {  	_ =	shalt  }
0x5b: {  	_ =	shalt  }
0x5c: {  	_ =	shalt  }
0x5d: {  	_ =	shalt  }
0x5e: {  	_ =	shalt  }
0x5f: {  	_ =	shalt  }
0x60: {  	_ =	shalt  }
0x61: {  	_ =	shalt  }
0x62: {  	_ =	shalt  }
0x63: {  	_ =	shalt  }
0x64: {  	_ =	shalt  }
0x65: {  	_ =	shalt  }
0x66: {  	_ =	shalt  }
0x67: {  	_ =	shalt  }
0x68: {  	_ =	shalt  }
0x69: {  	_ =	shalt  }
0x6a: {  	_ =	shalt  }
0x6b: {  	_ =	shalt  }
0x6c: {  	_ =	shalt  }
0x6d: {  	_ =	shalt  }
0x6e: {  	_ =	shalt  }
0x6f: {  	_ =	shalt  }
0x70: {  	_ =	shalt  }
0x71: {  	_ =	shalt  }
0x72: {  	_ =	shalt  }
0x73: {  	_ =	shalt  }
0x74: {  	_ =	shalt  }
0x75: {  	_ =	shalt  }
0x76: {  	_ =	shalt  }
0x77: {  	_ =	shalt  }
0x78: {  	_ =	shalt  }
0x79: {  	_ =	shalt  }
0x7a: {  	_ =	shalt  }
0x7b: {  	_ =	shalt  }
0x7c: {  	_ =	shalt  }
0x7d: {  	_ =	shalt  }
0x7e: {  	_ =	shalt  }
0x7f: {  	_ =	shalt  }
0x80: {  	_ =	shalt  }
0x81: {  	_ =	shalt  }
0x82: {  	_ =	shalt  }
0x83: {  	_ =	shalt  }
0x84: {  	_ =	shalt  }
0x85: {  	_ =	shalt  }
0x86: {  	_ =	shalt  }
0x87: {  	_ =	shalt  }
.Lfunc_end0:
.L_simem_size_0:
called_computation_lowered:
.L_overlay_start_0:
0x88: {  	s2 =	sld [smem:$0x3FD9]  }
0x89: {  	s3 =	sld [smem:$0x3FFE];
	_ =	sdelay $0x1  }
0x8a: {  	s1 =	srdreg.scid  }
0x8b: {  	s0 =	sand.u32 $0x1, s1  }
0x8c: {  	s15 =	sshll.u32 s0, $0xA;
	s2 =	sadd.s32 s3, s2  }
0x8d: {  	s2 =	sadd.s32 s2, s15  }
0x8e: {  	[smem:$0x3FC6] =	sst s2  }
0x8f: {  	_ = 	snop  }
0x90: {  	s2 =	sld [smem:$0x3FD0];
	_ =	sdelay $0x2  }
0x91: {  	s4 =	simm.s32 $0xA;
	s5 =	simm.s32 $0x10;
	s16 =	sld [smem:$0x3FC8]  }
0x92: {  	[smem:s5], [sflag:s4] =	dma.local [hbm:s2], $0x1  }
0x93: {  	_ =	swait.eq [sflag:s4], $0x1  }
0x94: {  	[sflag:s4] =	ssyncset.done $0x0  }
0x95: {  	s17 =	sld [smem:$0x10];
	[sflag:s4] =	ssyncadd.s32 $0xFFFFFFFF  }
0x96: {  	s18 =	sld [smem:$0x12];
	(tm) =	ssettm $0x1  }
0x97: {  	s19 =	sld [smem:$0x3FFB];
	_ =	sdelay $0x3  }
0x98: {  	_ =	strace s19  }
0x99: {  	s5 =	sld [smem:$0x3FFC];
	_ =	sdelay $0x3  }
0x9a: {  	_ =	strace s5  }
0x9b: {  	s5 =	sld [smem:$0x3FFD];
	_ =	sdelay $0x3  }
0x9c: {  	_ =	strace s5  }
0x9d: {  	_ =	strace $0x8FFFFFFF  }
0x9e: {  	s20 =	sld [smem:$0x3FDB];
	_ =	sdelay $0x1  }
0x9f: {  	s6 =	simm.s32 $_scs_section_size  }
0xa0: {  	s7 =	simm.s32 $_size__tile_overlayer_lowered;
	s8 =	simm.s32 $_tile_overlayer_lowered  }
0xa1: {  	s23 =	simm.s32 $0x1BFF;
	s22 =	sshll.u32 s8, $0x1;
	s5 =	sadd.s32 s6, s20  }
0xa2: {  	s9 =	simm.s32 $0x0;
	s21 =	sshll.u32 s7, $0x1;
	s7 =	sadd.s32 s22, s5  }
0xa3: {  	[timem:s9], [sflag:s23] =	dma.local [hbm:s7], s21  }
0xa4: {  	_ =	swait.ge [sflag:s23], s21  }
0xa5: {  	s6 =	ssub.s32 $0x0, s21;
	[sflag:s23] =	ssyncset.done $0x0  }
0xa6: {  	[sflag:s23] =	ssyncadd.s32 s6;
	_ =	sdelay $0x1  }
0xa7: {  	s24 =	simm.s32 $0x1B8B  }
0xa8: {  	_ =	swait.ge [sflag:s24], $0x1  }
0xa9: {  	[sflag:s24] =	ssyncset.done $0x0  }
0xaa: {  	s25 =	simm.s32 $0x1B8E;
	[sflag:s24] =	ssyncadd.s32 $0xFFFFFFFF  }
0xab: {  	s26 =	simm.s32 $execute0_lowered;
	[smem:$0x3FD2] =	sst s25  }
0xac: {  	s6 =	sshll.u32 s26, $0x1;
	_ =	strace $0x80000046;
	[dreg:$0x1] =	wrdreg $0xFFFFFFFF  }
0xad: {  	s28 =	simm.s32 $_size_execute0_lowered;
	s5 =	sadd.s32 s5, s6;
	[dreg:$0x0] =	wrdreg $0x0  }
0xae: {  	s6 =	sshll.u32 s28, $0x1;
	[dreg:$0x2] =	wrdreg s5  }
0xaf: {  	[dreg:$0x3] =	wrdreg s6  }
0xb0: {  	[dreg:$0x4] =	wrdreg $0xC0  }
0xb1: {  	_ =	task [dreg:s9], $0x5FFFF  }
0xb2: {  	[dreg:$0x1] =	wrdreg $0xFFFFFFFF  }
0xb3: {  	[dreg:$0x0] =	wrdreg $0x60  }
0xb4: {  	[dreg:$0x2] =	wrdreg s18  }
0xb5: {  	[dreg:$0x3] =	wrdreg s16  }
0xb6: {  	[dreg:$0x4] =	wrdreg s17  }
0xb7: {  	[dreg:$0x5] =	wrdreg $0x9  }
0xb8: {  	_ =	task.clear_ibuf [dreg:s9], $0x6FFFF;
	_ =	strace $0x90000046  }
0xb9: {  	s29 =	simm.s32 $0x9;
	_ =	strace $0x80000048  }
0xba: {  	_ =	swait.ge [sflag:s29], $0x1  }
0xbb: {  	[sflag:s29] =	ssyncadd.s32 $0xFFFFFFFF  }
0xbc: {  	_ =	strace $0x90000048  }
0xbd: {  	_ =	sfence  }
0xbe: {  	s30 =	sld [smem:$0x0];
	_ =	sdelay $0x2  }
0xbf: {  	s31 =	sshll.u32 s1, $0xD;
	s1 =	sshrl.u32 s1, $0x2  }
0xc0: {  	s3 =	sand.u32 $0x4000, s31;
	s1 =	sadd.s32 s1, s30  }
0xc1: {  	s0 =	sor.u32 s3, s0;
	s1 =	sshll.u32 s1, $0x11  }
0xc2: {  	s0 =	sor.u32 s1, s0  }
0xc3: {  	s0 =	sadd.s32 $0x8F2B, s0  }
0xc4: {  	[sflag:s0] =	ssyncadd.remote.s32 $0x1  }
0xc5: {  	_ =	sfence.sel $0xFFFF  }
0xc6: {  	[dreg:$0x0] =	wrdreg $0xFFFFFFFF;
	(pc) =	sbr.abs _section_cstart, $3  }
0xc7: {  	[dreg:$0x1] =	wrdreg $0xFFFFFFFF  }
0xc8: {  	_ =	task.clear_ibuf [dreg:s9], $0x2FFFF;
	_ =	strace $0x9FFFFFFF  }
0xc9: {  	(tm) =	ssettm $0x7FFFFFFF  }
tec
execute0_lowered:
.L_overlay_start_1:
0x0: {  	(tag) =	ssettag $0x1  }
0x1: {  	s1 =	rddreg [dreg:$0x0]  }
0x2: {  	s3 =	srdreg.scid;
	s2 =	rddreg [dreg:$0x1]  }
0x3: {  	s0 =	stileid.u32;
	s5 =	rddreg [dreg:$0x2]  }
0x4: {  	s19 =	simm.s32 $0x900;
	s20 =	simm.s32 $0x1100;
	s21 =	simm.s32 $0x1900  }
0x5: {  	s23 =	simm.s32 $0x2100;
	s24 =	simm.s32 $0x2900;
	s25 =	simm.s32 $0x3100  }
0x6: {  	s26 =	simm.s32 $0x3900;
	s8 =	simm.s32 $0x4900;
	s9 =	simm.s32 $0x5100  }
0x7: {  	s10 =	simm.s32 $0x5900;
	s11 =	simm.s32 $0x6100;
	s12 =	simm.s32 $0x6900  }
0x8: {  	s13 =	simm.s32 $0x7100;
	s4 =	sand.u32 $0x1, s3;
	s3 =	simm.s32 $0x0  }
0x9: {  	s14 =	simm.s32 $0x7900;
	s15 =	simm.s32 $0x8100;
	[smem:$0x7FF] =	sst s3  }
0xa: {  	s16 =	simm.s32 $0x8900;
	_ =	strace $0x80000047;
	[dreg:$0x6] =	wrdreg s19  }
0xb: {  	s17 =	simm.s32 $0x9100;
	s28 =	simm.s32 $0xE100;
	[dreg:$0x7] =	wrdreg s20  }
0xc: {  	s29 =	simm.s32 $0xE900;
	s30 =	simm.s32 $0xF100;
	[dreg:$0x8] =	wrdreg s21  }
0xd: {  	s31 =	simm.s32 $0xF900;
	s6 =	sshll.u32 s0, $0x9;
	[dreg:$0x9] =	wrdreg s23  }
0xe: {  	s7 =	sshll.u32 s4, $0x8;
	s4 =	ssub.s32 $0x2, s4;
	[dreg:$0xa] =	wrdreg s24  }
0xf: {  	s6 =	sor.u32 s7, s6;
	s22 =	sshrl.u32 s4, $0x1;
	[dreg:$0xb] =	wrdreg s25  }
0x10: {  	[dreg:$0xc] =	wrdreg s26;
	s19 =	simm.s32 $0xA100;
	s20 =	simm.s32 $0xA900  }
0x11: {  	s21 =	simm.s32 $0xB100;
	s23 =	simm.s32 $0xC100;
	s24 =	simm.s32 $0xC900  }
0x12: {  	s25 =	simm.s32 $0xD100;
	s26 =	simm.s32 $0xD900;
	s7 =	sshrl.u32 s6, $0x3  }
0x13: {  	s6 =	sshll.u32 s6, $0x5;
	s4 =	ssub.s32 s4, s22;
	s22 =	simm.s32 $0xB900  }
0x14: {  	v2 =	vlaneseq.u32;
	s1 =	sadd.s32 s1, s7;
	s18 =	sadd.s32 s5, s6;
	s4 =	smax.u32 s4, $0x1  }
0x15: {  	vm0 =	vmmov $0xffff;
	v1 =	vshrl.u32 v2, $0x3;
	s5 =	simm.s32 $0x2;
	s6 =	simm.s32 $0x100;
	[dreg:$0x4] =	wrdreg s1  }
0x16: {  	v0 =	vand.u32 $0x7, v2;
	v2 =	vor.u32 $0x8, v2;
	v1 =	vmul.u32 $0x8, v1;
	[dreg:$0x5] =	wrdreg s18;
	s18 =	simm.s32 $0x9900;
	s1 =	simm.s32 $0x1  }
.LBB2_1:
0x17: {  	s0 =	rddreg [dreg:$0x4]  }
0x18: {  	[tilespmem:s3], [sflag:$0x2] =	stream.linear.gather [hbm4b:s0+s3], $0x100, $0x38;
	[tilespmem:$0x10100] =	vst v63  }
0x19: {  	_ =	swait.ge [sflag:s5], $0x100  }
0x1a: {  	[sflag:s5] =	ssyncset.done $0x0  }
0x1b: {  	[sflag:s5] =	ssyncadd.s32 $0xFFFFFF00  }
0x1c: {  	v3 =	vld [tilespmem:$0x0];
	_ =	sdelay $0x4  }
0x1d: {  	v4 =	vshll.u32 v3, $0x1  }
0x1e: {  	v3 =	vand.u32 $0x7, v3;
	v4 =	vand.u32 $0xFFFFFFF0, v4  }
0x1f: {  	v3 =	vor.u32 v3, v4  }
0x20: {  	v4 =	vperm.xlane v3, v0;
	_ =	sdelay $0x1  }
0x21: {  	v3 =	vperm.xlane v3, v2;
	v4 =	vadd.s32 v1, v4;
	_ =	sdelay $0x1  }
0x22: {  	v3 =	vadd.s32 v1, v3;
	_ =	sdelay $0x2  }
0x23: {  	[tilespmem:s6], [sflag:$0x1] =	stream.indirect_vreg.gather [hbm4b:s2+s3], $0x80, v4, vm0, $0xb8;
	[tilespmem:$0x10100] =	vst v63  }
0x24: {  	s7 =	rddreg [dreg:$0x6]  }
0x25: {  	[tilespmem:s7], [sflag:$0x1] =	stream.indirect_vreg.gather [hbm4b:s2+s3], $0x80, v3, vm0, $0xb8;
	[tilespmem:$0x10100] =	vst v63  }
0x26: {  	v3 =	vld [tilespmem:$0x10];
	_ =	sdelay $0x4  }
0x27: {  	v49 =	vshll.u32 v3, $0x1  }
0x28: {  	v3 =	vand.u32 $0x7, v3;
	v4 =	vand.u32 $0xFFFFFFF0, v49  }
0x29: {  	v3 =	vor.u32 v3, v4  }
0x2a: {  	v4 =	vperm.xlane v3, v0;
	_ =	sdelay $0x1  }
0x2b: {  	v3 =	vperm.xlane v3, v2;
	v4 =	vadd.s32 v1, v4;
	_ =	sdelay $0x1  }
0x2c: {  	v3 =	vadd.s32 v1, v3;
	_ =	sdelay $0x1  }
0x2d: {  	s0 =	rddreg [dreg:$0x7]  }
0x2e: {  	[tilespmem:s0], [sflag:$0x1] =	stream.indirect_vreg.gather [hbm4b:s2+s3], $0x80, v4, vm0, $0xb8;
	[tilespmem:$0x10100] =	vst v63  }
0x2f: {  	s7 =	rddreg [dreg:$0x8]  }
0x30: {  	[tilespmem:s7], [sflag:$0x1] =	stream.indirect_vreg.gather [hbm4b:s2+s3], $0x80, v3, vm0, $0xb8;
	[tilespmem:$0x10100] =	vst v63  }
0x31: {  	v3 =	vld [tilespmem:$0x20];
	_ =	sdelay $0x4  }
0x32: {  	v50 =	vshll.u32 v3, $0x1  }
0x33: {  	v3 =	vand.u32 $0x7, v3;
	v4 =	vand.u32 $0xFFFFFFF0, v50  }
0x34: {  	v3 =	vor.u32 v3, v4  }
0x35: {  	v4 =	vperm.xlane v3, v0;
	_ =	sdelay $0x1  }
0x36: {  	v3 =	vperm.xlane v3, v2;
	v4 =	vadd.s32 v1, v4;
	_ =	sdelay $0x1  }
0x37: {  	v3 =	vadd.s32 v1, v3;
	_ =	sdelay $0x1  }
0x38: {  	s0 =	rddreg [dreg:$0x9]  }
0x39: {  	[tilespmem:s0], [sflag:$0x1] =	stream.indirect_vreg.gather [hbm4b:s2+s3], $0x80, v4, vm0, $0xb8;
	[tilespmem:$0x10100] =	vst v63  }
0x3a: {  	s7 =	rddreg [dreg:$0xa]  }
0x3b: {  	[tilespmem:s7], [sflag:$0x1] =	stream.indirect_vreg.gather [hbm4b:s2+s3], $0x80, v3, vm0, $0xb8;
	[tilespmem:$0x10100] =	vst v63  }
0x3c: {  	v3 =	vld [tilespmem:$0x30];
	_ =	sdelay $0x4  }
0x3d: {  	v51 =	vshll.u32 v3, $0x1  }
0x3e: {  	v3 =	vand.u32 $0x7, v3;
	v4 =	vand.u32 $0xFFFFFFF0, v51  }
0x3f: {  	v3 =	vor.u32 v3, v4  }
0x40: {  	v4 =	vperm.xlane v3, v0;
	_ =	sdelay $0x1  }
0x41: {  	v3 =	vperm.xlane v3, v2;
	v4 =	vadd.s32 v1, v4;
	_ =	sdelay $0x1  }
0x42: {  	v3 =	vadd.s32 v1, v3;
	_ =	sdelay $0x1  }
0x43: {  	s0 =	rddreg [dreg:$0xb]  }
0x44: {  	[tilespmem:s0], [sflag:$0x1] =	stream.indirect_vreg.gather [hbm4b:s2+s3], $0x80, v4, vm0, $0xb8;
	[tilespmem:$0x10100] =	vst v63  }
0x45: {  	s7 =	rddreg [dreg:$0xc]  }
0x46: {  	[tilespmem:s7], [sflag:$0x1] =	stream.indirect_vreg.gather [hbm4b:s2+s3], $0x80, v3, vm0, $0xb8;
	[tilespmem:$0x10100] =	vst v63  }
0x47: {  	v3 =	vld [tilespmem:$0x40];
	_ =	sdelay $0x4  }
0x48: {  	v52 =	vshll.u32 v3, $0x1  }
0x49: {  	v3 =	vand.u32 $0x7, v3;
	v4 =	vand.u32 $0xFFFFFFF0, v52  }
0x4a: {  	v3 =	vor.u32 v3, v4  }
0x4b: {  	v4 =	vperm.xlane v3, v0;
	_ =	sdelay $0x1  }
0x4c: {  	v3 =	vperm.xlane v3, v2;
	v4 =	vadd.s32 v1, v4;
	_ =	sdelay $0x1  }
0x4d: {  	v3 =	vadd.s32 v1, v3;
	_ =	sdelay $0x1  }
0x4e: {  	s7 =	simm.s32 $0x4100  }
0x4f: {  	[tilespmem:s7], [sflag:$0x1] =	stream.indirect_vreg.gather [hbm4b:s2+s3], $0x80, v4, vm0, $0xb8;
	[tilespmem:$0x10100] =	vst v63  }
0x50: {  	_ = 	snop  }
0x51: {  	[tilespmem:s8], [sflag:$0x1] =	stream.indirect_vreg.gather [hbm4b:s2+s3], $0x80, v3, vm0, $0xb8;
	[tilespmem:$0x10100] =	vst v63  }
0x52: {  	v3 =	vld [tilespmem:$0x50];
	_ =	sdelay $0x4  }
0x53: {  	v53 =	vshll.u32 v3, $0x1  }
0x54: {  	v3 =	vand.u32 $0x7, v3;
	v4 =	vand.u32 $0xFFFFFFF0, v53  }
0x55: {  	v3 =	vor.u32 v3, v4  }
0x56: {  	v4 =	vperm.xlane v3, v0;
	_ =	sdelay $0x1  }
0x57: {  	v3 =	vperm.xlane v3, v2;
	v4 =	vadd.s32 v1, v4;
	_ =	sdelay $0x1  }
0x58: {  	v3 =	vadd.s32 v1, v3;
	_ =	sdelay $0x2  }
0x59: {  	[tilespmem:s9], [sflag:$0x1] =	stream.indirect_vreg.gather [hbm4b:s2+s3], $0x80, v4, vm0, $0xb8;
	[tilespmem:$0x10100] =	vst v63  }
0x5a: {  	_ = 	snop  }
0x5b: {  	[tilespmem:s10], [sflag:$0x1] =	stream.indirect_vreg.gather [hbm4b:s2+s3], $0x80, v3, vm0, $0xb8;
	[tilespmem:$0x10100] =	vst v63  }
0x5c: {  	v3 =	vld [tilespmem:$0x60];
	_ =	sdelay $0x4  }
0x5d: {  	v54 =	vshll.u32 v3, $0x1  }
0x5e: {  	v3 =	vand.u32 $0x7, v3;
	v4 =	vand.u32 $0xFFFFFFF0, v54  }
0x5f: {  	v3 =	vor.u32 v3, v4  }
0x60: {  	v4 =	vperm.xlane v3, v0;
	_ =	sdelay $0x1  }
0x61: {  	v3 =	vperm.xlane v3, v2;
	v4 =	vadd.s32 v1, v4;
	_ =	sdelay $0x1  }
0x62: {  	v3 =	vadd.s32 v1, v3;
	_ =	sdelay $0x2  }
0x63: {  	[tilespmem:s11], [sflag:$0x1] =	stream.indirect_vreg.gather [hbm4b:s2+s3], $0x80, v4, vm0, $0xb8;
	[tilespmem:$0x10100] =	vst v63  }
0x64: {  	_ = 	snop  }
0x65: {  	[tilespmem:s12], [sflag:$0x1] =	stream.indirect_vreg.gather [hbm4b:s2+s3], $0x80, v3, vm0, $0xb8;
	[tilespmem:$0x10100] =	vst v63  }
0x66: {  	v3 =	vld [tilespmem:$0x70];
	_ =	sdelay $0x4  }
0x67: {  	v55 =	vshll.u32 v3, $0x1  }
0x68: {  	v3 =	vand.u32 $0x7, v3;
	v4 =	vand.u32 $0xFFFFFFF0, v55  }
0x69: {  	v3 =	vor.u32 v3, v4  }
0x6a: {  	v4 =	vperm.xlane v3, v0;
	_ =	sdelay $0x1  }
0x6b: {  	v3 =	vperm.xlane v3, v2;
	v4 =	vadd.s32 v1, v4;
	_ =	sdelay $0x1  }
0x6c: {  	v3 =	vadd.s32 v1, v3;
	_ =	sdelay $0x2  }
0x6d: {  	[tilespmem:s13], [sflag:$0x1] =	stream.indirect_vreg.gather [hbm4b:s2+s3], $0x80, v4, vm0, $0xb8;
	[tilespmem:$0x10100] =	vst v63  }
0x6e: {  	_ = 	snop  }
0x6f: {  	[tilespmem:s14], [sflag:$0x1] =	stream.indirect_vreg.gather [hbm4b:s2+s3], $0x80, v3, vm0, $0xb8;
	[tilespmem:$0x10100] =	vst v63  }
0x70: {  	v3 =	vld [tilespmem:$0x80];
	_ =	sdelay $0x4  }
0x71: {  	v56 =	vshll.u32 v3, $0x1  }
0x72: {  	v3 =	vand.u32 $0x7, v3;
	v4 =	vand.u32 $0xFFFFFFF0, v56  }
0x73: {  	v3 =	vor.u32 v3, v4  }
0x74: {  	v4 =	vperm.xlane v3, v0;
	_ =	sdelay $0x1  }
0x75: {  	v3 =	vperm.xlane v3, v2;
	v4 =	vadd.s32 v1, v4;
	_ =	sdelay $0x1  }
0x76: {  	v3 =	vadd.s32 v1, v3;
	_ =	sdelay $0x2  }
0x77: {  	[tilespmem:s15], [sflag:$0x1] =	stream.indirect_vreg.gather [hbm4b:s2+s3], $0x80, v4, vm0, $0xb8;
	[tilespmem:$0x10100] =	vst v63  }
0x78: {  	_ = 	snop  }
0x79: {  	[tilespmem:s16], [sflag:$0x1] =	stream.indirect_vreg.gather [hbm4b:s2+s3], $0x80, v3, vm0, $0xb8;
	[tilespmem:$0x10100] =	vst v63  }
0x7a: {  	v3 =	vld [tilespmem:$0x90];
	_ =	sdelay $0x4  }
0x7b: {  	v57 =	vshll.u32 v3, $0x1  }
0x7c: {  	v3 =	vand.u32 $0x7, v3;
	v4 =	vand.u32 $0xFFFFFFF0, v57  }
0x7d: {  	v3 =	vor.u32 v3, v4  }
0x7e: {  	v4 =	vperm.xlane v3, v0;
	_ =	sdelay $0x1  }
0x7f: {  	v3 =	vperm.xlane v3, v2;
	v4 =	vadd.s32 v1, v4;
	_ =	sdelay $0x1  }
0x80: {  	v3 =	vadd.s32 v1, v3;
	_ =	sdelay $0x2  }
0x81: {  	[tilespmem:s17], [sflag:$0x1] =	stream.indirect_vreg.gather [hbm4b:s2+s3], $0x80, v4, vm0, $0xb8;
	[tilespmem:$0x10100] =	vst v63  }
0x82: {  	_ = 	snop  }
0x83: {  	[tilespmem:s18], [sflag:$0x1] =	stream.indirect_vreg.gather [hbm4b:s2+s3], $0x80, v3, vm0, $0xb8;
	[tilespmem:$0x10100] =	vst v63  }
0x84: {  	v3 =	vld [tilespmem:$0xA0];
	_ =	sdelay $0x4  }
0x85: {  	v58 =	vshll.u32 v3, $0x1  }
0x86: {  	v3 =	vand.u32 $0x7, v3;
	v4 =	vand.u32 $0xFFFFFFF0, v58  }
0x87: {  	v3 =	vor.u32 v3, v4  }
0x88: {  	v4 =	vperm.xlane v3, v0;
	_ =	sdelay $0x1  }
0x89: {  	v3 =	vperm.xlane v3, v2;
	v4 =	vadd.s32 v1, v4;
	_ =	sdelay $0x1  }
0x8a: {  	v3 =	vadd.s32 v1, v3;
	_ =	sdelay $0x2  }
0x8b: {  	[tilespmem:s19], [sflag:$0x1] =	stream.indirect_vreg.gather [hbm4b:s2+s3], $0x80, v4, vm0, $0xb8;
	[tilespmem:$0x10100] =	vst v63  }
0x8c: {  	_ = 	snop  }
0x8d: {  	[tilespmem:s20], [sflag:$0x1] =	stream.indirect_vreg.gather [hbm4b:s2+s3], $0x80, v3, vm0, $0xb8;
	[tilespmem:$0x10100] =	vst v63  }
0x8e: {  	v3 =	vld [tilespmem:$0xB0];
	_ =	sdelay $0x4  }
0x8f: {  	v59 =	vshll.u32 v3, $0x1  }
0x90: {  	v3 =	vand.u32 $0x7, v3;
	v4 =	vand.u32 $0xFFFFFFF0, v59  }
0x91: {  	v3 =	vor.u32 v3, v4  }
0x92: {  	v4 =	vperm.xlane v3, v0;
	_ =	sdelay $0x1  }
0x93: {  	v3 =	vperm.xlane v3, v2;
	v4 =	vadd.s32 v1, v4;
	_ =	sdelay $0x1  }
0x94: {  	v3 =	vadd.s32 v1, v3;
	_ =	sdelay $0x2  }
0x95: {  	[tilespmem:s21], [sflag:$0x1] =	stream.indirect_vreg.gather [hbm4b:s2+s3], $0x80, v4, vm0, $0xb8;
	[tilespmem:$0x10100] =	vst v63  }
0x96: {  	_ = 	snop  }
0x97: {  	[tilespmem:s22], [sflag:$0x1] =	stream.indirect_vreg.gather [hbm4b:s2+s3], $0x80, v3, vm0, $0xb8;
	[tilespmem:$0x10100] =	vst v63  }
0x98: {  	v3 =	vld [tilespmem:$0xC0];
	_ =	sdelay $0x4  }
0x99: {  	v60 =	vshll.u32 v3, $0x1  }
0x9a: {  	v3 =	vand.u32 $0x7, v3;
	v4 =	vand.u32 $0xFFFFFFF0, v60  }
0x9b: {  	v3 =	vor.u32 v3, v4  }
0x9c: {  	v4 =	vperm.xlane v3, v0;
	_ =	sdelay $0x1  }
0x9d: {  	v3 =	vperm.xlane v3, v2;
	v4 =	vadd.s32 v1, v4;
	_ =	sdelay $0x1  }
0x9e: {  	v3 =	vadd.s32 v1, v3;
	_ =	sdelay $0x2  }
0x9f: {  	[tilespmem:s23], [sflag:$0x1] =	stream.indirect_vreg.gather [hbm4b:s2+s3], $0x80, v4, vm0, $0xb8;
	[tilespmem:$0x10100] =	vst v63  }
0xa0: {  	_ = 	snop  }
0xa1: {  	[tilespmem:s24], [sflag:$0x1] =	stream.indirect_vreg.gather [hbm4b:s2+s3], $0x80, v3, vm0, $0xb8;
	[tilespmem:$0x10100] =	vst v63  }
0xa2: {  	v3 =	vld [tilespmem:$0xD0];
	_ =	sdelay $0x4  }
0xa3: {  	v61 =	vshll.u32 v3, $0x1  }
0xa4: {  	v3 =	vand.u32 $0x7, v3;
	v4 =	vand.u32 $0xFFFFFFF0, v61  }
0xa5: {  	v3 =	vor.u32 v3, v4  }
0xa6: {  	v4 =	vperm.xlane v3, v0;
	_ =	sdelay $0x1  }
0xa7: {  	v3 =	vperm.xlane v3, v2;
	v4 =	vadd.s32 v1, v4;
	_ =	sdelay $0x1  }
0xa8: {  	v3 =	vadd.s32 v1, v3;
	_ =	sdelay $0x2  }
0xa9: {  	[tilespmem:s25], [sflag:$0x1] =	stream.indirect_vreg.gather [hbm4b:s2+s3], $0x80, v4, vm0, $0xb8;
	[tilespmem:$0x10100] =	vst v63  }
0xaa: {  	_ = 	snop  }
0xab: {  	[tilespmem:s26], [sflag:$0x1] =	stream.indirect_vreg.gather [hbm4b:s2+s3], $0x80, v3, vm0, $0xb8;
	[tilespmem:$0x10100] =	vst v63  }
0xac: {  	v3 =	vld [tilespmem:$0xE0];
	_ =	sdelay $0x4  }
0xad: {  	v62 =	vshll.u32 v3, $0x1  }
0xae: {  	v3 =	vand.u32 $0x7, v3;
	v4 =	vand.u32 $0xFFFFFFF0, v62  }
0xaf: {  	v3 =	vor.u32 v3, v4  }
0xb0: {  	v4 =	vperm.xlane v3, v0;
	_ =	sdelay $0x1  }
0xb1: {  	v3 =	vperm.xlane v3, v2;
	v4 =	vadd.s32 v1, v4;
	_ =	sdelay $0x1  }
0xb2: {  	v3 =	vadd.s32 v1, v3;
	_ =	sdelay $0x2  }
0xb3: {  	[tilespmem:s28], [sflag:$0x1] =	stream.indirect_vreg.gather [hbm4b:s2+s3], $0x80, v4, vm0, $0xb8;
	[tilespmem:$0x10100] =	vst v63  }
0xb4: {  	_ = 	snop  }
0xb5: {  	[tilespmem:s29], [sflag:$0x1] =	stream.indirect_vreg.gather [hbm4b:s2+s3], $0x80, v3, vm0, $0xb8;
	[tilespmem:$0x10100] =	vst v63  }
0xb6: {  	v3 =	vld [tilespmem:$0xF0];
	_ =	sdelay $0x4  }
0xb7: {  	v63 =	vshll.u32 v3, $0x1  }
0xb8: {  	v3 =	vand.u32 $0x7, v3;
	v4 =	vand.u32 $0xFFFFFFF0, v63  }
0xb9: {  	v3 =	vor.u32 v3, v4  }
0xba: {  	v4 =	vperm.xlane v3, v0;
	_ =	sdelay $0x1  }
0xbb: {  	v3 =	vperm.xlane v3, v2;
	v4 =	vadd.s32 v1, v4;
	_ =	sdelay $0x1  }
0xbc: {  	v3 =	vadd.s32 v1, v3;
	_ =	sdelay $0x2  }
0xbd: {  	[tilespmem:s30], [sflag:$0x1] =	stream.indirect_vreg.gather [hbm4b:s2+s3], $0x80, v4, vm0, $0xb8;
	[tilespmem:$0x10100] =	vst v63  }
0xbe: {  	_ = 	snop  }
0xbf: {  	[tilespmem:s31], [sflag:$0x1] =	stream.indirect_vreg.gather [hbm4b:s2+s3], $0x80, v3, vm0, $0xb8;
	[tilespmem:$0x10100] =	vst v63  }
0xc0: {  	_ =	swait.ge [sflag:s1], $0x10000  }
0xc1: {  	p0 =	sne.s32 s4, $0x1;
	[sflag:s1] =	ssyncset.done $0x0  }
.Ltmp0:
0xc2: {  	s7 =	rddreg [dreg:$0x5];
	[sflag:s1] =	ssyncadd.s32 $0xFFFF0000;
	(pc) =	sbr.rel @p0 .LBB2_1-.Ltmp0, $4  }
0xc3: {  	[hbm4b:s7+s3] =	stream.linear.scatter [tilespmem:s6], [sflag:$0x2], $0x10000, $0x38;
	[tilespmem:$0x10100] =	vst v63  }
0xc4: {  	_ =	swait.ge [sflag:s5], $0x10000  }
0xc5: {  	[sflag:s5] =	ssyncset.done $0x0  }
0xc6: {  	s4 =	sadd.s32 $0xFFFFFFFF, s4;
	[sflag:s5] =	ssyncadd.s32 $0xFFFF0000  }
0xc7: {  	_ =	sfence.sel $0x180000  }
0xc8: {  	[bflag:$0x0] =	sbarrier.arrive $0xFFFF  }
0xc9: {  	_ =	strace $0x90000047  }
0xca: {  	s0 =	stileid.u32;
	[bflag:$0x2] =	sbarrier.arrive $0xFFFF  }
0xcb: {  	p0 =	sne.s32 s0, $0x0;
	s0 =	rddreg [dreg:$0x3]  }
0xcc: {  	s0 =	sadd.s32 @!p0 $0x100000, s0  }
0xcd: {  	[sflag:s0] =	ssyncadd.tile.s32 @!p0 $0x1;
	_ =	shalt  }
.Lfunc_end2:
_tile_overlayer_lowered:
.L_overlay_start_2:
0xce: {  	(tag) =	ssettag $0x2  }
0xcf: {  	s0 =	rddreg [dreg:$0x0];
	s2 =	stileid.u32  }
0xd0: {  	s1 =	rddreg [dreg:$0x1];
	p0 =	sne.s32 s2, $0x0  }
0xd1: {  	s3 =	rddreg [dreg:$0x2];
	[bflag:$0x3] =	sbarrier.arrive $0xFFFF;
	s2 =	simm.s32 @!p0 $0x1C02  }
0xd2: {  	[timem:s3], [sflag:s2] =	dma.local @!p0 [hbm:s0], s1  }
0xd3: {  	s0 =	simm.s32 @!p0 $0x2  }
0xd4: {  	_ =	swait.ge @!p0 [sflag:s0], s1  }
0xd5: {  	s1 =	ssub.s32 @!p0 $0x0, s1;
	[sflag:s0] =	ssyncset.done @!p0 $0x0  }
0xd6: {  	[sflag:s0] =	ssyncadd.s32 @!p0 s1  }
0xd7: {  	[bflag:$0x3] =	sbarrier.arrive $0xFFFF  }
0xd8: {  	_ =	shalt  }

</sc_bundles>
